<compile_context>
chip_gen: v7x
topology: tpu7x:2x2x1
jax: 0.10.2.dev20260603
libtpu: 0.0.44.dev20260713+nightly
codegen_flags: <defaults>
</compile_context>

<pallas_src>
import math

import jax
import jax.numpy as jnp
from jax import lax
from jax.experimental import pallas as pl
from jax.experimental.pallas import tpu as pltpu
from jax.experimental.pallas import tpu_sc as plsc

K = 30
KP = 32
OUT_CHANNELS = 50
B, P = 16, 2048
N = B * P
RT = 512
TPC = P // RT
FT = 512
INV_S = 1.0 / math.sqrt(1.0 + 1e-5)

DW = 128
NC, NS = 2, 16
NW = NC * NS
E = N * KP
PER_W = E // NW
IW = 128
SUBG = 2
GR = SUBG * IW
NG = PER_W // GR
NROW = PER_W // IW



CT = 5
CC = 128
CG = P // CC
NCAND = CT * CC


def _full_extract(d2, kcol):
    col = lax.broadcasted_iota(jnp.int32, (RT, P), 1)
    inf = jnp.float32(jnp.inf)

    def step(k, carry):
        d2m, acc = carry
        m = jnp.min(d2m, axis=1, keepdims=True)
        am = jnp.min(jnp.where(d2m <= m, col, P), axis=1, keepdims=True)
        acc = jnp.where(kcol == k, am, acc)
        d2m = jnp.where(col == am, inf, d2m)
        return d2m, acc

    _, acc = lax.fori_loop(0, K, step, (d2, jnp.zeros((RT, KP), jnp.int32)))
    return acc


def _knn_body(xr_ref, xf_ref, wd_ref, wb_ref, b1_ref, idx_ref, a_ref, bf_ref):
    xf = xf_ref[...]
    ss = jnp.sum(xf * xf, axis=1, keepdims=True)
    y = jnp.concatenate([xf, ss], axis=1)
    xr = xr_ref[...]
    zr = jnp.concatenate([-2.0 * xr, jnp.ones((RT, 1), jnp.float32)], axis=1)
    d2 = lax.dot_general(zr, y, (((1,), (1,)), ((), ())),
                         preferred_element_type=jnp.float32)
    kcol = lax.broadcasted_iota(jnp.int32, (RT, KP), 1)
    inf = jnp.float32(jnp.inf)

    d2v = d2.reshape(RT, CG, CC)
    giota = lax.broadcasted_iota(jnp.int32, (RT, CG, CC), 1)

    def chunk_min(dflat, gflat):
        v, g = dflat, gflat
        w = P
        while w > CC:
            w //= 2
            vl, vr = v[:, :w], v[:, w:]
            gl, gr = g[:, :w], g[:, w:]
            take_l = vl <= vr
            v = jnp.where(take_l, vl, vr)
            g = jnp.where(take_l, gl, gr)
        return v, g

    vals, gsel = [], []
    d2f = d2
    gf = giota.reshape(RT, P)
    for _t in range(CT):
        mc, amg = chunk_min(d2f, gf)
        vals.append(mc.reshape(RT, 1, CC))
        gsel.append(amg.reshape(RT, 1, CC))
        if _t < CT - 1:
            amg_flat = jnp.concatenate([amg] * CG, axis=1)
            d2f = jnp.where(gf == amg_flat, inf, d2f)
    cv = jnp.concatenate(vals, axis=1).reshape(RT, NCAND)
    cg = jnp.concatenate(gsel, axis=1).reshape(RT, NCAND)
    labs = lax.broadcasted_iota(jnp.int32, (RT, CT, CC), 2).reshape(RT, NCAND)
    cc_abs = cg * CC + labs

    siota = lax.broadcasted_iota(jnp.int32, (RT, NCAND), 1)

    def step(k, carry):
        cvm, acc = carry
        m = jnp.min(cvm, axis=1, keepdims=True)
        slot = jnp.min(jnp.where(cvm <= m, siota, NCAND), axis=1,
                       keepdims=True)
        hit = siota == slot
        am = jnp.sum(jnp.where(hit, cc_abs, 0), axis=1, keepdims=True)
        acc = jnp.where(kcol == k, am, acc)
        cvm = jnp.where(hit, inf, cvm)
        return cvm, acc

    cvm, acc = lax.fori_loop(0, K, step,
                             (cv, jnp.zeros((RT, KP), jnp.int32)))

    exhausted = jnp.all(jnp.isinf(cvm.reshape(RT, CT, CC)), axis=1)
    need_exact = jnp.any(jnp.sum(jnp.where(exhausted, 1, 0)) > 0)
    acc = lax.cond(need_exact, lambda: _full_extract(d2, kcol), lambda: acc)

    acc = jnp.where(kcol >= K, acc[:, 0:1], acc)
    base = (pl.program_id(0) // TPC) * P
    idx_ref[...] = acc + base

    a_ref[...] = jnp.dot(xr, wd_ref[...],
                         preferred_element_type=jnp.float32) + b1_ref[...]
    bf_ref[...] = jnp.dot(xr, wb_ref[...], preferred_element_type=jnp.float32)


def _knn_pre(x, wd, wb, b1):
    d = x.shape[1]
    return pl.pallas_call(
        _knn_body,
        grid=(N // RT,),
        in_specs=[
            pl.BlockSpec((RT, d), lambda t: (t, 0)),
            pl.BlockSpec((P, d), lambda t: (t // TPC, 0)),
            pl.BlockSpec((d, 64), lambda t: (0, 0)),
            pl.BlockSpec((d, DW), lambda t: (0, 0)),
            pl.BlockSpec((1, 64), lambda t: (0, 0)),
        ],
        out_specs=[
            pl.BlockSpec((RT, KP), lambda t: (t, 0)),
            pl.BlockSpec((RT, 64), lambda t: (t, 0)),
            pl.BlockSpec((RT, DW), lambda t: (t, 0)),
        ],
        out_shape=[
            jax.ShapeDtypeStruct((N, KP), jnp.int32),
            jax.ShapeDtypeStruct((N, 64), jnp.float32),
            jax.ShapeDtypeStruct((N, DW), jnp.float32),
        ],
    )(x, x, wd, wb, b1)



def _gather_body(tbl_hbm, idx_hbm, out_hbm, idx_v, rows_a, rows_b, sem_a, sem_b):
    cid = lax.axis_index("c")
    sid = lax.axis_index("s")
    wid = sid * NC + cid
    pltpu.sync_copy(idx_hbm.at[wid], idx_v)

    def fire(g, buf, sem):
        for j in range(SUBG):
            pltpu.async_copy(tbl_hbm.at[idx_v.at[g * SUBG + j]],
                             buf.at[pl.ds(j * IW, IW)], sem)

    def drain(g, buf, sem):
        for j in range(SUBG):
            pltpu.make_async_copy(tbl_hbm.at[idx_v.at[g * SUBG + j]],
                                  buf.at[pl.ds(j * IW, IW)], sem).wait()

    fire(0, rows_a, sem_a)

    def body(t, carry):
        g0 = 2 * t
        g1 = g0 + 1
        fire(g1, rows_b, sem_b)
        drain(g0, rows_a, sem_a)
        pltpu.sync_copy(rows_a, out_hbm.at[wid, g0])

        @pl.when(t < (NG // 2 - 1))
        def _():
            fire(g0 + 2, rows_a, sem_a)

        drain(g1, rows_b, sem_b)
        pltpu.sync_copy(rows_b, out_hbm.at[wid, g1])
        return carry

    lax.fori_loop(0, NG // 2, body, 0)


def _sc_gather(tbl, idx_flat):
    idx3 = idx_flat.reshape(NW, NROW, IW)
    mesh = plsc.VectorSubcoreMesh(core_axis_name="c", subcore_axis_name="s")
    out = pl.kernel(
        _gather_body,
        out_type=jax.ShapeDtypeStruct((NW, NG, GR, DW), jnp.float32),
        mesh=mesh,
        scratch_types=[
            pltpu.VMEM((NROW, IW), jnp.int32),
            pltpu.VMEM((GR, DW), jnp.float32),
            pltpu.VMEM((GR, DW), jnp.float32),
            pltpu.SemaphoreType.DMA,
            pltpu.SemaphoreType.DMA,
        ],
    )(tbl, idx3)
    return out.reshape(N, KP, DW)



def _agg_body(a_ref, g_ref, w2_ref, b2_ref, s2_ref, be2_ref, out_ref):
    a = a_ref[...]
    g = g_ref[:, :, :64]
    h1 = jnp.maximum(a[:, None, :] + g, 0.0).reshape(RT * KP, 64)
    h2 = jnp.maximum(
        jnp.dot(h1, w2_ref[...], preferred_element_type=jnp.float32)
        + b2_ref[...], 0.0)
    a2 = h2 * s2_ref[...] + be2_ref[...]
    out_ref[...] = jnp.max(a2.reshape(RT, KP, 64), axis=1)


def _edge_agg(a, g3, w2, b2, s2, be2):
    return pl.pallas_call(
        _agg_body,
        grid=(N // RT,),
        in_specs=[
            pl.BlockSpec((RT, 64), lambda t: (t, 0)),
            pl.BlockSpec((RT, KP, DW), lambda t: (t, 0, 0)),
            pl.BlockSpec((64, 64), lambda t: (0, 0)),
            pl.BlockSpec((1, 64), lambda t: (0, 0)),
            pl.BlockSpec((1, 64), lambda t: (0, 0)),
            pl.BlockSpec((1, 64), lambda t: (0, 0)),
        ],
        out_specs=pl.BlockSpec((RT, 64), lambda t: (t, 0)),
        out_shape=jax.ShapeDtypeStruct((N, 64), jnp.float32),
    )(a, g3, w2, b2, s2, be2)



def _final_body(x1_ref, x2_ref, x3_ref, w0, b0, w1, b1, w2, b2, w3, b3, out_ref):
    h = jnp.concatenate([x1_ref[...], x2_ref[...], x3_ref[...]], axis=1)
    h = jnp.maximum(jnp.dot(h, w0[...], preferred_element_type=jnp.float32) + b0[...], 0.0)
    h = jnp.maximum(jnp.dot(h, w1[...], preferred_element_type=jnp.float32) + b1[...], 0.0)
    h = jnp.maximum(jnp.dot(h, w2[...], preferred_element_type=jnp.float32) + b2[...], 0.0)
    h = jnp.dot(h, w3[...], preferred_element_type=jnp.float32) + b3[...]
    m = jnp.max(h, axis=1, keepdims=True)
    e = h - m
    lse = jnp.log(jnp.sum(jnp.exp(e), axis=1, keepdims=True))
    out_ref[...] = e - lse


def _final_mlp(x1, x2, x3, mlp):
    (w0, b0), (w1, b1), (w2, b2), (w3, b3) = mlp
    args = [x1, x2, x3,
            w0, b0.reshape(1, -1), w1, b1.reshape(1, -1),
            w2, b2.reshape(1, -1), w3, b3.reshape(1, -1)]
    in_specs = [pl.BlockSpec((FT, 64), lambda t: (t, 0))] * 3
    for wgt, bia in ((w0, b0), (w1, b1), (w2, b2), (w3, b3)):
        in_specs.append(pl.BlockSpec(wgt.shape, lambda t: (0, 0)))
        in_specs.append(pl.BlockSpec((1, bia.shape[0]), lambda t: (0, 0)))
    return pl.pallas_call(
        _final_body,
        grid=(N // FT,),
        in_specs=in_specs,
        out_specs=pl.BlockSpec((FT, OUT_CHANNELS), lambda t: (t, 0)),
        out_shape=jax.ShapeDtypeStruct((N, OUT_CHANNELS), jnp.float32),
    )(*args)



def _fold_conv(layers):
    (w1, b1, g1, be1), (w2, b2, g2, be2) = layers
    d = w1.shape[0] // 2
    wtop, wbot = w1[:d], w1[d:]
    wd = wtop - wbot
    wbot = jnp.concatenate(
        [wbot, jnp.zeros((d, DW - 64), jnp.float32)], axis=1)
    s1 = g1 * INV_S
    w2p = s1[:, None] * w2
    b2p = be1 @ w2 + b2
    s2 = g2 * INV_S
    return (wd, wbot, b1.reshape(1, 64), w2p, b2p.reshape(1, 64),
            s2.reshape(1, 64), be2.reshape(1, 64))


def _conv(x, fold):
    wd, wb, b1, w2p, b2p, s2, be2 = fold
    idx, a, bf = _knn_pre(x, wd, wb, b1)
    g3 = _sc_gather(bf, idx.reshape(E))
    return _edge_agg(a, g3, w2p, b2p, s2, be2)


def kernel(x, pos, params, batch):
    x0 = jnp.concatenate([x, pos], axis=1)
    x1 = _conv(x0, _fold_conv(params['conv1']))
    x2 = _conv(x1, _fold_conv(params['conv2']))
    x3 = _conv(x2, _fold_conv(params['conv3']))
    return _final_mlp(x1, x2, x3, params['mlp'])

# --- scband reference (transcript-rebuilt; emitter-appended) ---
"""Pipeline reference for scband-net-2233382994466 (READ-ONLY COPY).

The authoritative reference and input builder live on the scoring server;
editing this copy changes nothing except your own understanding.
"""

import jax, jax.numpy as jnp
import numpy as np

K = 30
OUT_CHANNELS = 50
B, P = 16, 2048


def _init_bn_mlp(key, channels):
    layers = []
    for i in range(1, len(channels)):
        key, k1 = jax.random.split(key)
        W = jax.random.normal(k1, (channels[i - 1], channels[i]), jnp.float32) * (1.0 / np.sqrt(channels[i - 1]))
        b = jnp.zeros((channels[i],), jnp.float32)
        gamma = jnp.ones((channels[i],), jnp.float32)
        beta = jnp.zeros((channels[i],), jnp.float32)
        layers.append((W, b, gamma, beta))
    return layers, key


def setup_inputs(seed: int = 0):
    key = jax.random.key(seed)
    key, kx, kp = jax.random.split(key, 3)
    x = jax.random.normal(kx, (B * P, 3), jnp.float32)
    pos = jax.random.normal(kp, (B * P, 3), jnp.float32)
    batch = jnp.repeat(jnp.arange(B), P).astype(jnp.int64)
    params = {}
    params['conv1'], key = _init_bn_mlp(key, [12, 64, 64])
    params['conv2'], key = _init_bn_mlp(key, [128, 64, 64])
    params['conv3'], key = _init_bn_mlp(key, [128, 64, 64])
    final = []
    for (cin, cout) in [(192, 1024), (1024, 256), (256, 128), (128, OUT_CHANNELS)]:
        key, kk = jax.random.split(key)
        W = jax.random.normal(kk, (cin, cout), jnp.float32) * (1.0 / np.sqrt(cin))
        bb = jnp.zeros((cout,), jnp.float32)
        final.append((W, bb))
    params['mlp'] = final
    return {"x": x, "pos": pos, "params": params, "batch": batch}


def _mlp_bn(h, layers):
    # Lin -> ReLU -> BatchNorm(eval: running_mean=0, running_var=1)
    for (W, b, g, be) in layers:
        h = jnp.maximum(h @ W + b, 0.0)
        h = g * (h / jnp.sqrt(1.0 + 1e-5)) + be
    return h


def _knn_idx(x):
    # x: [B, P, d] -> idx: [B, P, K] nearest neighbors (euclidean) within each cloud
    sq = jnp.sum(x * x, axis=-1)
    d2 = sq[:, :, None] + sq[:, None, :] - 2.0 * jnp.einsum('bpd,bqd->bpq', x, x)
    _, idx = jax.lax.top_k(-d2, K)
    return idx


def _edge_conv(x, layers):
    # DynamicEdgeConv: knn graph on current features, message MLP([x_i, x_j - x_i]), max aggregation
    idx = _knn_idx(x)
    xj = jax.vmap(lambda xb, ib: xb[ib])(x, idx)  # [B, P, K, d]
    xi = jnp.broadcast_to(x[:, :, None, :], xj.shape)
    msg = jnp.concatenate([xi, xj - xi], axis=-1)
    h = _mlp_bn(msg, layers)
    return jnp.max(h, axis=2)


def reference(x, pos, params, batch):
    x0 = jnp.concatenate([x, pos], axis=-1).reshape(B, P, 6)
    x1 = _edge_conv(x0, params['conv1'])
    x2 = _edge_conv(x1, params['conv2'])
    x3 = _edge_conv(x2, params['conv3'])
    h = jnp.concatenate([x1, x2, x3], axis=-1)
    n_layers = len(params['mlp'])
    for i, (W, b) in enumerate(params['mlp']):
        h = h @ W + b
        if i < n_layers - 1:
            h = jnp.maximum(h, 0.0)  # dropout is identity in eval mode
    out = h.reshape(B * P, OUT_CHANNELS)
    return jax.nn.log_softmax(out, axis=1)

if __name__ == "__main__":
    import jax
    _d = setup_inputs()
    print(jax.jit(kernel)(*tuple(_d.values())))

</pallas_src>

<mosaic_0001>
#map = affine_map<(d0, d1) -> (0, 0)>
#map1 = affine_map<(d0, d1) -> (0, 0, 0)>
#map2 = affine_map<(d0, d1) -> (0, 0, 0, 0)>
module attributes {stable_mosaic.version = 14 : i64} {
  func.func @_gather_body(%arg0: i32, %arg1: i32, %arg2: memref<32768x128xf32, #tpu.memory_space<hbm>>, %arg3: memref<32x256x128xi32, #tpu.memory_space<hbm>>, %arg4: memref<32x128x256x128xf32, #tpu.memory_space<hbm>>, %arg5: memref<256x128xi32, #tpu.memory_space<vmem>>, %arg6: memref<256x128xf32, #tpu.memory_space<vmem>>, %arg7: memref<256x128xf32, #tpu.memory_space<vmem>>, %arg8: memref<!tpu.dma_semaphore, #tpu.memory_space<semaphore_mem>>, %arg9: memref<!tpu.dma_semaphore, #tpu.memory_space<semaphore_mem>>) attributes {dimension_semantics = [#tpu.dimension_semantics<core_parallel>, #tpu.dimension_semantics<subcore_parallel>], iteration_bounds = array<i64: 2, 16>, scalar_prefetch = 0 : i64, scratch_operands = 5 : i64, tpu.core_type = #tpu.core_type<sc_vector_subcore>, window_params = [{transform_indices = #map}, {transform_indices = #map1}, {transform_indices = #map2}]} {
    %mul3A = arith.constant 2 : i32
    %mul3A_0 = arith.muli %arg1, %mul3A : i32
    %add3A = arith.addi %mul3A_0, %arg0 : i32
    "tpu.region"() ({
      %run_scoped3A = tpu.sem_alloc : memref<!tpu.dma_semaphore, #tpu.memory_space<semaphore_mem>>
      %dma_start3A_25 = arith.constant 0 : i32
      %dma_start3A_26 = arith.constant 0 : i32
      %dma_start3A_27 = tpu.memref_slice %arg3[%add3A, %dma_start3A_25, %dma_start3A_26] : memref<32x256x128xi32, #tpu.memory_space<hbm>> -> memref<1x256x128xi32, #tpu.memory_space<hbm>>
      %dma_start3A_28 = tpu.memref_squeeze %dma_start3A_27 : memref<1x256x128xi32, #tpu.memory_space<hbm>> -> memref<256x128xi32, #tpu.memory_space<hbm>>
      %dma_start3A_29 = arith.constant 0 : i32
      %dma_start3A_30 = arith.constant 0 : i32
      %dma_start3A_31 = tpu.memref_slice %arg3[%add3A, %dma_start3A_29, %dma_start3A_30] : memref<32x256x128xi32, #tpu.memory_space<hbm>> -> memref<1x256x128xi32, #tpu.memory_space<hbm>>
      %dma_start3A_32 = tpu.memref_squeeze %dma_start3A_31 : memref<1x256x128xi32, #tpu.memory_space<hbm>> -> memref<256x128xi32, #tpu.memory_space<hbm>>
      tpu.enqueue_dma source(%dma_start3A_32 : memref<256x128xi32, #tpu.memory_space<hbm>>) target(%arg5 : memref<256x128xi32, #tpu.memory_space<vmem>>) target_semaphore(%run_scoped3A : memref<!tpu.dma_semaphore, #tpu.memory_space<semaphore_mem>>)
      %dma_wait3A = arith.constant 0 : i32
      %dma_wait3A_33 = arith.constant 0 : i32
      %dma_wait3A_34 = tpu.memref_slice %arg3[%add3A, %dma_wait3A, %dma_wait3A_33] : memref<32x256x128xi32, #tpu.memory_space<hbm>> -> memref<1x256x128xi32, #tpu.memory_space<hbm>>
      %dma_wait3A_35 = tpu.memref_squeeze %dma_wait3A_34 : memref<1x256x128xi32, #tpu.memory_space<hbm>> -> memref<256x128xi32, #tpu.memory_space<hbm>>
      %dma_wait3A_36 = arith.constant 0 : i32
      %dma_wait3A_37 = arith.constant 0 : i32
      %dma_wait3A_38 = tpu.memref_slice %arg3[%add3A, %dma_wait3A_36, %dma_wait3A_37] : memref<32x256x128xi32, #tpu.memory_space<hbm>> -> memref<1x256x128xi32, #tpu.memory_space<hbm>>
      %dma_wait3A_39 = tpu.memref_squeeze %dma_wait3A_38 : memref<1x256x128xi32, #tpu.memory_space<hbm>> -> memref<256x128xi32, #tpu.memory_space<hbm>>
      tpu.wait_dma2 semaphore(%run_scoped3A : memref<!tpu.dma_semaphore, #tpu.memory_space<semaphore_mem>>) src(%dma_wait3A_39 : memref<256x128xi32, #tpu.memory_space<hbm>>) dst(%arg5 : memref<256x128xi32, #tpu.memory_space<vmem>>)
      tpu.yield
    }) : () -> ()
    %dma_start3A = arith.constant 0 : i32
    %dma_start3A_1 = arith.constant 0 : i32
    %dma_start3A_2 = arith.constant 0 : i32
    %dma_start3A_3 = tpu.memref_slice %arg6[%dma_start3A_1, %dma_start3A_2] : memref<256x128xf32, #tpu.memory_space<vmem>> -> memref<128x128xf32, #tpu.memory_space<vmem>>
    %dma_start3A_4 = arith.constant 0 : i32
    %dma_start3A_5 = tpu.memref_slice %arg5[%dma_start3A, %dma_start3A_4] : memref<256x128xi32, #tpu.memory_space<vmem>> -> memref<1x128xi32, #tpu.memory_space<vmem>>
    %dma_start3A_6 = tpu.memref_squeeze %dma_start3A_5 : memref<1x128xi32, #tpu.memory_space<vmem>> -> memref<128xi32, #tpu.memory_space<vmem>>
    %dma_start3A_7 = arith.constant 0 : i32
    %dma_start3A_8 = arith.constant 0 : i32
    %dma_start3A_9 = tpu.memref_slice %arg2[%dma_start3A_7, %dma_start3A_8] : memref<32768x128xf32, #tpu.memory_space<hbm>> -> memref<32768x128xf32, #tpu.memory_space<hbm>>
    tpu.enqueue_indirect_dma source(%dma_start3A_9 : memref<32768x128xf32, #tpu.memory_space<hbm>>) target(%dma_start3A_3 : memref<128x128xf32, #tpu.memory_space<vmem>>) offsets(%dma_start3A_6 : memref<128xi32, #tpu.memory_space<vmem>>) semaphore(%arg8 : memref<!tpu.dma_semaphore, #tpu.memory_space<semaphore_mem>>)
    %dma_start3A_10 = arith.constant 1 : i32
    %dma_start3A_11 = arith.constant 128 : i32
    %dma_start3A_12 = arith.constant 0 : i32
    %dma_start3A_13 = tpu.memref_slice %arg6[%dma_start3A_11, %dma_start3A_12] : memref<256x128xf32, #tpu.memory_space<vmem>> -> memref<128x128xf32, #tpu.memory_space<vmem>>
    %dma_start3A_14 = arith.constant 0 : i32
    %dma_start3A_15 = tpu.memref_slice %arg5[%dma_start3A_10, %dma_start3A_14] : memref<256x128xi32, #tpu.memory_space<vmem>> -> memref<1x128xi32, #tpu.memory_space<vmem>>
    %dma_start3A_16 = tpu.memref_squeeze %dma_start3A_15 : memref<1x128xi32, #tpu.memory_space<vmem>> -> memref<128xi32, #tpu.memory_space<vmem>>
    %dma_start3A_17 = arith.constant 0 : i32
    %dma_start3A_18 = arith.constant 0 : i32
    %dma_start3A_19 = tpu.memref_slice %arg2[%dma_start3A_17, %dma_start3A_18] : memref<32768x128xf32, #tpu.memory_space<hbm>> -> memref<32768x128xf32, #tpu.memory_space<hbm>>
    tpu.enqueue_indirect_dma source(%dma_start3A_19 : memref<32768x128xf32, #tpu.memory_space<hbm>>) target(%dma_start3A_13 : memref<128x128xf32, #tpu.memory_space<vmem>>) offsets(%dma_start3A_16 : memref<128xi32, #tpu.memory_space<vmem>>) semaphore(%arg8 : memref<!tpu.dma_semaphore, #tpu.memory_space<semaphore_mem>>)
    %scan3A = arith.constant 0 : i32
    %scan3A_20 = arith.constant 0 : i32
    %scan3A_21 = arith.constant 64 : i32
    %scan3A_22 = arith.addi %scan3A_20, %scan3A_21 : i32
    %scan3A_23 = arith.constant 1 : i32
    scf.for %scan3A_25 = %scan3A_20 to %scan3A_22 step %scan3A_23  : i32 {
      %mul3A_26 = arith.constant 2 : i32
      %mul3A_27 = arith.muli %mul3A_26, %scan3A_25 : i32
      %add3A_28 = arith.constant 1 : i32
      %add3A_29 = arith.addi %mul3A_27, %add3A_28 : i32
      %mul3A_30 = arith.constant 2 : i32
      %mul3A_31 = arith.muli %add3A_29, %mul3A_30 : i32
      %add3A_32 = arith.constant 0 : i32
      %add3A_33 = arith.addi %mul3A_31, %add3A_32 : i32
      %dma_start3A_34 = arith.constant 0 : i32
      %dma_start3A_35 = arith.constant 0 : i32
      %dma_start3A_36 = tpu.memref_slice %arg7[%dma_start3A_34, %dma_start3A_35] : memref<256x128xf32, #tpu.memory_space<vmem>> -> memref<128x128xf32, #tpu.memory_space<vmem>>
      %dma_start3A_37 = arith.constant 0 : i32
      %dma_start3A_38 = tpu.memref_slice %arg5[%add3A_33, %dma_start3A_37] : memref<256x128xi32, #tpu.memory_space<vmem>> -> memref<1x128xi32, #tpu.memory_space<vmem>>
      %dma_start3A_39 = tpu.memref_squeeze %dma_start3A_38 : memref<1x128xi32, #tpu.memory_space<vmem>> -> memref<128xi32, #tpu.memory_space<vmem>>
      %dma_start3A_40 = arith.constant 0 : i32
      %dma_start3A_41 = arith.constant 0 : i32
      %dma_start3A_42 = tpu.memref_slice %arg2[%dma_start3A_40, %dma_start3A_41] : memref<32768x128xf32, #tpu.memory_space<hbm>> -> memref<32768x128xf32, #tpu.memory_space<hbm>>
      tpu.enqueue_indirect_dma source(%dma_start3A_42 : memref<32768x128xf32, #tpu.memory_space<hbm>>) target(%dma_start3A_36 : memref<128x128xf32, #tpu.memory_space<vmem>>) offsets(%dma_start3A_39 : memref<128xi32, #tpu.memory_space<vmem>>) semaphore(%arg9 : memref<!tpu.dma_semaphore, #tpu.memory_space<semaphore_mem>>)
      %mul3A_43 = arith.constant 2 : i32
      %mul3A_44 = arith.muli %add3A_29, %mul3A_43 : i32
      %add3A_45 = arith.constant 1 : i32
      %add3A_46 = arith.addi %mul3A_44, %add3A_45 : i32
      %dma_start3A_47 = arith.constant 128 : i32
      %dma_start3A_48 = arith.constant 0 : i32
      %dma_start3A_49 = tpu.memref_slice %arg7[%dma_start3A_47, %dma_start3A_48] : memref<256x128xf32, #tpu.memory_space<vmem>> -> memref<128x128xf32, #tpu.memory_space<vmem>>
      %dma_start3A_50 = arith.constant 0 : i32
      %dma_start3A_51 = tpu.memref_slice %arg5[%add3A_46, %dma_start3A_50] : memref<256x128xi32, #tpu.memory_space<vmem>> -> memref<1x128xi32, #tpu.memory_space<vmem>>
      %dma_start3A_52 = tpu.memref_squeeze %dma_start3A_51 : memref<1x128xi32, #tpu.memory_space<vmem>> -> memref<128xi32, #tpu.memory_space<vmem>>
      %dma_start3A_53 = arith.constant 0 : i32
      %dma_start3A_54 = arith.constant 0 : i32
      %dma_start3A_55 = tpu.memref_slice %arg2[%dma_start3A_53, %dma_start3A_54] : memref<32768x128xf32, #tpu.memory_space<hbm>> -> memref<32768x128xf32, #tpu.memory_space<hbm>>
      tpu.enqueue_indirect_dma source(%dma_start3A_55 : memref<32768x128xf32, #tpu.memory_space<hbm>>) target(%dma_start3A_49 : memref<128x128xf32, #tpu.memory_space<vmem>>) offsets(%dma_start3A_52 : memref<128xi32, #tpu.memory_space<vmem>>) semaphore(%arg9 : memref<!tpu.dma_semaphore, #tpu.memory_space<semaphore_mem>>)
      %mul3A_56 = arith.constant 2 : i32
      %mul3A_57 = arith.muli %mul3A_27, %mul3A_56 : i32
      %add3A_58 = arith.constant 0 : i32
      %add3A_59 = arith.addi %mul3A_57, %add3A_58 : i32
      %dma_wait3A = arith.constant 0 : i32
      %dma_wait3A_60 = arith.constant 0 : i32
      %dma_wait3A_61 = tpu.memref_slice %arg6[%dma_wait3A, %dma_wait3A_60] : memref<256x128xf32, #tpu.memory_space<vmem>> -> memref<128x128xf32, #tpu.memory_space<vmem>>
      %dma_wait3A_62 = arith.constant 0 : i32
      %dma_wait3A_63 = tpu.memref_slice %arg5[%add3A_59, %dma_wait3A_62] : memref<256x128xi32, #tpu.memory_space<vmem>> -> memref<1x128xi32, #tpu.memory_space<vmem>>
      %dma_wait3A_64 = tpu.memref_squeeze %dma_wait3A_63 : memref<1x128xi32, #tpu.memory_space<vmem>> -> memref<128xi32, #tpu.memory_space<vmem>>
      %dma_wait3A_65 = arith.constant 0 : i32
      %dma_wait3A_66 = arith.constant 0 : i32
      %dma_wait3A_67 = tpu.memref_slice %arg2[%dma_wait3A_65, %dma_wait3A_66] : memref<32768x128xf32, #tpu.memory_space<hbm>> -> memref<32768x128xf32, #tpu.memory_space<hbm>>
      tpu.wait_indirect_dma semaphore(%arg8 : memref<!tpu.dma_semaphore, #tpu.memory_space<semaphore_mem>>) src(%dma_wait3A_67 : memref<32768x128xf32, #tpu.memory_space<hbm>>) dst(%dma_wait3A_61 : memref<128x128xf32, #tpu.memory_space<vmem>>)
      %mul3A_68 = arith.constant 2 : i32
      %mul3A_69 = arith.muli %mul3A_27, %mul3A_68 : i32
      %add3A_70 = arith.constant 1 : i32
      %add3A_71 = arith.addi %mul3A_69, %add3A_70 : i32
      %dma_wait3A_72 = arith.constant 128 : i32
      %dma_wait3A_73 = arith.constant 0 : i32
      %dma_wait3A_74 = tpu.memref_slice %arg6[%dma_wait3A_72, %dma_wait3A_73] : memref<256x128xf32, #tpu.memory_space<vmem>> -> memref<128x128xf32, #tpu.memory_space<vmem>>
      %dma_wait3A_75 = arith.constant 0 : i32
      %dma_wait3A_76 = tpu.memref_slice %arg5[%add3A_71, %dma_wait3A_75] : memref<256x128xi32, #tpu.memory_space<vmem>> -> memref<1x128xi32, #tpu.memory_space<vmem>>
      %dma_wait3A_77 = tpu.memref_squeeze %dma_wait3A_76 : memref<1x128xi32, #tpu.memory_space<vmem>> -> memref<128xi32, #tpu.memory_space<vmem>>
      %dma_wait3A_78 = arith.constant 0 : i32
      %dma_wait3A_79 = arith.constant 0 : i32
      %dma_wait3A_80 = tpu.memref_slice %arg2[%dma_wait3A_78, %dma_wait3A_79] : memref<32768x128xf32, #tpu.memory_space<hbm>> -> memref<32768x128xf32, #tpu.memory_space<hbm>>
      tpu.wait_indirect_dma semaphore(%arg8 : memref<!tpu.dma_semaphore, #tpu.memory_space<semaphore_mem>>) src(%dma_wait3A_80 : memref<32768x128xf32, #tpu.memory_space<hbm>>) dst(%dma_wait3A_74 : memref<128x128xf32, #tpu.memory_space<vmem>>)
      "tpu.region"() ({
        %run_scoped3A = tpu.sem_alloc : memref<!tpu.dma_semaphore, #tpu.memory_space<semaphore_mem>>
        %dma_start3A_109 = arith.constant 0 : i32
        %dma_start3A_110 = arith.constant 0 : i32
        %dma_start3A_111 = tpu.memref_slice %arg4[%add3A, %mul3A_27, %dma_start3A_109, %dma_start3A_110] : memref<32x128x256x128xf32, #tpu.memory_space<hbm>> -> memref<1x1x256x128xf32, #tpu.memory_space<hbm>>
        %dma_start3A_112 = tpu.memref_squeeze %dma_start3A_111 : memref<1x1x256x128xf32, #tpu.memory_space<hbm>> -> memref<256x128xf32, #tpu.memory_space<hbm>>
        %dma_start3A_113 = arith.constant 0 : i32
        %dma_start3A_114 = arith.constant 0 : i32
        %dma_start3A_115 = tpu.memref_slice %arg4[%add3A, %mul3A_27, %dma_start3A_113, %dma_start3A_114] : memref<32x128x256x128xf32, #tpu.memory_space<hbm>> -> memref<1x1x256x128xf32, #tpu.memory_space<hbm>>
        %dma_start3A_116 = tpu.memref_squeeze %dma_start3A_115 : memref<1x1x256x128xf32, #tpu.memory_space<hbm>> -> memref<256x128xf32, #tpu.memory_space<hbm>>
        tpu.enqueue_dma source(%arg6 : memref<256x128xf32, #tpu.memory_space<vmem>>) target(%dma_start3A_116 : memref<256x128xf32, #tpu.memory_space<hbm>>) target_semaphore(%run_scoped3A : memref<!tpu.dma_semaphore, #tpu.memory_space<semaphore_mem>>)
        %dma_wait3A_117 = arith.constant 0 : i32
        %dma_wait3A_118 = arith.constant 0 : i32
        %dma_wait3A_119 = tpu.memref_slice %arg4[%add3A, %mul3A_27, %dma_wait3A_117, %dma_wait3A_118] : memref<32x128x256x128xf32, #tpu.memory_space<hbm>> -> memref<1x1x256x128xf32, #tpu.memory_space<hbm>>
        %dma_wait3A_120 = tpu.memref_squeeze %dma_wait3A_119 : memref<1x1x256x128xf32, #tpu.memory_space<hbm>> -> memref<256x128xf32, #tpu.memory_space<hbm>>
        %dma_wait3A_121 = arith.constant 0 : i32
        %dma_wait3A_122 = arith.constant 0 : i32
        %dma_wait3A_123 = tpu.memref_slice %arg4[%add3A, %mul3A_27, %dma_wait3A_121, %dma_wait3A_122] : memref<32x128x256x128xf32, #tpu.memory_space<hbm>> -> memref<1x1x256x128xf32, #tpu.memory_space<hbm>>
        %dma_wait3A_124 = tpu.memref_squeeze %dma_wait3A_123 : memref<1x1x256x128xf32, #tpu.memory_space<hbm>> -> memref<256x128xf32, #tpu.memory_space<hbm>>
        tpu.wait_dma2 semaphore(%run_scoped3A : memref<!tpu.dma_semaphore, #tpu.memory_space<semaphore_mem>>) src(%arg6 : memref<256x128xf32, #tpu.memory_space<vmem>>) dst(%dma_wait3A_124 : memref<256x128xf32, #tpu.memory_space<hbm>>)
        tpu.yield
      }) : () -> ()
      %lt3A = arith.constant 63 : i32
      %lt3A_81 = arith.cmpi slt, %scan3A_25, %lt3A : i32
      %convert_element_type3A = arith.extui %lt3A_81 : i1 to i32
      %cond3A = arith.constant 0 : i32
      %cond3A_82 = arith.cmpi ne, %convert_element_type3A, %cond3A : i32
      scf.if %cond3A_82 {
        %add3A_109 = arith.constant 2 : i32
        %add3A_110 = arith.addi %mul3A_27, %add3A_109 : i32
        %mul3A_111 = arith.constant 2 : i32
        %mul3A_112 = arith.muli %add3A_110, %mul3A_111 : i32
        %add3A_113 = arith.constant 0 : i32
        %add3A_114 = arith.addi %mul3A_112, %add3A_113 : i32
        %dma_start3A_115 = arith.constant 0 : i32
        %dma_start3A_116 = arith.constant 0 : i32
        %dma_start3A_117 = tpu.memref_slice %arg6[%dma_start3A_115, %dma_start3A_116] : memref<256x128xf32, #tpu.memory_space<vmem>> -> memref<128x128xf32, #tpu.memory_space<vmem>>
        %dma_start3A_118 = arith.constant 0 : i32
        %dma_start3A_119 = tpu.memref_slice %arg5[%add3A_114, %dma_start3A_118] : memref<256x128xi32, #tpu.memory_space<vmem>> -> memref<1x128xi32, #tpu.memory_space<vmem>>
        %dma_start3A_120 = tpu.memref_squeeze %dma_start3A_119 : memref<1x128xi32, #tpu.memory_space<vmem>> -> memref<128xi32, #tpu.memory_space<vmem>>
        %dma_start3A_121 = arith.constant 0 : i32
        %dma_start3A_122 = arith.constant 0 : i32
        %dma_start3A_123 = tpu.memref_slice %arg2[%dma_start3A_121, %dma_start3A_122] : memref<32768x128xf32, #tpu.memory_space<hbm>> -> memref<32768x128xf32, #tpu.memory_space<hbm>>
        tpu.enqueue_indirect_dma source(%dma_start3A_123 : memref<32768x128xf32, #tpu.memory_space<hbm>>) target(%dma_start3A_117 : memref<128x128xf32, #tpu.memory_space<vmem>>) offsets(%dma_start3A_120 : memref<128xi32, #tpu.memory_space<vmem>>) semaphore(%arg8 : memref<!tpu.dma_semaphore, #tpu.memory_space<semaphore_mem>>)
        %mul3A_124 = arith.constant 2 : i32
        %mul3A_125 = arith.muli %add3A_110, %mul3A_124 : i32
        %add3A_126 = arith.constant 1 : i32
        %add3A_127 = arith.addi %mul3A_125, %add3A_126 : i32
        %dma_start3A_128 = arith.constant 128 : i32
        %dma_start3A_129 = arith.constant 0 : i32
        %dma_start3A_130 = tpu.memref_slice %arg6[%dma_start3A_128, %dma_start3A_129] : memref<256x128xf32, #tpu.memory_space<vmem>> -> memref<128x128xf32, #tpu.memory_space<vmem>>
        %dma_start3A_131 = arith.constant 0 : i32
        %dma_start3A_132 = tpu.memref_slice %arg5[%add3A_127, %dma_start3A_131] : memref<256x128xi32, #tpu.memory_space<vmem>> -> memref<1x128xi32, #tpu.memory_space<vmem>>
        %dma_start3A_133 = tpu.memref_squeeze %dma_start3A_132 : memref<1x128xi32, #tpu.memory_space<vmem>> -> memref<128xi32, #tpu.memory_space<vmem>>
        %dma_start3A_134 = arith.constant 0 : i32
        %dma_start3A_135 = arith.constant 0 : i32
        %dma_start3A_136 = tpu.memref_slice %arg2[%dma_start3A_134, %dma_start3A_135] : memref<32768x128xf32, #tpu.memory_space<hbm>> -> memref<32768x128xf32, #tpu.memory_space<hbm>>
        tpu.enqueue_indirect_dma source(%dma_start3A_136 : memref<32768x128xf32, #tpu.memory_space<hbm>>) target(%dma_start3A_130 : memref<128x128xf32, #tpu.memory_space<vmem>>) offsets(%dma_start3A_133 : memref<128xi32, #tpu.memory_space<vmem>>) semaphore(%arg8 : memref<!tpu.dma_semaphore, #tpu.memory_space<semaphore_mem>>)
      } else {
      }
      %mul3A_83 = arith.constant 2 : i32
      %mul3A_84 = arith.muli %add3A_29, %mul3A_83 : i32
      %add3A_85 = arith.constant 0 : i32
      %add3A_86 = arith.addi %mul3A_84, %add3A_85 : i32
      %dma_wait3A_87 = arith.constant 0 : i32
      %dma_wait3A_88 = arith.constant 0 : i32
      %dma_wait3A_89 = tpu.memref_slice %arg7[%dma_wait3A_87, %dma_wait3A_88] : memref<256x128xf32, #tpu.memory_space<vmem>> -> memref<128x128xf32, #tpu.memory_space<vmem>>
      %dma_wait3A_90 = arith.constant 0 : i32
      %dma_wait3A_91 = tpu.memref_slice %arg5[%add3A_86, %dma_wait3A_90] : memref<256x128xi32, #tpu.memory_space<vmem>> -> memref<1x128xi32, #tpu.memory_space<vmem>>
      %dma_wait3A_92 = tpu.memref_squeeze %dma_wait3A_91 : memref<1x128xi32, #tpu.memory_space<vmem>> -> memref<128xi32, #tpu.memory_space<vmem>>
      %dma_wait3A_93 = arith.constant 0 : i32
      %dma_wait3A_94 = arith.constant 0 : i32
      %dma_wait3A_95 = tpu.memref_slice %arg2[%dma_wait3A_93, %dma_wait3A_94] : memref<32768x128xf32, #tpu.memory_space<hbm>> -> memref<32768x128xf32, #tpu.memory_space<hbm>>
      tpu.wait_indirect_dma semaphore(%arg9 : memref<!tpu.dma_semaphore, #tpu.memory_space<semaphore_mem>>) src(%dma_wait3A_95 : memref<32768x128xf32, #tpu.memory_space<hbm>>) dst(%dma_wait3A_89 : memref<128x128xf32, #tpu.memory_space<vmem>>)
      %mul3A_96 = arith.constant 2 : i32
      %mul3A_97 = arith.muli %add3A_29, %mul3A_96 : i32
      %add3A_98 = arith.constant 1 : i32
      %add3A_99 = arith.addi %mul3A_97, %add3A_98 : i32
      %dma_wait3A_100 = arith.constant 128 : i32
      %dma_wait3A_101 = arith.constant 0 : i32
      %dma_wait3A_102 = tpu.memref_slice %arg7[%dma_wait3A_100, %dma_wait3A_101] : memref<256x128xf32, #tpu.memory_space<vmem>> -> memref<128x128xf32, #tpu.memory_space<vmem>>
      %dma_wait3A_103 = arith.constant 0 : i32
      %dma_wait3A_104 = tpu.memref_slice %arg5[%add3A_99, %dma_wait3A_103] : memref<256x128xi32, #tpu.memory_space<vmem>> -> memref<1x128xi32, #tpu.memory_space<vmem>>
      %dma_wait3A_105 = tpu.memref_squeeze %dma_wait3A_104 : memref<1x128xi32, #tpu.memory_space<vmem>> -> memref<128xi32, #tpu.memory_space<vmem>>
      %dma_wait3A_106 = arith.constant 0 : i32
      %dma_wait3A_107 = arith.constant 0 : i32
      %dma_wait3A_108 = tpu.memref_slice %arg2[%dma_wait3A_106, %dma_wait3A_107] : memref<32768x128xf32, #tpu.memory_space<hbm>> -> memref<32768x128xf32, #tpu.memory_space<hbm>>
      tpu.wait_indirect_dma semaphore(%arg9 : memref<!tpu.dma_semaphore, #tpu.memory_space<semaphore_mem>>) src(%dma_wait3A_108 : memref<32768x128xf32, #tpu.memory_space<hbm>>) dst(%dma_wait3A_102 : memref<128x128xf32, #tpu.memory_space<vmem>>)
      "tpu.region"() ({
        %run_scoped3A = tpu.sem_alloc : memref<!tpu.dma_semaphore, #tpu.memory_space<semaphore_mem>>
        %dma_start3A_109 = arith.constant 0 : i32
        %dma_start3A_110 = arith.constant 0 : i32
        %dma_start3A_111 = tpu.memref_slice %arg4[%add3A, %add3A_29, %dma_start3A_109, %dma_start3A_110] : memref<32x128x256x128xf32, #tpu.memory_space<hbm>> -> memref<1x1x256x128xf32, #tpu.memory_space<hbm>>
        %dma_start3A_112 = tpu.memref_squeeze %dma_start3A_111 : memref<1x1x256x128xf32, #tpu.memory_space<hbm>> -> memref<256x128xf32, #tpu.memory_space<hbm>>
        %dma_start3A_113 = arith.constant 0 : i32
        %dma_start3A_114 = arith.constant 0 : i32
        %dma_start3A_115 = tpu.memref_slice %arg4[%add3A, %add3A_29, %dma_start3A_113, %dma_start3A_114] : memref<32x128x256x128xf32, #tpu.memory_space<hbm>> -> memref<1x1x256x128xf32, #tpu.memory_space<hbm>>
        %dma_start3A_116 = tpu.memref_squeeze %dma_start3A_115 : memref<1x1x256x128xf32, #tpu.memory_space<hbm>> -> memref<256x128xf32, #tpu.memory_space<hbm>>
        tpu.enqueue_dma source(%arg7 : memref<256x128xf32, #tpu.memory_space<vmem>>) target(%dma_start3A_116 : memref<256x128xf32, #tpu.memory_space<hbm>>) target_semaphore(%run_scoped3A : memref<!tpu.dma_semaphore, #tpu.memory_space<semaphore_mem>>)
        %dma_wait3A_117 = arith.constant 0 : i32
        %dma_wait3A_118 = arith.constant 0 : i32
        %dma_wait3A_119 = tpu.memref_slice %arg4[%add3A, %add3A_29, %dma_wait3A_117, %dma_wait3A_118] : memref<32x128x256x128xf32, #tpu.memory_space<hbm>> -> memref<1x1x256x128xf32, #tpu.memory_space<hbm>>
        %dma_wait3A_120 = tpu.memref_squeeze %dma_wait3A_119 : memref<1x1x256x128xf32, #tpu.memory_space<hbm>> -> memref<256x128xf32, #tpu.memory_space<hbm>>
        %dma_wait3A_121 = arith.constant 0 : i32
        %dma_wait3A_122 = arith.constant 0 : i32
        %dma_wait3A_123 = tpu.memref_slice %arg4[%add3A, %add3A_29, %dma_wait3A_121, %dma_wait3A_122] : memref<32x128x256x128xf32, #tpu.memory_space<hbm>> -> memref<1x1x256x128xf32, #tpu.memory_space<hbm>>
        %dma_wait3A_124 = tpu.memref_squeeze %dma_wait3A_123 : memref<1x1x256x128xf32, #tpu.memory_space<hbm>> -> memref<256x128xf32, #tpu.memory_space<hbm>>
        tpu.wait_dma2 semaphore(%run_scoped3A : memref<!tpu.dma_semaphore, #tpu.memory_space<semaphore_mem>>) src(%arg7 : memref<256x128xf32, #tpu.memory_space<vmem>>) dst(%dma_wait3A_124 : memref<256x128xf32, #tpu.memory_space<hbm>>)
        tpu.yield
      }) : () -> ()
    }
    %scan3A_24 = arith.constant 64 : i32
    return
  }
}

#map = affine_map<(d0, d1) -> (0, 0)>
#map1 = affine_map<(d0, d1) -> (0, 0, 0)>
#map2 = affine_map<(d0, d1) -> (0, 0, 0, 0)>
module attributes {stable_mosaic.version = 14 : i64} {
  func.func @_gather_body(%arg0: i32, %arg1: i32, %arg2: memref<32768x128xf32, #tpu.memory_space<hbm>>, %arg3: memref<32x256x128xi32, #tpu.memory_space<hbm>>, %arg4: memref<32x128x256x128xf32, #tpu.memory_space<hbm>>, %arg5: memref<256x128xi32, #tpu.memory_space<vmem>>, %arg6: memref<256x128xf32, #tpu.memory_space<vmem>>, %arg7: memref<256x128xf32, #tpu.memory_space<vmem>>, %arg8: memref<!tpu.dma_semaphore, #tpu.memory_space<semaphore_mem>>, %arg9: memref<!tpu.dma_semaphore, #tpu.memory_space<semaphore_mem>>) attributes {dimension_semantics = [#tpu.dimension_semantics<core_parallel>, #tpu.dimension_semantics<subcore_parallel>], iteration_bounds = array<i64: 2, 16>, scalar_prefetch = 0 : i64, scratch_operands = 5 : i64, tpu.core_type = #tpu.core_type<sc_vector_subcore>, window_params = [{transform_indices = #map}, {transform_indices = #map1}, {transform_indices = #map2}]} {
    %mul3A = arith.constant 2 : i32
    %mul3A_0 = arith.muli %arg1, %mul3A : i32
    %add3A = arith.addi %mul3A_0, %arg0 : i32
    "tpu.region"() ({
      %run_scoped3A = tpu.sem_alloc : memref<!tpu.dma_semaphore, #tpu.memory_space<semaphore_mem>>
      %dma_start3A_25 = arith.constant 0 : i32
      %dma_start3A_26 = arith.constant 0 : i32
      %dma_start3A_27 = tpu.memref_slice %arg3[%add3A, %dma_start3A_25, %dma_start3A_26] : memref<32x256x128xi32, #tpu.memory_space<hbm>> -> memref<1x256x128xi32, #tpu.memory_space<hbm>>
      %dma_start3A_28 = tpu.memref_squeeze %dma_start3A_27 : memref<1x256x128xi32, #tpu.memory_space<hbm>> -> memref<256x128xi32, #tpu.memory_space<hbm>>
      %dma_start3A_29 = arith.constant 0 : i32
      %dma_start3A_30 = arith.constant 0 : i32
      %dma_start3A_31 = tpu.memref_slice %arg3[%add3A, %dma_start3A_29, %dma_start3A_30] : memref<32x256x128xi32, #tpu.memory_space<hbm>> -> memref<1x256x128xi32, #tpu.memory_space<hbm>>
      %dma_start3A_32 = tpu.memref_squeeze %dma_start3A_31 : memref<1x256x128xi32, #tpu.memory_space<hbm>> -> memref<256x128xi32, #tpu.memory_space<hbm>>
      tpu.enqueue_dma source(%dma_start3A_32 : memref<256x128xi32, #tpu.memory_space<hbm>>) target(%arg5 : memref<256x128xi32, #tpu.memory_space<vmem>>) target_semaphore(%run_scoped3A : memref<!tpu.dma_semaphore, #tpu.memory_space<semaphore_mem>>)
      %dma_wait3A = arith.constant 0 : i32
      %dma_wait3A_33 = arith.constant 0 : i32
      %dma_wait3A_34 = tpu.memref_slice %arg3[%add3A, %dma_wait3A, %dma_wait3A_33] : memref<32x256x128xi32, #tpu.memory_space<hbm>> -> memref<1x256x128xi32, #tpu.memory_space<hbm>>
      %dma_wait3A_35 = tpu.memref_squeeze %dma_wait3A_34 : memref<1x256x128xi32, #tpu.memory_space<hbm>> -> memref<256x128xi32, #tpu.memory_space<hbm>>
      %dma_wait3A_36 = arith.constant 0 : i32
      %dma_wait3A_37 = arith.constant 0 : i32
      %dma_wait3A_38 = tpu.memref_slice %arg3[%add3A, %dma_wait3A_36, %dma_wait3A_37] : memref<32x256x128xi32, #tpu.memory_space<hbm>> -> memref<1x256x128xi32, #tpu.memory_space<hbm>>
      %dma_wait3A_39 = tpu.memref_squeeze %dma_wait3A_38 : memref<1x256x128xi32, #tpu.memory_space<hbm>> -> memref<256x128xi32, #tpu.memory_space<hbm>>
      tpu.wait_dma2 semaphore(%run_scoped3A : memref<!tpu.dma_semaphore, #tpu.memory_space<semaphore_mem>>) src(%dma_wait3A_39 : memref<256x128xi32, #tpu.memory_space<hbm>>) dst(%arg5 : memref<256x128xi32, #tpu.memory_space<vmem>>)
      tpu.yield
    }) : () -> ()
    %dma_start3A = arith.constant 0 : i32
    %dma_start3A_1 = arith.constant 0 : i32
    %dma_start3A_2 = arith.constant 0 : i32
    %dma_start3A_3 = tpu.memref_slice %arg6[%dma_start3A_1, %dma_start3A_2] : memref<256x128xf32, #tpu.memory_space<vmem>> -> memref<128x128xf32, #tpu.memory_space<vmem>>
    %dma_start3A_4 = arith.constant 0 : i32
    %dma_start3A_5 = tpu.memref_slice %arg5[%dma_start3A, %dma_start3A_4] : memref<256x128xi32, #tpu.memory_space<vmem>> -> memref<1x128xi32, #tpu.memory_space<vmem>>
    %dma_start3A_6 = tpu.memref_squeeze %dma_start3A_5 : memref<1x128xi32, #tpu.memory_space<vmem>> -> memref<128xi32, #tpu.memory_space<vmem>>
    %dma_start3A_7 = arith.constant 0 : i32
    %dma_start3A_8 = arith.constant 0 : i32
    %dma_start3A_9 = tpu.memref_slice %arg2[%dma_start3A_7, %dma_start3A_8] : memref<32768x128xf32, #tpu.memory_space<hbm>> -> memref<32768x128xf32, #tpu.memory_space<hbm>>
    tpu.enqueue_indirect_dma source(%dma_start3A_9 : memref<32768x128xf32, #tpu.memory_space<hbm>>) target(%dma_start3A_3 : memref<128x128xf32, #tpu.memory_space<vmem>>) offsets(%dma_start3A_6 : memref<128xi32, #tpu.memory_space<vmem>>) semaphore(%arg8 : memref<!tpu.dma_semaphore, #tpu.memory_space<semaphore_mem>>)
    %dma_start3A_10 = arith.constant 1 : i32
    %dma_start3A_11 = arith.constant 128 : i32
    %dma_start3A_12 = arith.constant 0 : i32
    %dma_start3A_13 = tpu.memref_slice %arg6[%dma_start3A_11, %dma_start3A_12] : memref<256x128xf32, #tpu.memory_space<vmem>> -> memref<128x128xf32, #tpu.memory_space<vmem>>
    %dma_start3A_14 = arith.constant 0 : i32
    %dma_start3A_15 = tpu.memref_slice %arg5[%dma_start3A_10, %dma_start3A_14] : memref<256x128xi32, #tpu.memory_space<vmem>> -> memref<1x128xi32, #tpu.memory_space<vmem>>
    %dma_start3A_16 = tpu.memref_squeeze %dma_start3A_15 : memref<1x128xi32, #tpu.memory_space<vmem>> -> memref<128xi32, #tpu.memory_space<vmem>>
    %dma_start3A_17 = arith.constant 0 : i32
    %dma_start3A_18 = arith.constant 0 : i32
    %dma_start3A_19 = tpu.memref_slice %arg2[%dma_start3A_17, %dma_start3A_18] : memref<32768x128xf32, #tpu.memory_space<hbm>> -> memref<32768x128xf32, #tpu.memory_space<hbm>>
    tpu.enqueue_indirect_dma source(%dma_start3A_19 : memref<32768x128xf32, #tpu.memory_space<hbm>>) target(%dma_start3A_13 : memref<128x128xf32, #tpu.memory_space<vmem>>) offsets(%dma_start3A_16 : memref<128xi32, #tpu.memory_space<vmem>>) semaphore(%arg8 : memref<!tpu.dma_semaphore, #tpu.memory_space<semaphore_mem>>)
    %scan3A = arith.constant 0 : i32
    %scan3A_20 = arith.constant 0 : i32
    %scan3A_21 = arith.constant 64 : i32
    %scan3A_22 = arith.addi %scan3A_20, %scan3A_21 : i32
    %scan3A_23 = arith.constant 1 : i32
    scf.for %scan3A_25 = %scan3A_20 to %scan3A_22 step %scan3A_23  : i32 {
      %mul3A_26 = arith.constant 2 : i32
      %mul3A_27 = arith.muli %mul3A_26, %scan3A_25 : i32
      %add3A_28 = arith.constant 1 : i32
      %add3A_29 = arith.addi %mul3A_27, %add3A_28 : i32
      %mul3A_30 = arith.constant 2 : i32
      %mul3A_31 = arith.muli %add3A_29, %mul3A_30 : i32
      %add3A_32 = arith.constant 0 : i32
      %add3A_33 = arith.addi %mul3A_31, %add3A_32 : i32
      %dma_start3A_34 = arith.constant 0 : i32
      %dma_start3A_35 = arith.constant 0 : i32
      %dma_start3A_36 = tpu.memref_slice %arg7[%dma_start3A_34, %dma_start3A_35] : memref<256x128xf32, #tpu.memory_space<vmem>> -> memref<128x128xf32, #tpu.memory_space<vmem>>
      %dma_start3A_37 = arith.constant 0 : i32
      %dma_start3A_38 = tpu.memref_slice %arg5[%add3A_33, %dma_start3A_37] : memref<256x128xi32, #tpu.memory_space<vmem>> -> memref<1x128xi32, #tpu.memory_space<vmem>>
      %dma_start3A_39 = tpu.memref_squeeze %dma_start3A_38 : memref<1x128xi32, #tpu.memory_space<vmem>> -> memref<128xi32, #tpu.memory_space<vmem>>
      %dma_start3A_40 = arith.constant 0 : i32
      %dma_start3A_41 = arith.constant 0 : i32
      %dma_start3A_42 = tpu.memref_slice %arg2[%dma_start3A_40, %dma_start3A_41] : memref<32768x128xf32, #tpu.memory_space<hbm>> -> memref<32768x128xf32, #tpu.memory_space<hbm>>
      tpu.enqueue_indirect_dma source(%dma_start3A_42 : memref<32768x128xf32, #tpu.memory_space<hbm>>) target(%dma_start3A_36 : memref<128x128xf32, #tpu.memory_space<vmem>>) offsets(%dma_start3A_39 : memref<128xi32, #tpu.memory_space<vmem>>) semaphore(%arg9 : memref<!tpu.dma_semaphore, #tpu.memory_space<semaphore_mem>>)
      %mul3A_43 = arith.constant 2 : i32
      %mul3A_44 = arith.muli %add3A_29, %mul3A_43 : i32
      %add3A_45 = arith.constant 1 : i32
      %add3A_46 = arith.addi %mul3A_44, %add3A_45 : i32
      %dma_start3A_47 = arith.constant 128 : i32
      %dma_start3A_48 = arith.constant 0 : i32
      %dma_start3A_49 = tpu.memref_slice %arg7[%dma_start3A_47, %dma_start3A_48] : memref<256x128xf32, #tpu.memory_space<vmem>> -> memref<128x128xf32, #tpu.memory_space<vmem>>
      %dma_start3A_50 = arith.constant 0 : i32
      %dma_start3A_51 = tpu.memref_slice %arg5[%add3A_46, %dma_start3A_50] : memref<256x128xi32, #tpu.memory_space<vmem>> -> memref<1x128xi32, #tpu.memory_space<vmem>>
      %dma_start3A_52 = tpu.memref_squeeze %dma_start3A_51 : memref<1x128xi32, #tpu.memory_space<vmem>> -> memref<128xi32, #tpu.memory_space<vmem>>
      %dma_start3A_53 = arith.constant 0 : i32
      %dma_start3A_54 = arith.constant 0 : i32
      %dma_start3A_55 = tpu.memref_slice %arg2[%dma_start3A_53, %dma_start3A_54] : memref<32768x128xf32, #tpu.memory_space<hbm>> -> memref<32768x128xf32, #tpu.memory_space<hbm>>
      tpu.enqueue_indirect_dma source(%dma_start3A_55 : memref<32768x128xf32, #tpu.memory_space<hbm>>) target(%dma_start3A_49 : memref<128x128xf32, #tpu.memory_space<vmem>>) offsets(%dma_start3A_52 : memref<128xi32, #tpu.memory_space<vmem>>) semaphore(%arg9 : memref<!tpu.dma_semaphore, #tpu.memory_space<semaphore_mem>>)
      %mul3A_56 = arith.constant 2 : i32
      %mul3A_57 = arith.muli %mul3A_27, %mul3A_56 : i32
      %add3A_58 = arith.constant 0 : i32
      %add3A_59 = arith.addi %mul3A_57, %add3A_58 : i32
      %dma_wait3A = arith.constant 0 : i32
      %dma_wait3A_60 = arith.constant 0 : i32
      %dma_wait3A_61 = tpu.memref_slice %arg6[%dma_wait3A, %dma_wait3A_60] : memref<256x128xf32, #tpu.memory_space<vmem>> -> memref<128x128xf32, #tpu.memory_space<vmem>>
      %dma_wait3A_62 = arith.constant 0 : i32
      %dma_wait3A_63 = tpu.memref_slice %arg5[%add3A_59, %dma_wait3A_62] : memref<256x128xi32, #tpu.memory_space<vmem>> -> memref<1x128xi32, #tpu.memory_space<vmem>>
      %dma_wait3A_64 = tpu.memref_squeeze %dma_wait3A_63 : memref<1x128xi32, #tpu.memory_space<vmem>> -> memref<128xi32, #tpu.memory_space<vmem>>
      %dma_wait3A_65 = arith.constant 0 : i32
      %dma_wait3A_66 = arith.constant 0 : i32
      %dma_wait3A_67 = tpu.memref_slice %arg2[%dma_wait3A_65, %dma_wait3A_66] : memref<32768x128xf32, #tpu.memory_space<hbm>> -> memref<32768x128xf32, #tpu.memory_space<hbm>>
      tpu.wait_indirect_dma semaphore(%arg8 : memref<!tpu.dma_semaphore, #tpu.memory_space<semaphore_mem>>) src(%dma_wait3A_67 : memref<32768x128xf32, #tpu.memory_space<hbm>>) dst(%dma_wait3A_61 : memref<128x128xf32, #tpu.memory_space<vmem>>)
      %mul3A_68 = arith.constant 2 : i32
      %mul3A_69 = arith.muli %mul3A_27, %mul3A_68 : i32
      %add3A_70 = arith.constant 1 : i32
      %add3A_71 = arith.addi %mul3A_69, %add3A_70 : i32
      %dma_wait3A_72 = arith.constant 128 : i32
      %dma_wait3A_73 = arith.constant 0 : i32
      %dma_wait3A_74 = tpu.memref_slice %arg6[%dma_wait3A_72, %dma_wait3A_73] : memref<256x128xf32, #tpu.memory_space<vmem>> -> memref<128x128xf32, #tpu.memory_space<vmem>>
      %dma_wait3A_75 = arith.constant 0 : i32
      %dma_wait3A_76 = tpu.memref_slice %arg5[%add3A_71, %dma_wait3A_75] : memref<256x128xi32, #tpu.memory_space<vmem>> -> memref<1x128xi32, #tpu.memory_space<vmem>>
      %dma_wait3A_77 = tpu.memref_squeeze %dma_wait3A_76 : memref<1x128xi32, #tpu.memory_space<vmem>> -> memref<128xi32, #tpu.memory_space<vmem>>
      %dma_wait3A_78 = arith.constant 0 : i32
      %dma_wait3A_79 = arith.constant 0 : i32
      %dma_wait3A_80 = tpu.memref_slice %arg2[%dma_wait3A_78, %dma_wait3A_79] : memref<32768x128xf32, #tpu.memory_space<hbm>> -> memref<32768x128xf32, #tpu.memory_space<hbm>>
      tpu.wait_indirect_dma semaphore(%arg8 : memref<!tpu.dma_semaphore, #tpu.memory_space<semaphore_mem>>) src(%dma_wait3A_80 : memref<32768x128xf32, #tpu.memory_space<hbm>>) dst(%dma_wait3A_74 : memref<128x128xf32, #tpu.memory_space<vmem>>)
      "tpu.region"() ({
        %run_scoped3A = tpu.sem_alloc : memref<!tpu.dma_semaphore, #tpu.memory_space<semaphore_mem>>
        %dma_start3A_109 = arith.constant 0 : i32
        %dma_start3A_110 = arith.constant 0 : i32
        %dma_start3A_111 = tpu.memref_slice %arg4[%add3A, %mul3A_27, %dma_start3A_109, %dma_start3A_110] : memref<32x128x256x128xf32, #tpu.memory_space<hbm>> -> memref<1x1x256x128xf32, #tpu.memory_space<hbm>>
        %dma_start3A_112 = tpu.memref_squeeze %dma_start3A_111 : memref<1x1x256x128xf32, #tpu.memory_space<hbm>> -> memref<256x128xf32, #tpu.memory_space<hbm>>
        %dma_start3A_113 = arith.constant 0 : i32
        %dma_start3A_114 = arith.constant 0 : i32
        %dma_start3A_115 = tpu.memref_slice %arg4[%add3A, %mul3A_27, %dma_start3A_113, %dma_start3A_114] : memref<32x128x256x128xf32, #tpu.memory_space<hbm>> -> memref<1x1x256x128xf32, #tpu.memory_space<hbm>>
        %dma_start3A_116 = tpu.memref_squeeze %dma_start3A_115 : memref<1x1x256x128xf32, #tpu.memory_space<hbm>> -> memref<256x128xf32, #tpu.memory_space<hbm>>
        tpu.enqueue_dma source(%arg6 : memref<256x128xf32, #tpu.memory_space<vmem>>) target(%dma_start3A_116 : memref<256x128xf32, #tpu.memory_space<hbm>>) target_semaphore(%run_scoped3A : memref<!tpu.dma_semaphore, #tpu.memory_space<semaphore_mem>>)
        %dma_wait3A_117 = arith.constant 0 : i32
        %dma_wait3A_118 = arith.constant 0 : i32
        %dma_wait3A_119 = tpu.memref_slice %arg4[%add3A, %mul3A_27, %dma_wait3A_117, %dma_wait3A_118] : memref<32x128x256x128xf32, #tpu.memory_space<hbm>> -> memref<1x1x256x128xf32, #tpu.memory_space<hbm>>
        %dma_wait3A_120 = tpu.memref_squeeze %dma_wait3A_119 : memref<1x1x256x128xf32, #tpu.memory_space<hbm>> -> memref<256x128xf32, #tpu.memory_space<hbm>>
        %dma_wait3A_121 = arith.constant 0 : i32
        %dma_wait3A_122 = arith.constant 0 : i32
        %dma_wait3A_123 = tpu.memref_slice %arg4[%add3A, %mul3A_27, %dma_wait3A_121, %dma_wait3A_122] : memref<32x128x256x128xf32, #tpu.memory_space<hbm>> -> memref<1x1x256x128xf32, #tpu.memory_space<hbm>>
        %dma_wait3A_124 = tpu.memref_squeeze %dma_wait3A_123 : memref<1x1x256x128xf32, #tpu.memory_space<hbm>> -> memref<256x128xf32, #tpu.memory_space<hbm>>
        tpu.wait_dma2 semaphore(%run_scoped3A : memref<!tpu.dma_semaphore, #tpu.memory_space<semaphore_mem>>) src(%arg6 : memref<256x128xf32, #tpu.memory_space<vmem>>) dst(%dma_wait3A_124 : memref<256x128xf32, #tpu.memory_space<hbm>>)
        tpu.yield
      }) : () -> ()
      %lt3A = arith.constant 63 : i32
      %lt3A_81 = arith.cmpi slt, %scan3A_25, %lt3A : i32
      %convert_element_type3A = arith.extui %lt3A_81 : i1 to i32
      %cond3A = arith.constant 0 : i32
      %cond3A_82 = arith.cmpi ne, %convert_element_type3A, %cond3A : i32
      scf.if %cond3A_82 {
        %add3A_109 = arith.constant 2 : i32
        %add3A_110 = arith.addi %mul3A_27, %add3A_109 : i32
        %mul3A_111 = arith.constant 2 : i32
        %mul3A_112 = arith.muli %add3A_110, %mul3A_111 : i32
        %add3A_113 = arith.constant 0 : i32
        %add3A_114 = arith.addi %mul3A_112, %add3A_113 : i32
        %dma_start3A_115 = arith.constant 0 : i32
        %dma_start3A_116 = arith.constant 0 : i32
        %dma_start3A_117 = tpu.memref_slice %arg6[%dma_start3A_115, %dma_start3A_116] : memref<256x128xf32, #tpu.memory_space<vmem>> -> memref<128x128xf32, #tpu.memory_space<vmem>>
        %dma_start3A_118 = arith.constant 0 : i32
        %dma_start3A_119 = tpu.memref_slice %arg5[%add3A_114, %dma_start3A_118] : memref<256x128xi32, #tpu.memory_space<vmem>> -> memref<1x128xi32, #tpu.memory_space<vmem>>
        %dma_start3A_120 = tpu.memref_squeeze %dma_start3A_119 : memref<1x128xi32, #tpu.memory_space<vmem>> -> memref<128xi32, #tpu.memory_space<vmem>>
        %dma_start3A_121 = arith.constant 0 : i32
        %dma_start3A_122 = arith.constant 0 : i32
        %dma_start3A_123 = tpu.memref_slice %arg2[%dma_start3A_121, %dma_start3A_122] : memref<32768x128xf32, #tpu.memory_space<hbm>> -> memref<32768x128xf32, #tpu.memory_space<hbm>>
        tpu.enqueue_indirect_dma source(%dma_start3A_123 : memref<32768x128xf32, #tpu.memory_space<hbm>>) target(%dma_start3A_117 : memref<128x128xf32, #tpu.memory_space<vmem>>) offsets(%dma_start3A_120 : memref<128xi32, #tpu.memory_space<vmem>>) semaphore(%arg8 : memref<!tpu.dma_semaphore, #tpu.memory_space<semaphore_mem>>)
        %mul3A_124 = arith.constant 2 : i32
        %mul3A_125 = arith.muli %add3A_110, %mul3A_124 : i32
        %add3A_126 = arith.constant 1 : i32
        %add3A_127 = arith.addi %mul3A_125, %add3A_126 : i32
        %dma_start3A_128 = arith.constant 128 : i32
        %dma_start3A_129 = arith.constant 0 : i32
        %dma_start3A_130 = tpu.memref_slice %arg6[%dma_start3A_128, %dma_start3A_129] : memref<256x128xf32, #tpu.memory_space<vmem>> -> memref<128x128xf32, #tpu.memory_space<vmem>>
        %dma_start3A_131 = arith.constant 0 : i32
        %dma_start3A_132 = tpu.memref_slice %arg5[%add3A_127, %dma_start3A_131] : memref<256x128xi32, #tpu.memory_space<vmem>> -> memref<1x128xi32, #tpu.memory_space<vmem>>
        %dma_start3A_133 = tpu.memref_squeeze %dma_start3A_132 : memref<1x128xi32, #tpu.memory_space<vmem>> -> memref<128xi32, #tpu.memory_space<vmem>>
        %dma_start3A_134 = arith.constant 0 : i32
        %dma_start3A_135 = arith.constant 0 : i32
        %dma_start3A_136 = tpu.memref_slice %arg2[%dma_start3A_134, %dma_start3A_135] : memref<32768x128xf32, #tpu.memory_space<hbm>> -> memref<32768x128xf32, #tpu.memory_space<hbm>>
        tpu.enqueue_indirect_dma source(%dma_start3A_136 : memref<32768x128xf32, #tpu.memory_space<hbm>>) target(%dma_start3A_130 : memref<128x128xf32, #tpu.memory_space<vmem>>) offsets(%dma_start3A_133 : memref<128xi32, #tpu.memory_space<vmem>>) semaphore(%arg8 : memref<!tpu.dma_semaphore, #tpu.memory_space<semaphore_mem>>)
      } else {
      }
      %mul3A_83 = arith.constant 2 : i32
      %mul3A_84 = arith.muli %add3A_29, %mul3A_83 : i32
      %add3A_85 = arith.constant 0 : i32
      %add3A_86 = arith.addi %mul3A_84, %add3A_85 : i32
      %dma_wait3A_87 = arith.constant 0 : i32
      %dma_wait3A_88 = arith.constant 0 : i32
      %dma_wait3A_89 = tpu.memref_slice %arg7[%dma_wait3A_87, %dma_wait3A_88] : memref<256x128xf32, #tpu.memory_space<vmem>> -> memref<128x128xf32, #tpu.memory_space<vmem>>
      %dma_wait3A_90 = arith.constant 0 : i32
      %dma_wait3A_91 = tpu.memref_slice %arg5[%add3A_86, %dma_wait3A_90] : memref<256x128xi32, #tpu.memory_space<vmem>> -> memref<1x128xi32, #tpu.memory_space<vmem>>
      %dma_wait3A_92 = tpu.memref_squeeze %dma_wait3A_91 : memref<1x128xi32, #tpu.memory_space<vmem>> -> memref<128xi32, #tpu.memory_space<vmem>>
      %dma_wait3A_93 = arith.constant 0 : i32
      %dma_wait3A_94 = arith.constant 0 : i32
      %dma_wait3A_95 = tpu.memref_slice %arg2[%dma_wait3A_93, %dma_wait3A_94] : memref<32768x128xf32, #tpu.memory_space<hbm>> -> memref<32768x128xf32, #tpu.memory_space<hbm>>
      tpu.wait_indirect_dma semaphore(%arg9 : memref<!tpu.dma_semaphore, #tpu.memory_space<semaphore_mem>>) src(%dma_wait3A_95 : memref<32768x128xf32, #tpu.memory_space<hbm>>) dst(%dma_wait3A_89 : memref<128x128xf32, #tpu.memory_space<vmem>>)
      %mul3A_96 = arith.constant 2 : i32
      %mul3A_97 = arith.muli %add3A_29, %mul3A_96 : i32
      %add3A_98 = arith.constant 1 : i32
      %add3A_99 = arith.addi %mul3A_97, %add3A_98 : i32
      %dma_wait3A_100 = arith.constant 128 : i32
      %dma_wait3A_101 = arith.constant 0 : i32
      %dma_wait3A_102 = tpu.memref_slice %arg7[%dma_wait3A_100, %dma_wait3A_101] : memref<256x128xf32, #tpu.memory_space<vmem>> -> memref<128x128xf32, #tpu.memory_space<vmem>>
      %dma_wait3A_103 = arith.constant 0 : i32
      %dma_wait3A_104 = tpu.memref_slice %arg5[%add3A_99, %dma_wait3A_103] : memref<256x128xi32, #tpu.memory_space<vmem>> -> memref<1x128xi32, #tpu.memory_space<vmem>>
      %dma_wait3A_105 = tpu.memref_squeeze %dma_wait3A_104 : memref<1x128xi32, #tpu.memory_space<vmem>> -> memref<128xi32, #tpu.memory_space<vmem>>
      %dma_wait3A_106 = arith.constant 0 : i32
      %dma_wait3A_107 = arith.constant 0 : i32
      %dma_wait3A_108 = tpu.memref_slice %arg2[%dma_wait3A_106, %dma_wait3A_107] : memref<32768x128xf32, #tpu.memory_space<hbm>> -> memref<32768x128xf32, #tpu.memory_space<hbm>>
      tpu.wait_indirect_dma semaphore(%arg9 : memref<!tpu.dma_semaphore, #tpu.memory_space<semaphore_mem>>) src(%dma_wait3A_108 : memref<32768x128xf32, #tpu.memory_space<hbm>>) dst(%dma_wait3A_102 : memref<128x128xf32, #tpu.memory_space<vmem>>)
      "tpu.region"() ({
        %run_scoped3A = tpu.sem_alloc : memref<!tpu.dma_semaphore, #tpu.memory_space<semaphore_mem>>
        %dma_start3A_109 = arith.constant 0 : i32
        %dma_start3A_110 = arith.constant 0 : i32
        %dma_start3A_111 = tpu.memref_slice %arg4[%add3A, %add3A_29, %dma_start3A_109, %dma_start3A_110] : memref<32x128x256x128xf32, #tpu.memory_space<hbm>> -> memref<1x1x256x128xf32, #tpu.memory_space<hbm>>
        %dma_start3A_112 = tpu.memref_squeeze %dma_start3A_111 : memref<1x1x256x128xf32, #tpu.memory_space<hbm>> -> memref<256x128xf32, #tpu.memory_space<hbm>>
        %dma_start3A_113 = arith.constant 0 : i32
        %dma_start3A_114 = arith.constant 0 : i32
        %dma_start3A_115 = tpu.memref_slice %arg4[%add3A, %add3A_29, %dma_start3A_113, %dma_start3A_114] : memref<32x128x256x128xf32, #tpu.memory_space<hbm>> -> memref<1x1x256x128xf32, #tpu.memory_space<hbm>>
        %dma_start3A_116 = tpu.memref_squeeze %dma_start3A_115 : memref<1x1x256x128xf32, #tpu.memory_space<hbm>> -> memref<256x128xf32, #tpu.memory_space<hbm>>
        tpu.enqueue_dma source(%arg7 : memref<256x128xf32, #tpu.memory_space<vmem>>) target(%dma_start3A_116 : memref<256x128xf32, #tpu.memory_space<hbm>>) target_semaphore(%run_scoped3A : memref<!tpu.dma_semaphore, #tpu.memory_space<semaphore_mem>>)
        %dma_wait3A_117 = arith.constant 0 : i32
        %dma_wait3A_118 = arith.constant 0 : i32
        %dma_wait3A_119 = tpu.memref_slice %arg4[%add3A, %add3A_29, %dma_wait3A_117, %dma_wait3A_118] : memref<32x128x256x128xf32, #tpu.memory_space<hbm>> -> memref<1x1x256x128xf32, #tpu.memory_space<hbm>>
        %dma_wait3A_120 = tpu.memref_squeeze %dma_wait3A_119 : memref<1x1x256x128xf32, #tpu.memory_space<hbm>> -> memref<256x128xf32, #tpu.memory_space<hbm>>
        %dma_wait3A_121 = arith.constant 0 : i32
        %dma_wait3A_122 = arith.constant 0 : i32
        %dma_wait3A_123 = tpu.memref_slice %arg4[%add3A, %add3A_29, %dma_wait3A_121, %dma_wait3A_122] : memref<32x128x256x128xf32, #tpu.memory_space<hbm>> -> memref<1x1x256x128xf32, #tpu.memory_space<hbm>>
        %dma_wait3A_124 = tpu.memref_squeeze %dma_wait3A_123 : memref<1x1x256x128xf32, #tpu.memory_space<hbm>> -> memref<256x128xf32, #tpu.memory_space<hbm>>
        tpu.wait_dma2 semaphore(%run_scoped3A : memref<!tpu.dma_semaphore, #tpu.memory_space<semaphore_mem>>) src(%arg7 : memref<256x128xf32, #tpu.memory_space<vmem>>) dst(%dma_wait3A_124 : memref<256x128xf32, #tpu.memory_space<hbm>>)
        tpu.yield
      }) : () -> ()
    }
    %scan3A_24 = arith.constant 64 : i32
    return
  }
}

#map = affine_map<(d0, d1) -> (0, 0)>
#map1 = affine_map<(d0, d1) -> (0, 0, 0)>
#map2 = affine_map<(d0, d1) -> (0, 0, 0, 0)>
module attributes {stable_mosaic.version = 14 : i64} {
  func.func @_gather_body(%arg0: i32, %arg1: i32, %arg2: memref<32768x128xf32, #tpu.memory_space<hbm>>, %arg3: memref<32x256x128xi32, #tpu.memory_space<hbm>>, %arg4: memref<32x128x256x128xf32, #tpu.memory_space<hbm>>, %arg5: memref<256x128xi32, #tpu.memory_space<vmem>>, %arg6: memref<256x128xf32, #tpu.memory_space<vmem>>, %arg7: memref<256x128xf32, #tpu.memory_space<vmem>>, %arg8: memref<!tpu.dma_semaphore, #tpu.memory_space<semaphore_mem>>, %arg9: memref<!tpu.dma_semaphore, #tpu.memory_space<semaphore_mem>>) attributes {dimension_semantics = [#tpu.dimension_semantics<core_parallel>, #tpu.dimension_semantics<subcore_parallel>], iteration_bounds = array<i64: 2, 16>, scalar_prefetch = 0 : i64, scratch_operands = 5 : i64, tpu.core_type = #tpu.core_type<sc_vector_subcore>, window_params = [{transform_indices = #map}, {transform_indices = #map1}, {transform_indices = #map2}]} {
    %mul3A = arith.constant 2 : i32
    %mul3A_0 = arith.muli %arg1, %mul3A : i32
    %add3A = arith.addi %mul3A_0, %arg0 : i32
    "tpu.region"() ({
      %run_scoped3A = tpu.sem_alloc : memref<!tpu.dma_semaphore, #tpu.memory_space<semaphore_mem>>
      %dma_start3A_25 = arith.constant 0 : i32
      %dma_start3A_26 = arith.constant 0 : i32
      %dma_start3A_27 = tpu.memref_slice %arg3[%add3A, %dma_start3A_25, %dma_start3A_26] : memref<32x256x128xi32, #tpu.memory_space<hbm>> -> memref<1x256x128xi32, #tpu.memory_space<hbm>>
      %dma_start3A_28 = tpu.memref_squeeze %dma_start3A_27 : memref<1x256x128xi32, #tpu.memory_space<hbm>> -> memref<256x128xi32, #tpu.memory_space<hbm>>
      %dma_start3A_29 = arith.constant 0 : i32
      %dma_start3A_30 = arith.constant 0 : i32
      %dma_start3A_31 = tpu.memref_slice %arg3[%add3A, %dma_start3A_29, %dma_start3A_30] : memref<32x256x128xi32, #tpu.memory_space<hbm>> -> memref<1x256x128xi32, #tpu.memory_space<hbm>>
      %dma_start3A_32 = tpu.memref_squeeze %dma_start3A_31 : memref<1x256x128xi32, #tpu.memory_space<hbm>> -> memref<256x128xi32, #tpu.memory_space<hbm>>
      tpu.enqueue_dma source(%dma_start3A_32 : memref<256x128xi32, #tpu.memory_space<hbm>>) target(%arg5 : memref<256x128xi32, #tpu.memory_space<vmem>>) target_semaphore(%run_scoped3A : memref<!tpu.dma_semaphore, #tpu.memory_space<semaphore_mem>>)
      %dma_wait3A = arith.constant 0 : i32
      %dma_wait3A_33 = arith.constant 0 : i32
      %dma_wait3A_34 = tpu.memref_slice %arg3[%add3A, %dma_wait3A, %dma_wait3A_33] : memref<32x256x128xi32, #tpu.memory_space<hbm>> -> memref<1x256x128xi32, #tpu.memory_space<hbm>>
      %dma_wait3A_35 = tpu.memref_squeeze %dma_wait3A_34 : memref<1x256x128xi32, #tpu.memory_space<hbm>> -> memref<256x128xi32, #tpu.memory_space<hbm>>
      %dma_wait3A_36 = arith.constant 0 : i32
      %dma_wait3A_37 = arith.constant 0 : i32
      %dma_wait3A_38 = tpu.memref_slice %arg3[%add3A, %dma_wait3A_36, %dma_wait3A_37] : memref<32x256x128xi32, #tpu.memory_space<hbm>> -> memref<1x256x128xi32, #tpu.memory_space<hbm>>
      %dma_wait3A_39 = tpu.memref_squeeze %dma_wait3A_38 : memref<1x256x128xi32, #tpu.memory_space<hbm>> -> memref<256x128xi32, #tpu.memory_space<hbm>>
      tpu.wait_dma2 semaphore(%run_scoped3A : memref<!tpu.dma_semaphore, #tpu.memory_space<semaphore_mem>>) src(%dma_wait3A_39 : memref<256x128xi32, #tpu.memory_space<hbm>>) dst(%arg5 : memref<256x128xi32, #tpu.memory_space<vmem>>)
      tpu.yield
    }) : () -> ()
    %dma_start3A = arith.constant 0 : i32
    %dma_start3A_1 = arith.constant 0 : i32
    %dma_start3A_2 = arith.constant 0 : i32
    %dma_start3A_3 = tpu.memref_slice %arg6[%dma_start3A_1, %dma_start3A_2] : memref<256x128xf32, #tpu.memory_space<vmem>> -> memref<128x128xf32, #tpu.memory_space<vmem>>
    %dma_start3A_4 = arith.constant 0 : i32
    %dma_start3A_5 = tpu.memref_slice %arg5[%dma_start3A, %dma_start3A_4] : memref<256x128xi32, #tpu.memory_space<vmem>> -> memref<1x128xi32, #tpu.memory_space<vmem>>
    %dma_start3A_6 = tpu.memref_squeeze %dma_start3A_5 : memref<1x128xi32, #tpu.memory_space<vmem>> -> memref<128xi32, #tpu.memory_space<vmem>>
    %dma_start3A_7 = arith.constant 0 : i32
    %dma_start3A_8 = arith.constant 0 : i32
    %dma_start3A_9 = tpu.memref_slice %arg2[%dma_start3A_7, %dma_start3A_8] : memref<32768x128xf32, #tpu.memory_space<hbm>> -> memref<32768x128xf32, #tpu.memory_space<hbm>>
    tpu.enqueue_indirect_dma source(%dma_start3A_9 : memref<32768x128xf32, #tpu.memory_space<hbm>>) target(%dma_start3A_3 : memref<128x128xf32, #tpu.memory_space<vmem>>) offsets(%dma_start3A_6 : memref<128xi32, #tpu.memory_space<vmem>>) semaphore(%arg8 : memref<!tpu.dma_semaphore, #tpu.memory_space<semaphore_mem>>)
    %dma_start3A_10 = arith.constant 1 : i32
    %dma_start3A_11 = arith.constant 128 : i32
    %dma_start3A_12 = arith.constant 0 : i32
    %dma_start3A_13 = tpu.memref_slice %arg6[%dma_start3A_11, %dma_start3A_12] : memref<256x128xf32, #tpu.memory_space<vmem>> -> memref<128x128xf32, #tpu.memory_space<vmem>>
    %dma_start3A_14 = arith.constant 0 : i32
    %dma_start3A_15 = tpu.memref_slice %arg5[%dma_start3A_10, %dma_start3A_14] : memref<256x128xi32, #tpu.memory_space<vmem>> -> memref<1x128xi32, #tpu.memory_space<vmem>>
    %dma_start3A_16 = tpu.memref_squeeze %dma_start3A_15 : memref<1x128xi32, #tpu.memory_space<vmem>> -> memref<128xi32, #tpu.memory_space<vmem>>
    %dma_start3A_17 = arith.constant 0 : i32
    %dma_start3A_18 = arith.constant 0 : i32
    %dma_start3A_19 = tpu.memref_slice %arg2[%dma_start3A_17, %dma_start3A_18] : memref<32768x128xf32, #tpu.memory_space<hbm>> -> memref<32768x128xf32, #tpu.memory_space<hbm>>
    tpu.enqueue_indirect_dma source(%dma_start3A_19 : memref<32768x128xf32, #tpu.memory_space<hbm>>) target(%dma_start3A_13 : memref<128x128xf32, #tpu.memory_space<vmem>>) offsets(%dma_start3A_16 : memref<128xi32, #tpu.memory_space<vmem>>) semaphore(%arg8 : memref<!tpu.dma_semaphore, #tpu.memory_space<semaphore_mem>>)
    %scan3A = arith.constant 0 : i32
    %scan3A_20 = arith.constant 0 : i32
    %scan3A_21 = arith.constant 64 : i32
    %scan3A_22 = arith.addi %scan3A_20, %scan3A_21 : i32
    %scan3A_23 = arith.constant 1 : i32
    scf.for %scan3A_25 = %scan3A_20 to %scan3A_22 step %scan3A_23  : i32 {
      %mul3A_26 = arith.constant 2 : i32
      %mul3A_27 = arith.muli %mul3A_26, %scan3A_25 : i32
      %add3A_28 = arith.constant 1 : i32
      %add3A_29 = arith.addi %mul3A_27, %add3A_28 : i32
      %mul3A_30 = arith.constant 2 : i32
      %mul3A_31 = arith.muli %add3A_29, %mul3A_30 : i32
      %add3A_32 = arith.constant 0 : i32
      %add3A_33 = arith.addi %mul3A_31, %add3A_32 : i32
      %dma_start3A_34 = arith.constant 0 : i32
      %dma_start3A_35 = arith.constant 0 : i32
      %dma_start3A_36 = tpu.memref_slice %arg7[%dma_start3A_34, %dma_start3A_35] : memref<256x128xf32, #tpu.memory_space<vmem>> -> memref<128x128xf32, #tpu.memory_space<vmem>>
      %dma_start3A_37 = arith.constant 0 : i32
      %dma_start3A_38 = tpu.memref_slice %arg5[%add3A_33, %dma_start3A_37] : memref<256x128xi32, #tpu.memory_space<vmem>> -> memref<1x128xi32, #tpu.memory_space<vmem>>
      %dma_start3A_39 = tpu.memref_squeeze %dma_start3A_38 : memref<1x128xi32, #tpu.memory_space<vmem>> -> memref<128xi32, #tpu.memory_space<vmem>>
      %dma_start3A_40 = arith.constant 0 : i32
      %dma_start3A_41 = arith.constant 0 : i32
      %dma_start3A_42 = tpu.memref_slice %arg2[%dma_start3A_40, %dma_start3A_41] : memref<32768x128xf32, #tpu.memory_space<hbm>> -> memref<32768x128xf32, #tpu.memory_space<hbm>>
      tpu.enqueue_indirect_dma source(%dma_start3A_42 : memref<32768x128xf32, #tpu.memory_space<hbm>>) target(%dma_start3A_36 : memref<128x128xf32, #tpu.memory_space<vmem>>) offsets(%dma_start3A_39 : memref<128xi32, #tpu.memory_space<vmem>>) semaphore(%arg9 : memref<!tpu.dma_semaphore, #tpu.memory_space<semaphore_mem>>)
      %mul3A_43 = arith.constant 2 : i32
      %mul3A_44 = arith.muli %add3A_29, %mul3A_43 : i32
      %add3A_45 = arith.constant 1 : i32
      %add3A_46 = arith.addi %mul3A_44, %add3A_45 : i32
      %dma_start3A_47 = arith.constant 128 : i32
      %dma_start3A_48 = arith.constant 0 : i32
      %dma_start3A_49 = tpu.memref_slice %arg7[%dma_start3A_47, %dma_start3A_48] : memref<256x128xf32, #tpu.memory_space<vmem>> -> memref<128x128xf32, #tpu.memory_space<vmem>>
      %dma_start3A_50 = arith.constant 0 : i32
      %dma_start3A_51 = tpu.memref_slice %arg5[%add3A_46, %dma_start3A_50] : memref<256x128xi32, #tpu.memory_space<vmem>> -> memref<1x128xi32, #tpu.memory_space<vmem>>
      %dma_start3A_52 = tpu.memref_squeeze %dma_start3A_51 : memref<1x128xi32, #tpu.memory_space<vmem>> -> memref<128xi32, #tpu.memory_space<vmem>>
      %dma_start3A_53 = arith.constant 0 : i32
      %dma_start3A_54 = arith.constant 0 : i32
      %dma_start3A_55 = tpu.memref_slice %arg2[%dma_start3A_53, %dma_start3A_54] : memref<32768x128xf32, #tpu.memory_space<hbm>> -> memref<32768x128xf32, #tpu.memory_space<hbm>>
      tpu.enqueue_indirect_dma source(%dma_start3A_55 : memref<32768x128xf32, #tpu.memory_space<hbm>>) target(%dma_start3A_49 : memref<128x128xf32, #tpu.memory_space<vmem>>) offsets(%dma_start3A_52 : memref<128xi32, #tpu.memory_space<vmem>>) semaphore(%arg9 : memref<!tpu.dma_semaphore, #tpu.memory_space<semaphore_mem>>)
      %mul3A_56 = arith.constant 2 : i32
      %mul3A_57 = arith.muli %mul3A_27, %mul3A_56 : i32
      %add3A_58 = arith.constant 0 : i32
      %add3A_59 = arith.addi %mul3A_57, %add3A_58 : i32
      %dma_wait3A = arith.constant 0 : i32
      %dma_wait3A_60 = arith.constant 0 : i32
      %dma_wait3A_61 = tpu.memref_slice %arg6[%dma_wait3A, %dma_wait3A_60] : memref<256x128xf32, #tpu.memory_space<vmem>> -> memref<128x128xf32, #tpu.memory_space<vmem>>
      %dma_wait3A_62 = arith.constant 0 : i32
      %dma_wait3A_63 = tpu.memref_slice %arg5[%add3A_59, %dma_wait3A_62] : memref<256x128xi32, #tpu.memory_space<vmem>> -> memref<1x128xi32, #tpu.memory_space<vmem>>
      %dma_wait3A_64 = tpu.memref_squeeze %dma_wait3A_63 : memref<1x128xi32, #tpu.memory_space<vmem>> -> memref<128xi32, #tpu.memory_space<vmem>>
      %dma_wait3A_65 = arith.constant 0 : i32
      %dma_wait3A_66 = arith.constant 0 : i32
      %dma_wait3A_67 = tpu.memref_slice %arg2[%dma_wait3A_65, %dma_wait3A_66] : memref<32768x128xf32, #tpu.memory_space<hbm>> -> memref<32768x128xf32, #tpu.memory_space<hbm>>
      tpu.wait_indirect_dma semaphore(%arg8 : memref<!tpu.dma_semaphore, #tpu.memory_space<semaphore_mem>>) src(%dma_wait3A_67 : memref<32768x128xf32, #tpu.memory_space<hbm>>) dst(%dma_wait3A_61 : memref<128x128xf32, #tpu.memory_space<vmem>>)
      %mul3A_68 = arith.constant 2 : i32
      %mul3A_69 = arith.muli %mul3A_27, %mul3A_68 : i32
      %add3A_70 = arith.constant 1 : i32
      %add3A_71 = arith.addi %mul3A_69, %add3A_70 : i32
      %dma_wait3A_72 = arith.constant 128 : i32
      %dma_wait3A_73 = arith.constant 0 : i32
      %dma_wait3A_74 = tpu.memref_slice %arg6[%dma_wait3A_72, %dma_wait3A_73] : memref<256x128xf32, #tpu.memory_space<vmem>> -> memref<128x128xf32, #tpu.memory_space<vmem>>
      %dma_wait3A_75 = arith.constant 0 : i32
      %dma_wait3A_76 = tpu.memref_slice %arg5[%add3A_71, %dma_wait3A_75] : memref<256x128xi32, #tpu.memory_space<vmem>> -> memref<1x128xi32, #tpu.memory_space<vmem>>
      %dma_wait3A_77 = tpu.memref_squeeze %dma_wait3A_76 : memref<1x128xi32, #tpu.memory_space<vmem>> -> memref<128xi32, #tpu.memory_space<vmem>>
      %dma_wait3A_78 = arith.constant 0 : i32
      %dma_wait3A_79 = arith.constant 0 : i32
      %dma_wait3A_80 = tpu.memref_slice %arg2[%dma_wait3A_78, %dma_wait3A_79] : memref<32768x128xf32, #tpu.memory_space<hbm>> -> memref<32768x128xf32, #tpu.memory_space<hbm>>
      tpu.wait_indirect_dma semaphore(%arg8 : memref<!tpu.dma_semaphore, #tpu.memory_space<semaphore_mem>>) src(%dma_wait3A_80 : memref<32768x128xf32, #tpu.memory_space<hbm>>) dst(%dma_wait3A_74 : memref<128x128xf32, #tpu.memory_space<vmem>>)
      "tpu.region"() ({
        %run_scoped3A = tpu.sem_alloc : memref<!tpu.dma_semaphore, #tpu.memory_space<semaphore_mem>>
        %dma_start3A_109 = arith.constant 0 : i32
        %dma_start3A_110 = arith.constant 0 : i32
        %dma_start3A_111 = tpu.memref_slice %arg4[%add3A, %mul3A_27, %dma_start3A_109, %dma_start3A_110] : memref<32x128x256x128xf32, #tpu.memory_space<hbm>> -> memref<1x1x256x128xf32, #tpu.memory_space<hbm>>
        %dma_start3A_112 = tpu.memref_squeeze %dma_start3A_111 : memref<1x1x256x128xf32, #tpu.memory_space<hbm>> -> memref<256x128xf32, #tpu.memory_space<hbm>>
        %dma_start3A_113 = arith.constant 0 : i32
        %dma_start3A_114 = arith.constant 0 : i32
        %dma_start3A_115 = tpu.memref_slice %arg4[%add3A, %mul3A_27, %dma_start3A_113, %dma_start3A_114] : memref<32x128x256x128xf32, #tpu.memory_space<hbm>> -> memref<1x1x256x128xf32, #tpu.memory_space<hbm>>
        %dma_start3A_116 = tpu.memref_squeeze %dma_start3A_115 : memref<1x1x256x128xf32, #tpu.memory_space<hbm>> -> memref<256x128xf32, #tpu.memory_space<hbm>>
        tpu.enqueue_dma source(%arg6 : memref<256x128xf32, #tpu.memory_space<vmem>>) target(%dma_start3A_116 : memref<256x128xf32, #tpu.memory_space<hbm>>) target_semaphore(%run_scoped3A : memref<!tpu.dma_semaphore, #tpu.memory_space<semaphore_mem>>)
        %dma_wait3A_117 = arith.constant 0 : i32
        %dma_wait3A_118 = arith.constant 0 : i32
        %dma_wait3A_119 = tpu.memref_slice %arg4[%add3A, %mul3A_27, %dma_wait3A_117, %dma_wait3A_118] : memref<32x128x256x128xf32, #tpu.memory_space<hbm>> -> memref<1x1x256x128xf32, #tpu.memory_space<hbm>>
        %dma_wait3A_120 = tpu.memref_squeeze %dma_wait3A_119 : memref<1x1x256x128xf32, #tpu.memory_space<hbm>> -> memref<256x128xf32, #tpu.memory_space<hbm>>
        %dma_wait3A_121 = arith.constant 0 : i32
        %dma_wait3A_122 = arith.constant 0 : i32
        %dma_wait3A_123 = tpu.memref_slice %arg4[%add3A, %mul3A_27, %dma_wait3A_121, %dma_wait3A_122] : memref<32x128x256x128xf32, #tpu.memory_space<hbm>> -> memref<1x1x256x128xf32, #tpu.memory_space<hbm>>
        %dma_wait3A_124 = tpu.memref_squeeze %dma_wait3A_123 : memref<1x1x256x128xf32, #tpu.memory_space<hbm>> -> memref<256x128xf32, #tpu.memory_space<hbm>>
        tpu.wait_dma2 semaphore(%run_scoped3A : memref<!tpu.dma_semaphore, #tpu.memory_space<semaphore_mem>>) src(%arg6 : memref<256x128xf32, #tpu.memory_space<vmem>>) dst(%dma_wait3A_124 : memref<256x128xf32, #tpu.memory_space<hbm>>)
        tpu.yield
      }) : () -> ()
      %lt3A = arith.constant 63 : i32
      %lt3A_81 = arith.cmpi slt, %scan3A_25, %lt3A : i32
      %convert_element_type3A = arith.extui %lt3A_81 : i1 to i32
      %cond3A = arith.constant 0 : i32
      %cond3A_82 = arith.cmpi ne, %convert_element_type3A, %cond3A : i32
      scf.if %cond3A_82 {
        %add3A_109 = arith.constant 2 : i32
        %add3A_110 = arith.addi %mul3A_27, %add3A_109 : i32
        %mul3A_111 = arith.constant 2 : i32
        %mul3A_112 = arith.muli %add3A_110, %mul3A_111 : i32
        %add3A_113 = arith.constant 0 : i32
        %add3A_114 = arith.addi %mul3A_112, %add3A_113 : i32
        %dma_start3A_115 = arith.constant 0 : i32
        %dma_start3A_116 = arith.constant 0 : i32
        %dma_start3A_117 = tpu.memref_slice %arg6[%dma_start3A_115, %dma_start3A_116] : memref<256x128xf32, #tpu.memory_space<vmem>> -> memref<128x128xf32, #tpu.memory_space<vmem>>
        %dma_start3A_118 = arith.constant 0 : i32
        %dma_start3A_119 = tpu.memref_slice %arg5[%add3A_114, %dma_start3A_118] : memref<256x128xi32, #tpu.memory_space<vmem>> -> memref<1x128xi32, #tpu.memory_space<vmem>>
        %dma_start3A_120 = tpu.memref_squeeze %dma_start3A_119 : memref<1x128xi32, #tpu.memory_space<vmem>> -> memref<128xi32, #tpu.memory_space<vmem>>
        %dma_start3A_121 = arith.constant 0 : i32
        %dma_start3A_122 = arith.constant 0 : i32
        %dma_start3A_123 = tpu.memref_slice %arg2[%dma_start3A_121, %dma_start3A_122] : memref<32768x128xf32, #tpu.memory_space<hbm>> -> memref<32768x128xf32, #tpu.memory_space<hbm>>
        tpu.enqueue_indirect_dma source(%dma_start3A_123 : memref<32768x128xf32, #tpu.memory_space<hbm>>) target(%dma_start3A_117 : memref<128x128xf32, #tpu.memory_space<vmem>>) offsets(%dma_start3A_120 : memref<128xi32, #tpu.memory_space<vmem>>) semaphore(%arg8 : memref<!tpu.dma_semaphore, #tpu.memory_space<semaphore_mem>>)
        %mul3A_124 = arith.constant 2 : i32
        %mul3A_125 = arith.muli %add3A_110, %mul3A_124 : i32
        %add3A_126 = arith.constant 1 : i32
        %add3A_127 = arith.addi %mul3A_125, %add3A_126 : i32
        %dma_start3A_128 = arith.constant 128 : i32
        %dma_start3A_129 = arith.constant 0 : i32
        %dma_start3A_130 = tpu.memref_slice %arg6[%dma_start3A_128, %dma_start3A_129] : memref<256x128xf32, #tpu.memory_space<vmem>> -> memref<128x128xf32, #tpu.memory_space<vmem>>
        %dma_start3A_131 = arith.constant 0 : i32
        %dma_start3A_132 = tpu.memref_slice %arg5[%add3A_127, %dma_start3A_131] : memref<256x128xi32, #tpu.memory_space<vmem>> -> memref<1x128xi32, #tpu.memory_space<vmem>>
        %dma_start3A_133 = tpu.memref_squeeze %dma_start3A_132 : memref<1x128xi32, #tpu.memory_space<vmem>> -> memref<128xi32, #tpu.memory_space<vmem>>
        %dma_start3A_134 = arith.constant 0 : i32
        %dma_start3A_135 = arith.constant 0 : i32
        %dma_start3A_136 = tpu.memref_slice %arg2[%dma_start3A_134, %dma_start3A_135] : memref<32768x128xf32, #tpu.memory_space<hbm>> -> memref<32768x128xf32, #tpu.memory_space<hbm>>
        tpu.enqueue_indirect_dma source(%dma_start3A_136 : memref<32768x128xf32, #tpu.memory_space<hbm>>) target(%dma_start3A_130 : memref<128x128xf32, #tpu.memory_space<vmem>>) offsets(%dma_start3A_133 : memref<128xi32, #tpu.memory_space<vmem>>) semaphore(%arg8 : memref<!tpu.dma_semaphore, #tpu.memory_space<semaphore_mem>>)
      } else {
      }
      %mul3A_83 = arith.constant 2 : i32
      %mul3A_84 = arith.muli %add3A_29, %mul3A_83 : i32
      %add3A_85 = arith.constant 0 : i32
      %add3A_86 = arith.addi %mul3A_84, %add3A_85 : i32
      %dma_wait3A_87 = arith.constant 0 : i32
      %dma_wait3A_88 = arith.constant 0 : i32
      %dma_wait3A_89 = tpu.memref_slice %arg7[%dma_wait3A_87, %dma_wait3A_88] : memref<256x128xf32, #tpu.memory_space<vmem>> -> memref<128x128xf32, #tpu.memory_space<vmem>>
      %dma_wait3A_90 = arith.constant 0 : i32
      %dma_wait3A_91 = tpu.memref_slice %arg5[%add3A_86, %dma_wait3A_90] : memref<256x128xi32, #tpu.memory_space<vmem>> -> memref<1x128xi32, #tpu.memory_space<vmem>>
      %dma_wait3A_92 = tpu.memref_squeeze %dma_wait3A_91 : memref<1x128xi32, #tpu.memory_space<vmem>> -> memref<128xi32, #tpu.memory_space<vmem>>
      %dma_wait3A_93 = arith.constant 0 : i32
      %dma_wait3A_94 = arith.constant 0 : i32
      %dma_wait3A_95 = tpu.memref_slice %arg2[%dma_wait3A_93, %dma_wait3A_94] : memref<32768x128xf32, #tpu.memory_space<hbm>> -> memref<32768x128xf32, #tpu.memory_space<hbm>>
      tpu.wait_indirect_dma semaphore(%arg9 : memref<!tpu.dma_semaphore, #tpu.memory_space<semaphore_mem>>) src(%dma_wait3A_95 : memref<32768x128xf32, #tpu.memory_space<hbm>>) dst(%dma_wait3A_89 : memref<128x128xf32, #tpu.memory_space<vmem>>)
      %mul3A_96 = arith.constant 2 : i32
      %mul3A_97 = arith.muli %add3A_29, %mul3A_96 : i32
      %add3A_98 = arith.constant 1 : i32
      %add3A_99 = arith.addi %mul3A_97, %add3A_98 : i32
      %dma_wait3A_100 = arith.constant 128 : i32
      %dma_wait3A_101 = arith.constant 0 : i32
      %dma_wait3A_102 = tpu.memref_slice %arg7[%dma_wait3A_100, %dma_wait3A_101] : memref<256x128xf32, #tpu.memory_space<vmem>> -> memref<128x128xf32, #tpu.memory_space<vmem>>
      %dma_wait3A_103 = arith.constant 0 : i32
      %dma_wait3A_104 = tpu.memref_slice %arg5[%add3A_99, %dma_wait3A_103] : memref<256x128xi32, #tpu.memory_space<vmem>> -> memref<1x128xi32, #tpu.memory_space<vmem>>
      %dma_wait3A_105 = tpu.memref_squeeze %dma_wait3A_104 : memref<1x128xi32, #tpu.memory_space<vmem>> -> memref<128xi32, #tpu.memory_space<vmem>>
      %dma_wait3A_106 = arith.constant 0 : i32
      %dma_wait3A_107 = arith.constant 0 : i32
      %dma_wait3A_108 = tpu.memref_slice %arg2[%dma_wait3A_106, %dma_wait3A_107] : memref<32768x128xf32, #tpu.memory_space<hbm>> -> memref<32768x128xf32, #tpu.memory_space<hbm>>
      tpu.wait_indirect_dma semaphore(%arg9 : memref<!tpu.dma_semaphore, #tpu.memory_space<semaphore_mem>>) src(%dma_wait3A_108 : memref<32768x128xf32, #tpu.memory_space<hbm>>) dst(%dma_wait3A_102 : memref<128x128xf32, #tpu.memory_space<vmem>>)
      "tpu.region"() ({
        %run_scoped3A = tpu.sem_alloc : memref<!tpu.dma_semaphore, #tpu.memory_space<semaphore_mem>>
        %dma_start3A_109 = arith.constant 0 : i32
        %dma_start3A_110 = arith.constant 0 : i32
        %dma_start3A_111 = tpu.memref_slice %arg4[%add3A, %add3A_29, %dma_start3A_109, %dma_start3A_110] : memref<32x128x256x128xf32, #tpu.memory_space<hbm>> -> memref<1x1x256x128xf32, #tpu.memory_space<hbm>>
        %dma_start3A_112 = tpu.memref_squeeze %dma_start3A_111 : memref<1x1x256x128xf32, #tpu.memory_space<hbm>> -> memref<256x128xf32, #tpu.memory_space<hbm>>
        %dma_start3A_113 = arith.constant 0 : i32
        %dma_start3A_114 = arith.constant 0 : i32
        %dma_start3A_115 = tpu.memref_slice %arg4[%add3A, %add3A_29, %dma_start3A_113, %dma_start3A_114] : memref<32x128x256x128xf32, #tpu.memory_space<hbm>> -> memref<1x1x256x128xf32, #tpu.memory_space<hbm>>
        %dma_start3A_116 = tpu.memref_squeeze %dma_start3A_115 : memref<1x1x256x128xf32, #tpu.memory_space<hbm>> -> memref<256x128xf32, #tpu.memory_space<hbm>>
        tpu.enqueue_dma source(%arg7 : memref<256x128xf32, #tpu.memory_space<vmem>>) target(%dma_start3A_116 : memref<256x128xf32, #tpu.memory_space<hbm>>) target_semaphore(%run_scoped3A : memref<!tpu.dma_semaphore, #tpu.memory_space<semaphore_mem>>)
        %dma_wait3A_117 = arith.constant 0 : i32
        %dma_wait3A_118 = arith.constant 0 : i32
        %dma_wait3A_119 = tpu.memref_slice %arg4[%add3A, %add3A_29, %dma_wait3A_117, %dma_wait3A_118] : memref<32x128x256x128xf32, #tpu.memory_space<hbm>> -> memref<1x1x256x128xf32, #tpu.memory_space<hbm>>
        %dma_wait3A_120 = tpu.memref_squeeze %dma_wait3A_119 : memref<1x1x256x128xf32, #tpu.memory_space<hbm>> -> memref<256x128xf32, #tpu.memory_space<hbm>>
        %dma_wait3A_121 = arith.constant 0 : i32
        %dma_wait3A_122 = arith.constant 0 : i32
        %dma_wait3A_123 = tpu.memref_slice %arg4[%add3A, %add3A_29, %dma_wait3A_121, %dma_wait3A_122] : memref<32x128x256x128xf32, #tpu.memory_space<hbm>> -> memref<1x1x256x128xf32, #tpu.memory_space<hbm>>
        %dma_wait3A_124 = tpu.memref_squeeze %dma_wait3A_123 : memref<1x1x256x128xf32, #tpu.memory_space<hbm>> -> memref<256x128xf32, #tpu.memory_space<hbm>>
        tpu.wait_dma2 semaphore(%run_scoped3A : memref<!tpu.dma_semaphore, #tpu.memory_space<semaphore_mem>>) src(%arg7 : memref<256x128xf32, #tpu.memory_space<vmem>>) dst(%dma_wait3A_124 : memref<256x128xf32, #tpu.memory_space<hbm>>)
        tpu.yield
      }) : () -> ()
    }
    %scan3A_24 = arith.constant 64 : i32
    return
  }
}

module attributes {stable_mosaic.version = 14 : i64} {
  func.func @_knn_body(%arg0: i32, %arg1: memref<512x6xf32, #tpu.memory_space<vmem>>, %arg2: memref<2048x6xf32, #tpu.memory_space<vmem>>, %arg3: memref<6x64xf32, #tpu.memory_space<vmem>>, %arg4: memref<6x128xf32, #tpu.memory_space<vmem>>, %arg5: memref<1x64xf32, #tpu.memory_space<vmem>>, %arg6: memref<512x32xi32, #tpu.memory_space<vmem>>, %arg7: memref<512x64xf32, #tpu.memory_space<vmem>>, %arg8: memref<512x128xf32, #tpu.memory_space<vmem>>) attributes {dimension_semantics = [#tpu.dimension_semantics<arbitrary>], iteration_bounds = array<i64: 64>, scalar_prefetch = 0 : i64, scratch_operands = 0 : i64, tpu.core_type = #tpu.core_type<tc>, window_params = [{transform_indices = @transform_0, window_bounds = array<i64: 512, 6>}, {transform_indices = @transform_1, window_bounds = array<i64: 2048, 6>}, {pipeline_mode = #tpu.pipeline_mode<synchronous>, transform_indices = @transform_2, window_bounds = array<i64: 6, 64>}, {pipeline_mode = #tpu.pipeline_mode<synchronous>, transform_indices = @transform_3, window_bounds = array<i64: 6, 128>}, {pipeline_mode = #tpu.pipeline_mode<synchronous>, transform_indices = @transform_4, window_bounds = array<i64: 1, 64>}, {transform_indices = @transform_5, window_bounds = array<i64: 512, 32>}, {transform_indices = @transform_6, window_bounds = array<i64: 512, 64>}, {transform_indices = @transform_7, window_bounds = array<i64: 512, 128>}]} {
    %get3A = arith.constant 0 : index
    %get3A_0 = arith.constant 0 : index
    %get3A_1 = vector.load %arg2[%get3A, %get3A_0] : memref<2048x6xf32, #tpu.memory_space<vmem>>, vector<2048x6xf32>
    %mul3A = arith.mulf %get3A_1, %get3A_1 : vector<2048x6xf32>
    %reduce_sum3A = arith.constant dense<0.000000e+00> : vector<2048xf32>
    %reduce_sum3A_2 = vector.multi_reduction <add>, %mul3A, %reduce_sum3A [1] : vector<2048x6xf32> to vector<2048xf32>
    %broadcast_in_dim3A = vector.shape_cast %reduce_sum3A_2 : vector<2048xf32> to vector<2048x1xf32>
    %concatenate3A = tpu.concatenate %get3A_1, %broadcast_in_dim3A in 1 : vector<2048x6xf32>, vector<2048x1xf32> -> vector<2048x7xf32>
    %get3A_3 = arith.constant 0 : index
    %get3A_4 = arith.constant 0 : index
    %get3A_5 = vector.load %arg1[%get3A_3, %get3A_4] : memref<512x6xf32, #tpu.memory_space<vmem>>, vector<512x6xf32>
    %mul3A_6 = arith.constant -2.000000e+00 : f32
    %mul3A_7 = vector.broadcast %mul3A_6 : f32 to vector<512x6xf32>
    %mul3A_8 = arith.mulf %mul3A_7, %get3A_5 : vector<512x6xf32>
    %broadcast_in_dim3A_9 = arith.constant 1.000000e+00 : f32
    %broadcast_in_dim3A_10 = vector.broadcast %broadcast_in_dim3A_9 : f32 to vector<512x1xf32>
    %concatenate3A_11 = tpu.concatenate %mul3A_8, %broadcast_in_dim3A_10 in 1 : vector<512x6xf32>, vector<512x1xf32> -> vector<512x7xf32>
    %dot_general3A = arith.constant dense<0.000000e+00> : vector<512x2048xf32>
    %dot_general3A_12 = tpu.matmul %concatenate3A_11, %concatenate3A, %dot_general3A {dimension_numbers = #tpu.dot_dimension_numbers<[1], [1], [0], [0], [0, 0, 1, 0], [], []>, transpose_lhs_hint = false} : vector<512x7xf32>, vector<2048x7xf32>, vector<512x2048xf32> -> vector<512x2048xf32>
    %iota3A = tpu.iota {dimensions = array<i32: 1>} : vector<512x32xi32>
    %iota3A_13 = tpu.iota {dimensions = array<i32: 1>} : vector<512x16x128xi32>
    %reshape3A = vector.shape_cast %iota3A_13 : vector<512x16x128xi32> to vector<512x2048xi32>
    %slice3A = vector.extract_strided_slice %dot_general3A_12 {offsets = [0, 0], sizes = [512, 1024], strides = [1, 1]} : vector<512x2048xf32> to vector<512x1024xf32>
    %slice3A_14 = vector.extract_strided_slice %dot_general3A_12 {offsets = [0, 1024], sizes = [512, 1024], strides = [1, 1]} : vector<512x2048xf32> to vector<512x1024xf32>
    %slice3A_15 = vector.extract_strided_slice %reshape3A {offsets = [0, 0], sizes = [512, 1024], strides = [1, 1]} : vector<512x2048xi32> to vector<512x1024xi32>
    %slice3A_16 = vector.extract_strided_slice %reshape3A {offsets = [0, 1024], sizes = [512, 1024], strides = [1, 1]} : vector<512x2048xi32> to vector<512x1024xi32>
    %le3A = arith.cmpf ole, %slice3A, %slice3A_14 : vector<512x1024xf32>
    %select_n3A = arith.select %le3A, %slice3A, %slice3A_14 : vector<512x1024xi1>, vector<512x1024xf32>
    %select_n3A_17 = arith.select %le3A, %slice3A_15, %slice3A_16 : vector<512x1024xi1>, vector<512x1024xi32>
    %slice3A_18 = vector.extract_strided_slice %select_n3A {offsets = [0, 0], sizes = [512, 512], strides = [1, 1]} : vector<512x1024xf32> to vector<512x512xf32>
    %slice3A_19 = vector.extract_strided_slice %select_n3A {offsets = [0, 512], sizes = [512, 512], strides = [1, 1]} : vector<512x1024xf32> to vector<512x512xf32>
    %slice3A_20 = vector.extract_strided_slice %select_n3A_17 {offsets = [0, 0], sizes = [512, 512], strides = [1, 1]} : vector<512x1024xi32> to vector<512x512xi32>
    %slice3A_21 = vector.extract_strided_slice %select_n3A_17 {offsets = [0, 512], sizes = [512, 512], strides = [1, 1]} : vector<512x1024xi32> to vector<512x512xi32>
    %le3A_22 = arith.cmpf ole, %slice3A_18, %slice3A_19 : vector<512x512xf32>
    %select_n3A_23 = arith.select %le3A_22, %slice3A_18, %slice3A_19 : vector<512x512xi1>, vector<512x512xf32>
    %select_n3A_24 = arith.select %le3A_22, %slice3A_20, %slice3A_21 : vector<512x512xi1>, vector<512x512xi32>
    %slice3A_25 = vector.extract_strided_slice %select_n3A_23 {offsets = [0, 0], sizes = [512, 256], strides = [1, 1]} : vector<512x512xf32> to vector<512x256xf32>
    %slice3A_26 = vector.extract_strided_slice %select_n3A_23 {offsets = [0, 256], sizes = [512, 256], strides = [1, 1]} : vector<512x512xf32> to vector<512x256xf32>
    %slice3A_27 = vector.extract_strided_slice %select_n3A_24 {offsets = [0, 0], sizes = [512, 256], strides = [1, 1]} : vector<512x512xi32> to vector<512x256xi32>
    %slice3A_28 = vector.extract_strided_slice %select_n3A_24 {offsets = [0, 256], sizes = [512, 256], strides = [1, 1]} : vector<512x512xi32> to vector<512x256xi32>
    %le3A_29 = arith.cmpf ole, %slice3A_25, %slice3A_26 : vector<512x256xf32>
    %select_n3A_30 = arith.select %le3A_29, %slice3A_25, %slice3A_26 : vector<512x256xi1>, vector<512x256xf32>
    %select_n3A_31 = arith.select %le3A_29, %slice3A_27, %slice3A_28 : vector<512x256xi1>, vector<512x256xi32>
    %slice3A_32 = vector.extract_strided_slice %select_n3A_30 {offsets = [0, 0], sizes = [512, 128], strides = [1, 1]} : vector<512x256xf32> to vector<512x128xf32>
    %slice3A_33 = vector.extract_strided_slice %select_n3A_30 {offsets = [0, 128], sizes = [512, 128], strides = [1, 1]} : vector<512x256xf32> to vector<512x128xf32>
    %slice3A_34 = vector.extract_strided_slice %select_n3A_31 {offsets = [0, 0], sizes = [512, 128], strides = [1, 1]} : vector<512x256xi32> to vector<512x128xi32>
    %slice3A_35 = vector.extract_strided_slice %select_n3A_31 {offsets = [0, 128], sizes = [512, 128], strides = [1, 1]} : vector<512x256xi32> to vector<512x128xi32>
    %le3A_36 = arith.cmpf ole, %slice3A_32, %slice3A_33 : vector<512x128xf32>
    %select_n3A_37 = arith.select %le3A_36, %slice3A_32, %slice3A_33 : vector<512x128xi1>, vector<512x128xf32>
    %select_n3A_38 = arith.select %le3A_36, %slice3A_34, %slice3A_35 : vector<512x128xi1>, vector<512x128xi32>
    %reshape3A_39 = vector.shape_cast %select_n3A_37 : vector<512x128xf32> to vector<512x1x128xf32>
    %reshape3A_40 = vector.shape_cast %select_n3A_38 : vector<512x128xi32> to vector<512x1x128xi32>
    %concatenate3A_41 = tpu.concatenate %select_n3A_38, %select_n3A_38, %select_n3A_38, %select_n3A_38, %select_n3A_38, %select_n3A_38, %select_n3A_38, %select_n3A_38, %select_n3A_38, %select_n3A_38, %select_n3A_38, %select_n3A_38, %select_n3A_38, %select_n3A_38, %select_n3A_38, %select_n3A_38 in 1 : vector<512x128xi32>, vector<512x128xi32>, vector<512x128xi32>, vector<512x128xi32>, vector<512x128xi32>, vector<512x128xi32>, vector<512x128xi32>, vector<512x128xi32>, vector<512x128xi32>, vector<512x128xi32>, vector<512x128xi32>, vector<512x128xi32>, vector<512x128xi32>, vector<512x128xi32>, vector<512x128xi32>, vector<512x128xi32> -> vector<512x2048xi32>
    %eq3A = arith.cmpi eq, %reshape3A, %concatenate3A_41 : vector<512x2048xi32>
    %jit3A = arith.constant 0x7F800000 : f32
    %broadcast_in_dim3A_42 = vector.broadcast %jit3A : f32 to vector<512x2048xf32>
    %select_n3A_43 = arith.select %eq3A, %broadcast_in_dim3A_42, %dot_general3A_12 : vector<512x2048xi1>, vector<512x2048xf32>
    %slice3A_44 = vector.extract_strided_slice %select_n3A_43 {offsets = [0, 0], sizes = [512, 1024], strides = [1, 1]} : vector<512x2048xf32> to vector<512x1024xf32>
    %slice3A_45 = vector.extract_strided_slice %select_n3A_43 {offsets = [0, 1024], sizes = [512, 1024], strides = [1, 1]} : vector<512x2048xf32> to vector<512x1024xf32>
    %slice3A_46 = vector.extract_strided_slice %reshape3A {offsets = [0, 0], sizes = [512, 1024], strides = [1, 1]} : vector<512x2048xi32> to vector<512x1024xi32>
    %slice3A_47 = vector.extract_strided_slice %reshape3A {offsets = [0, 1024], sizes = [512, 1024], strides = [1, 1]} : vector<512x2048xi32> to vector<512x1024xi32>
    %le3A_48 = arith.cmpf ole, %slice3A_44, %slice3A_45 : vector<512x1024xf32>
    %select_n3A_49 = arith.select %le3A_48, %slice3A_44, %slice3A_45 : vector<512x1024xi1>, vector<512x1024xf32>
    %select_n3A_50 = arith.select %le3A_48, %slice3A_46, %slice3A_47 : vector<512x1024xi1>, vector<512x1024xi32>
    %slice3A_51 = vector.extract_strided_slice %select_n3A_49 {offsets = [0, 0], sizes = [512, 512], strides = [1, 1]} : vector<512x1024xf32> to vector<512x512xf32>
    %slice3A_52 = vector.extract_strided_slice %select_n3A_49 {offsets = [0, 512], sizes = [512, 512], strides = [1, 1]} : vector<512x1024xf32> to vector<512x512xf32>
    %slice3A_53 = vector.extract_strided_slice %select_n3A_50 {offsets = [0, 0], sizes = [512, 512], strides = [1, 1]} : vector<512x1024xi32> to vector<512x512xi32>
    %slice3A_54 = vector.extract_strided_slice %select_n3A_50 {offsets = [0, 512], sizes = [512, 512], strides = [1, 1]} : vector<512x1024xi32> to vector<512x512xi32>
    %le3A_55 = arith.cmpf ole, %slice3A_51, %slice3A_52 : vector<512x512xf32>
    %select_n3A_56 = arith.select %le3A_55, %slice3A_51, %slice3A_52 : vector<512x512xi1>, vector<512x512xf32>
    %select_n3A_57 = arith.select %le3A_55, %slice3A_53, %slice3A_54 : vector<512x512xi1>, vector<512x512xi32>
    %slice3A_58 = vector.extract_strided_slice %select_n3A_56 {offsets = [0, 0], sizes = [512, 256], strides = [1, 1]} : vector<512x512xf32> to vector<512x256xf32>
    %slice3A_59 = vector.extract_strided_slice %select_n3A_56 {offsets = [0, 256], sizes = [512, 256], strides = [1, 1]} : vector<512x512xf32> to vector<512x256xf32>
    %slice3A_60 = vector.extract_strided_slice %select_n3A_57 {offsets = [0, 0], sizes = [512, 256], strides = [1, 1]} : vector<512x512xi32> to vector<512x256xi32>
    %slice3A_61 = vector.extract_strided_slice %select_n3A_57 {offsets = [0, 256], sizes = [512, 256], strides = [1, 1]} : vector<512x512xi32> to vector<512x256xi32>
    %le3A_62 = arith.cmpf ole, %slice3A_58, %slice3A_59 : vector<512x256xf32>
    %select_n3A_63 = arith.select %le3A_62, %slice3A_58, %slice3A_59 : vector<512x256xi1>, vector<512x256xf32>
    %select_n3A_64 = arith.select %le3A_62, %slice3A_60, %slice3A_61 : vector<512x256xi1>, vector<512x256xi32>
    %slice3A_65 = vector.extract_strided_slice %select_n3A_63 {offsets = [0, 0], sizes = [512, 128], strides = [1, 1]} : vector<512x256xf32> to vector<512x128xf32>
    %slice3A_66 = vector.extract_strided_slice %select_n3A_63 {offsets = [0, 128], sizes = [512, 128], strides = [1, 1]} : vector<512x256xf32> to vector<512x128xf32>
    %slice3A_67 = vector.extract_strided_slice %select_n3A_64 {offsets = [0, 0], sizes = [512, 128], strides = [1, 1]} : vector<512x256xi32> to vector<512x128xi32>
    %slice3A_68 = vector.extract_strided_slice %select_n3A_64 {offsets = [0, 128], sizes = [512, 128], strides = [1, 1]} : vector<512x256xi32> to vector<512x128xi32>
    %le3A_69 = arith.cmpf ole, %slice3A_65, %slice3A_66 : vector<512x128xf32>
    %select_n3A_70 = arith.select %le3A_69, %slice3A_65, %slice3A_66 : vector<512x128xi1>, vector<512x128xf32>
    %select_n3A_71 = arith.select %le3A_69, %slice3A_67, %slice3A_68 : vector<512x128xi1>, vector<512x128xi32>
    %reshape3A_72 = vector.shape_cast %select_n3A_70 : vector<512x128xf32> to vector<512x1x128xf32>
    %reshape3A_73 = vector.shape_cast %select_n3A_71 : vector<512x128xi32> to vector<512x1x128xi32>
    %concatenate3A_74 = tpu.concatenate %select_n3A_71, %select_n3A_71, %select_n3A_71, %select_n3A_71, %select_n3A_71, %select_n3A_71, %select_n3A_71, %select_n3A_71, %select_n3A_71, %select_n3A_71, %select_n3A_71, %select_n3A_71, %select_n3A_71, %select_n3A_71, %select_n3A_71, %select_n3A_71 in 1 : vector<512x128xi32>, vector<512x128xi32>, vector<512x128xi32>, vector<512x128xi32>, vector<512x128xi32>, vector<512x128xi32>, vector<512x128xi32>, vector<512x128xi32>, vector<512x128xi32>, vector<512x128xi32>, vector<512x128xi32>, vector<512x128xi32>, vector<512x128xi32>, vector<512x128xi32>, vector<512x128xi32>, vector<512x128xi32> -> vector<512x2048xi32>
    %eq3A_75 = arith.cmpi eq, %reshape3A, %concatenate3A_74 : vector<512x2048xi32>
    %jit3A_76 = arith.constant 0x7F800000 : f32
    %broadcast_in_dim3A_77 = vector.broadcast %jit3A_76 : f32 to vector<512x2048xf32>
    %select_n3A_78 = arith.select %eq3A_75, %broadcast_in_dim3A_77, %select_n3A_43 : vector<512x2048xi1>, vector<512x2048xf32>
    %slice3A_79 = vector.extract_strided_slice %select_n3A_78 {offsets = [0, 0], sizes = [512, 1024], strides = [1, 1]} : vector<512x2048xf32> to vector<512x1024xf32>
    %slice3A_80 = vector.extract_strided_slice %select_n3A_78 {offsets = [0, 1024], sizes = [512, 1024], strides = [1, 1]} : vector<512x2048xf32> to vector<512x1024xf32>
    %slice3A_81 = vector.extract_strided_slice %reshape3A {offsets = [0, 0], sizes = [512, 1024], strides = [1, 1]} : vector<512x2048xi32> to vector<512x1024xi32>
    %slice3A_82 = vector.extract_strided_slice %reshape3A {offsets = [0, 1024], sizes = [512, 1024], strides = [1, 1]} : vector<512x2048xi32> to vector<512x1024xi32>
    %le3A_83 = arith.cmpf ole, %slice3A_79, %slice3A_80 : vector<512x1024xf32>
    %select_n3A_84 = arith.select %le3A_83, %slice3A_79, %slice3A_80 : vector<512x1024xi1>, vector<512x1024xf32>
    %select_n3A_85 = arith.select %le3A_83, %slice3A_81, %slice3A_82 : vector<512x1024xi1>, vector<512x1024xi32>
    %slice3A_86 = vector.extract_strided_slice %select_n3A_84 {offsets = [0, 0], sizes = [512, 512], strides = [1, 1]} : vector<512x1024xf32> to vector<512x512xf32>
    %slice3A_87 = vector.extract_strided_slice %select_n3A_84 {offsets = [0, 512], sizes = [512, 512], strides = [1, 1]} : vector<512x1024xf32> to vector<512x512xf32>
    %slice3A_88 = vector.extract_strided_slice %select_n3A_85 {offsets = [0, 0], sizes = [512, 512], strides = [1, 1]} : vector<512x1024xi32> to vector<512x512xi32>
    %slice3A_89 = vector.extract_strided_slice %select_n3A_85 {offsets = [0, 512], sizes = [512, 512], strides = [1, 1]} : vector<512x1024xi32> to vector<512x512xi32>
    %le3A_90 = arith.cmpf ole, %slice3A_86, %slice3A_87 : vector<512x512xf32>
    %select_n3A_91 = arith.select %le3A_90, %slice3A_86, %slice3A_87 : vector<512x512xi1>, vector<512x512xf32>
    %select_n3A_92 = arith.select %le3A_90, %slice3A_88, %slice3A_89 : vector<512x512xi1>, vector<512x512xi32>
    %slice3A_93 = vector.extract_strided_slice %select_n3A_91 {offsets = [0, 0], sizes = [512, 256], strides = [1, 1]} : vector<512x512xf32> to vector<512x256xf32>
    %slice3A_94 = vector.extract_strided_slice %select_n3A_91 {offsets = [0, 256], sizes = [512, 256], strides = [1, 1]} : vector<512x512xf32> to vector<512x256xf32>
    %slice3A_95 = vector.extract_strided_slice %select_n3A_92 {offsets = [0, 0], sizes = [512, 256], strides = [1, 1]} : vector<512x512xi32> to vector<512x256xi32>
    %slice3A_96 = vector.extract_strided_slice %select_n3A_92 {offsets = [0, 256], sizes = [512, 256], strides = [1, 1]} : vector<512x512xi32> to vector<512x256xi32>
    %le3A_97 = arith.cmpf ole, %slice3A_93, %slice3A_94 : vector<512x256xf32>
    %select_n3A_98 = arith.select %le3A_97, %slice3A_93, %slice3A_94 : vector<512x256xi1>, vector<512x256xf32>
    %select_n3A_99 = arith.select %le3A_97, %slice3A_95, %slice3A_96 : vector<512x256xi1>, vector<512x256xi32>
    %slice3A_100 = vector.extract_strided_slice %select_n3A_98 {offsets = [0, 0], sizes = [512, 128], strides = [1, 1]} : vector<512x256xf32> to vector<512x128xf32>
    %slice3A_101 = vector.extract_strided_slice %select_n3A_98 {offsets = [0, 128], sizes = [512, 128], strides = [1, 1]} : vector<512x256xf32> to vector<512x128xf32>
    %slice3A_102 = vector.extract_strided_slice %select_n3A_99 {offsets = [0, 0], sizes = [512, 128], strides = [1, 1]} : vector<512x256xi32> to vector<512x128xi32>
    %slice3A_103 = vector.extract_strided_slice %select_n3A_99 {offsets = [0, 128], sizes = [512, 128], strides = [1, 1]} : vector<512x256xi32> to vector<512x128xi32>
    %le3A_104 = arith.cmpf ole, %slice3A_100, %slice3A_101 : vector<512x128xf32>
    %select_n3A_105 = arith.select %le3A_104, %slice3A_100, %slice3A_101 : vector<512x128xi1>, vector<512x128xf32>
    %select_n3A_106 = arith.select %le3A_104, %slice3A_102, %slice3A_103 : vector<512x128xi1>, vector<512x128xi32>
    %reshape3A_107 = vector.shape_cast %select_n3A_105 : vector<512x128xf32> to vector<512x1x128xf32>
    %reshape3A_108 = vector.shape_cast %select_n3A_106 : vector<512x128xi32> to vector<512x1x128xi32>
    %concatenate3A_109 = tpu.concatenate %select_n3A_106, %select_n3A_106, %select_n3A_106, %select_n3A_106, %select_n3A_106, %select_n3A_106, %select_n3A_106, %select_n3A_106, %select_n3A_106, %select_n3A_106, %select_n3A_106, %select_n3A_106, %select_n3A_106, %select_n3A_106, %select_n3A_106, %select_n3A_106 in 1 : vector<512x128xi32>, vector<512x128xi32>, vector<512x128xi32>, vector<512x128xi32>, vector<512x128xi32>, vector<512x128xi32>, vector<512x128xi32>, vector<512x128xi32>, vector<512x128xi32>, vector<512x128xi32>, vector<512x128xi32>, vector<512x128xi32>, vector<512x128xi32>, vector<512x128xi32>, vector<512x128xi32>, vector<512x128xi32> -> vector<512x2048xi32>
    %eq3A_110 = arith.cmpi eq, %reshape3A, %concatenate3A_109 : vector<512x2048xi32>
    %jit3A_111 = arith.constant 0x7F800000 : f32
    %broadcast_in_dim3A_112 = vector.broadcast %jit3A_111 : f32 to vector<512x2048xf32>
    %select_n3A_113 = arith.select %eq3A_110, %broadcast_in_dim3A_112, %select_n3A_78 : vector<512x2048xi1>, vector<512x2048xf32>
    %slice3A_114 = vector.extract_strided_slice %select_n3A_113 {offsets = [0, 0], sizes = [512, 1024], strides = [1, 1]} : vector<512x2048xf32> to vector<512x1024xf32>
    %slice3A_115 = vector.extract_strided_slice %select_n3A_113 {offsets = [0, 1024], sizes = [512, 1024], strides = [1, 1]} : vector<512x2048xf32> to vector<512x1024xf32>
    %slice3A_116 = vector.extract_strided_slice %reshape3A {offsets = [0, 0], sizes = [512, 1024], strides = [1, 1]} : vector<512x2048xi32> to vector<512x1024xi32>
    %slice3A_117 = vector.extract_strided_slice %reshape3A {offsets = [0, 1024], sizes = [512, 1024], strides = [1, 1]} : vector<512x2048xi32> to vector<512x1024xi32>
    %le3A_118 = arith.cmpf ole, %slice3A_114, %slice3A_115 : vector<512x1024xf32>
    %select_n3A_119 = arith.select %le3A_118, %slice3A_114, %slice3A_115 : vector<512x1024xi1>, vector<512x1024xf32>
    %select_n3A_120 = arith.select %le3A_118, %slice3A_116, %slice3A_117 : vector<512x1024xi1>, vector<512x1024xi32>
    %slice3A_121 = vector.extract_strided_slice %select_n3A_119 {offsets = [0, 0], sizes = [512, 512], strides = [1, 1]} : vector<512x1024xf32> to vector<512x512xf32>
    %slice3A_122 = vector.extract_strided_slice %select_n3A_119 {offsets = [0, 512], sizes = [512, 512], strides = [1, 1]} : vector<512x1024xf32> to vector<512x512xf32>
    %slice3A_123 = vector.extract_strided_slice %select_n3A_120 {offsets = [0, 0], sizes = [512, 512], strides = [1, 1]} : vector<512x1024xi32> to vector<512x512xi32>
    %slice3A_124 = vector.extract_strided_slice %select_n3A_120 {offsets = [0, 512], sizes = [512, 512], strides = [1, 1]} : vector<512x1024xi32> to vector<512x512xi32>
    %le3A_125 = arith.cmpf ole, %slice3A_121, %slice3A_122 : vector<512x512xf32>
    %select_n3A_126 = arith.select %le3A_125, %slice3A_121, %slice3A_122 : vector<512x512xi1>, vector<512x512xf32>
    %select_n3A_127 = arith.select %le3A_125, %slice3A_123, %slice3A_124 : vector<512x512xi1>, vector<512x512xi32>
    %slice3A_128 = vector.extract_strided_slice %select_n3A_126 {offsets = [0, 0], sizes = [512, 256], strides = [1, 1]} : vector<512x512xf32> to vector<512x256xf32>
    %slice3A_129 = vector.extract_strided_slice %select_n3A_126 {offsets = [0, 256], sizes = [512, 256], strides = [1, 1]} : vector<512x512xf32> to vector<512x256xf32>
    %slice3A_130 = vector.extract_strided_slice %select_n3A_127 {offsets = [0, 0], sizes = [512, 256], strides = [1, 1]} : vector<512x512xi32> to vector<512x256xi32>
    %slice3A_131 = vector.extract_strided_slice %select_n3A_127 {offsets = [0, 256], sizes = [512, 256], strides = [1, 1]} : vector<512x512xi32> to vector<512x256xi32>
    %le3A_132 = arith.cmpf ole, %slice3A_128, %slice3A_129 : vector<512x256xf32>
    %select_n3A_133 = arith.select %le3A_132, %slice3A_128, %slice3A_129 : vector<512x256xi1>, vector<512x256xf32>
    %select_n3A_134 = arith.select %le3A_132, %slice3A_130, %slice3A_131 : vector<512x256xi1>, vector<512x256xi32>
    %slice3A_135 = vector.extract_strided_slice %select_n3A_133 {offsets = [0, 0], sizes = [512, 128], strides = [1, 1]} : vector<512x256xf32> to vector<512x128xf32>
    %slice3A_136 = vector.extract_strided_slice %select_n3A_133 {offsets = [0, 128], sizes = [512, 128], strides = [1, 1]} : vector<512x256xf32> to vector<512x128xf32>
    %slice3A_137 = vector.extract_strided_slice %select_n3A_134 {offsets = [0, 0], sizes = [512, 128], strides = [1, 1]} : vector<512x256xi32> to vector<512x128xi32>
    %slice3A_138 = vector.extract_strided_slice %select_n3A_134 {offsets = [0, 128], sizes = [512, 128], strides = [1, 1]} : vector<512x256xi32> to vector<512x128xi32>
    %le3A_139 = arith.cmpf ole, %slice3A_135, %slice3A_136 : vector<512x128xf32>
    %select_n3A_140 = arith.select %le3A_139, %slice3A_135, %slice3A_136 : vector<512x128xi1>, vector<512x128xf32>
    %select_n3A_141 = arith.select %le3A_139, %slice3A_137, %slice3A_138 : vector<512x128xi1>, vector<512x128xi32>
    %reshape3A_142 = vector.shape_cast %select_n3A_140 : vector<512x128xf32> to vector<512x1x128xf32>
    %reshape3A_143 = vector.shape_cast %select_n3A_141 : vector<512x128xi32> to vector<512x1x128xi32>
    %concatenate3A_144 = tpu.concatenate %select_n3A_141, %select_n3A_141, %select_n3A_141, %select_n3A_141, %select_n3A_141, %select_n3A_141, %select_n3A_141, %select_n3A_141, %select_n3A_141, %select_n3A_141, %select_n3A_141, %select_n3A_141, %select_n3A_141, %select_n3A_141, %select_n3A_141, %select_n3A_141 in 1 : vector<512x128xi32>, vector<512x128xi32>, vector<512x128xi32>, vector<512x128xi32>, vector<512x128xi32>, vector<512x128xi32>, vector<512x128xi32>, vector<512x128xi32>, vector<512x128xi32>, vector<512x128xi32>, vector<512x128xi32>, vector<512x128xi32>, vector<512x128xi32>, vector<512x128xi32>, vector<512x128xi32>, vector<512x128xi32> -> vector<512x2048xi32>
    %eq3A_145 = arith.cmpi eq, %reshape3A, %concatenate3A_144 : vector<512x2048xi32>
    %jit3A_146 = arith.constant 0x7F800000 : f32
    %broadcast_in_dim3A_147 = vector.broadcast %jit3A_146 : f32 to vector<512x2048xf32>
    %select_n3A_148 = arith.select %eq3A_145, %broadcast_in_dim3A_147, %select_n3A_113 : vector<512x2048xi1>, vector<512x2048xf32>
    %slice3A_149 = vector.extract_strided_slice %select_n3A_148 {offsets = [0, 0], sizes = [512, 1024], strides = [1, 1]} : vector<512x2048xf32> to vector<512x1024xf32>
    %slice3A_150 = vector.extract_strided_slice %select_n3A_148 {offsets = [0, 1024], sizes = [512, 1024], strides = [1, 1]} : vector<512x2048xf32> to vector<512x1024xf32>
    %slice3A_151 = vector.extract_strided_slice %reshape3A {offsets = [0, 0], sizes = [512, 1024], strides = [1, 1]} : vector<512x2048xi32> to vector<512x1024xi32>
    %slice3A_152 = vector.extract_strided_slice %reshape3A {offsets = [0, 1024], sizes = [512, 1024], strides = [1, 1]} : vector<512x2048xi32> to vector<512x1024xi32>
    %le3A_153 = arith.cmpf ole, %slice3A_149, %slice3A_150 : vector<512x1024xf32>
    %select_n3A_154 = arith.select %le3A_153, %slice3A_149, %slice3A_150 : vector<512x1024xi1>, vector<512x1024xf32>
    %select_n3A_155 = arith.select %le3A_153, %slice3A_151, %slice3A_152 : vector<512x1024xi1>, vector<512x1024xi32>
    %slice3A_156 = vector.extract_strided_slice %select_n3A_154 {offsets = [0, 0], sizes = [512, 512], strides = [1, 1]} : vector<512x1024xf32> to vector<512x512xf32>
    %slice3A_157 = vector.extract_strided_slice %select_n3A_154 {offsets = [0, 512], sizes = [512, 512], strides = [1, 1]} : vector<512x1024xf32> to vector<512x512xf32>
    %slice3A_158 = vector.extract_strided_slice %select_n3A_155 {offsets = [0, 0], sizes = [512, 512], strides = [1, 1]} : vector<512x1024xi32> to vector<512x512xi32>
    %slice3A_159 = vector.extract_strided_slice %select_n3A_155 {offsets = [0, 512], sizes = [512, 512], strides = [1, 1]} : vector<512x1024xi32> to vector<512x512xi32>
    %le3A_160 = arith.cmpf ole, %slice3A_156, %slice3A_157 : vector<512x512xf32>
    %select_n3A_161 = arith.select %le3A_160, %slice3A_156, %slice3A_157 : vector<512x512xi1>, vector<512x512xf32>
    %select_n3A_162 = arith.select %le3A_160, %slice3A_158, %slice3A_159 : vector<512x512xi1>, vector<512x512xi32>
    %slice3A_163 = vector.extract_strided_slice %select_n3A_161 {offsets = [0, 0], sizes = [512, 256], strides = [1, 1]} : vector<512x512xf32> to vector<512x256xf32>
    %slice3A_164 = vector.extract_strided_slice %select_n3A_161 {offsets = [0, 256], sizes = [512, 256], strides = [1, 1]} : vector<512x512xf32> to vector<512x256xf32>
    %slice3A_165 = vector.extract_strided_slice %select_n3A_162 {offsets = [0, 0], sizes = [512, 256], strides = [1, 1]} : vector<512x512xi32> to vector<512x256xi32>
    %slice3A_166 = vector.extract_strided_slice %select_n3A_162 {offsets = [0, 256], sizes = [512, 256], strides = [1, 1]} : vector<512x512xi32> to vector<512x256xi32>
    %le3A_167 = arith.cmpf ole, %slice3A_163, %slice3A_164 : vector<512x256xf32>
    %select_n3A_168 = arith.select %le3A_167, %slice3A_163, %slice3A_164 : vector<512x256xi1>, vector<512x256xf32>
    %select_n3A_169 = arith.select %le3A_167, %slice3A_165, %slice3A_166 : vector<512x256xi1>, vector<512x256xi32>
    %slice3A_170 = vector.extract_strided_slice %select_n3A_168 {offsets = [0, 0], sizes = [512, 128], strides = [1, 1]} : vector<512x256xf32> to vector<512x128xf32>
    %slice3A_171 = vector.extract_strided_slice %select_n3A_168 {offsets = [0, 128], sizes = [512, 128], strides = [1, 1]} : vector<512x256xf32> to vector<512x128xf32>
    %slice3A_172 = vector.extract_strided_slice %select_n3A_169 {offsets = [0, 0], sizes = [512, 128], strides = [1, 1]} : vector<512x256xi32> to vector<512x128xi32>
    %slice3A_173 = vector.extract_strided_slice %select_n3A_169 {offsets = [0, 128], sizes = [512, 128], strides = [1, 1]} : vector<512x256xi32> to vector<512x128xi32>
    %le3A_174 = arith.cmpf ole, %slice3A_170, %slice3A_171 : vector<512x128xf32>
    %select_n3A_175 = arith.select %le3A_174, %slice3A_170, %slice3A_171 : vector<512x128xi1>, vector<512x128xf32>
    %select_n3A_176 = arith.select %le3A_174, %slice3A_172, %slice3A_173 : vector<512x128xi1>, vector<512x128xi32>
    %reshape3A_177 = vector.shape_cast %select_n3A_175 : vector<512x128xf32> to vector<512x1x128xf32>
    %reshape3A_178 = vector.shape_cast %select_n3A_176 : vector<512x128xi32> to vector<512x1x128xi32>
    %concatenate3A_179 = tpu.concatenate %reshape3A_39, %reshape3A_72, %reshape3A_107, %reshape3A_142, %reshape3A_177 in 1 : vector<512x1x128xf32>, vector<512x1x128xf32>, vector<512x1x128xf32>, vector<512x1x128xf32>, vector<512x1x128xf32> -> vector<512x5x128xf32>
    %reshape3A_180 = vector.shape_cast %concatenate3A_179 : vector<512x5x128xf32> to vector<512x640xf32>
    %concatenate3A_181 = tpu.concatenate %reshape3A_40, %reshape3A_73, %reshape3A_108, %reshape3A_143, %reshape3A_178 in 1 : vector<512x1x128xi32>, vector<512x1x128xi32>, vector<512x1x128xi32>, vector<512x1x128xi32>, vector<512x1x128xi32> -> vector<512x5x128xi32>
    %reshape3A_182 = vector.shape_cast %concatenate3A_181 : vector<512x5x128xi32> to vector<512x640xi32>
    %iota3A_183 = tpu.iota {dimensions = array<i32: 2>} : vector<512x5x128xi32>
    %reshape3A_184 = vector.shape_cast %iota3A_183 : vector<512x5x128xi32> to vector<512x640xi32>
    %mul3A_185 = arith.constant 128 : i32
    %mul3A_186 = vector.broadcast %mul3A_185 : i32 to vector<512x640xi32>
    %mul3A_187 = arith.muli %reshape3A_182, %mul3A_186 : vector<512x640xi32>
    %add3A = arith.addi %mul3A_187, %reshape3A_184 : vector<512x640xi32>
    %iota3A_188 = tpu.iota {dimensions = array<i32: 1>} : vector<512x640xi32>
    %broadcast_in_dim3A_189 = arith.constant 0 : i32
    %broadcast_in_dim3A_190 = vector.broadcast %broadcast_in_dim3A_189 : i32 to vector<512x32xi32>
    %scan3A = arith.constant 0x7F800000 : f32
    %scan3A_191 = arith.constant 0 : i32
    %scan3A_192 = arith.constant 30 : i32
    %scan3A_193 = arith.addi %scan3A_191, %scan3A_192 : i32
    %scan3A_194 = arith.constant 1 : i32
    %scan3A_195:2 = scf.for %scan3A_282 = %scan3A_191 to %scan3A_193 step %scan3A_194 iter_args(%scan3A_283 = %reshape3A_180, %scan3A_284 = %broadcast_in_dim3A_190) -> (vector<512x640xf32>, vector<512x32xi32>)  : i32 {
      %reduce_min3A = arith.constant dense<0x7F800000> : vector<512xf32>
      %reduce_min3A_285 = vector.multi_reduction <minimumf>, %scan3A_283, %reduce_min3A [1] : vector<512x640xf32> to vector<512xf32>
      %broadcast_in_dim3A_286 = vector.shape_cast %reduce_min3A_285 : vector<512xf32> to vector<512x1xf32>
      %le3A_287 = vector.broadcast %broadcast_in_dim3A_286 : vector<512x1xf32> to vector<512x640xf32>
      %le3A_288 = arith.cmpf ole, %scan3A_283, %le3A_287 : vector<512x640xf32>
      %jit3A_289 = arith.constant 640 : i32
      %broadcast_in_dim3A_290 = vector.broadcast %jit3A_289 : i32 to vector<512x640xi32>
      %select_n3A_291 = arith.select %le3A_288, %iota3A_188, %broadcast_in_dim3A_290 : vector<512x640xi1>, vector<512x640xi32>
      %reduce_min3A_292 = arith.constant dense<2147483647> : vector<512xi32>
      %reduce_min3A_293 = vector.multi_reduction <minsi>, %select_n3A_291, %reduce_min3A_292 [1] : vector<512x640xi32> to vector<512xi32>
      %broadcast_in_dim3A_294 = vector.shape_cast %reduce_min3A_293 : vector<512xi32> to vector<512x1xi32>
      %eq3A_295 = vector.broadcast %broadcast_in_dim3A_294 : vector<512x1xi32> to vector<512x640xi32>
      %eq3A_296 = arith.cmpi eq, %iota3A_188, %eq3A_295 : vector<512x640xi32>
      %jit3A_297 = arith.constant 0 : i32
      %broadcast_in_dim3A_298 = vector.broadcast %jit3A_297 : i32 to vector<512x640xi32>
      %select_n3A_299 = arith.select %eq3A_296, %add3A, %broadcast_in_dim3A_298 : vector<512x640xi1>, vector<512x640xi32>
      %reduce_sum3A_300 = arith.constant dense<0> : vector<512xi32>
      %reduce_sum3A_301 = vector.multi_reduction <add>, %select_n3A_299, %reduce_sum3A_300 [1] : vector<512x640xi32> to vector<512xi32>
      %broadcast_in_dim3A_302 = vector.shape_cast %reduce_sum3A_301 : vector<512xi32> to vector<512x1xi32>
      %eq3A_303 = vector.broadcast %scan3A_282 : i32 to vector<512x32xi32>
      %eq3A_304 = arith.cmpi eq, %iota3A, %eq3A_303 : vector<512x32xi32>
      %broadcast_in_dim3A_305 = vector.shape_cast %broadcast_in_dim3A_302 : vector<512x1xi32> to vector<512x1xi32>
      %broadcast_in_dim3A_306 = vector.broadcast %broadcast_in_dim3A_305 : vector<512x1xi32> to vector<512x32xi32>
      %select_n3A_307 = arith.select %eq3A_304, %broadcast_in_dim3A_306, %scan3A_284 : vector<512x32xi1>, vector<512x32xi32>
      %broadcast_in_dim3A_308 = vector.broadcast %scan3A : f32 to vector<512x640xf32>
      %select_n3A_309 = arith.select %eq3A_296, %broadcast_in_dim3A_308, %scan3A_283 : vector<512x640xi1>, vector<512x640xf32>
      scf.yield %select_n3A_309, %select_n3A_307 : vector<512x640xf32>, vector<512x32xi32>
    }
    %scan3A_196 = arith.constant 30 : i32
    %reshape3A_197 = vector.shape_cast %scan3A_195#0 : vector<512x640xf32> to vector<512x5x128xf32>
    %abs3A = math.absf %reshape3A_197 : vector<512x5x128xf32>
    %eq3A_198 = arith.constant 0x7F800000 : f32
    %eq3A_199 = vector.broadcast %eq3A_198 : f32 to vector<512x5x128xf32>
    %eq3A_200 = arith.cmpf oeq, %abs3A, %eq3A_199 : vector<512x5x128xf32>
    %reduce_and3A = arith.constant 1.000000e+00 : f32
    %reduce_and3A_201 = arith.constant 0.000000e+00 : f32
    %reduce_and3A_202 = vector.broadcast %reduce_and3A : f32 to vector<512x5x128xf32>
    %reduce_and3A_203 = vector.broadcast %reduce_and3A_201 : f32 to vector<512x5x128xf32>
    %reduce_and3A_204 = arith.select %eq3A_200, %reduce_and3A_202, %reduce_and3A_203 : vector<512x5x128xi1>, vector<512x5x128xf32>
    %reduce_and3A_205 = arith.constant dense<0x7F800000> : vector<512x128xf32>
    %reduce_and3A_206 = vector.multi_reduction <minimumf>, %reduce_and3A_204, %reduce_and3A_205 [1] : vector<512x5x128xf32> to vector<512x128xf32>
    %reduce_and3A_207 = arith.constant 0.000000e+00 : f32
    %reduce_and3A_208 = vector.broadcast %reduce_and3A_207 : f32 to vector<512x128xf32>
    %reduce_and3A_209 = arith.cmpf ogt, %reduce_and3A_206, %reduce_and3A_208 : vector<512x128xf32>
    %jit3A_210 = arith.constant 1 : i32
    %jit3A_211 = arith.constant 0 : i32
    %broadcast_in_dim3A_212 = vector.broadcast %jit3A_210 : i32 to vector<512x128xi32>
    %broadcast_in_dim3A_213 = vector.broadcast %jit3A_211 : i32 to vector<512x128xi32>
    %select_n3A_214 = arith.select %reduce_and3A_209, %broadcast_in_dim3A_212, %broadcast_in_dim3A_213 : vector<512x128xi1>, vector<512x128xi32>
    %reduce_sum3A_215 = vector.shape_cast %select_n3A_214 : vector<512x128xi32> to vector<1x512x128xi32>
    %reduce_sum3A_216 = arith.constant dense<0> : vector<1xi32>
    %reduce_sum3A_217 = vector.multi_reduction <add>, %reduce_sum3A_215, %reduce_sum3A_216 [1, 2] : vector<1x512x128xi32> to vector<1xi32>
    %reduce_sum3A_218 = vector.shape_cast %reduce_sum3A_217 : vector<1xi32> to vector<1x1x1xi32>
    %reduce_sum3A_219 = vector.extract %reduce_sum3A_218[0, 0, 0] : i32 from vector<1x1x1xi32>
    %gt3A = arith.constant 0 : i32
    %gt3A_220 = arith.cmpi sgt, %reduce_sum3A_219, %gt3A : i32
    %reduce_or3A = arith.constant 1.000000e+00 : f32
    %reduce_or3A_221 = arith.constant 0.000000e+00 : f32
    %reduce_or3A_222 = arith.select %gt3A_220, %reduce_or3A, %reduce_or3A_221 : f32
    %reduce_or3A_223 = vector.broadcast %reduce_or3A_222 : f32 to vector<1xf32>
    %reduce_or3A_224 = arith.constant dense<0xFF800000> : vector<1xf32>
    %reduce_or3A_225 = vector.multi_reduction <maximumf>, %reduce_or3A_223, %reduce_or3A_224 [] : vector<1xf32> to vector<1xf32>
    %reduce_or3A_226 = vector.extract %reduce_or3A_225[0] : f32 from vector<1xf32>
    %reduce_or3A_227 = arith.constant 0.000000e+00 : f32
    %reduce_or3A_228 = arith.cmpf ogt, %reduce_or3A_226, %reduce_or3A_227 : f32
    %convert_element_type3A = arith.extui %reduce_or3A_228 : i1 to i32
    %cond3A = arith.constant 0 : i32
    %cond3A_229 = arith.cmpi ne, %convert_element_type3A, %cond3A : i32
    %cond3A_230 = scf.if %cond3A_229 -> (vector<512x32xi32>) {
      %iota3A_282 = tpu.iota {dimensions = array<i32: 1>} : vector<512x2048xi32>
      %broadcast_in_dim3A_283 = arith.constant 0 : i32
      %broadcast_in_dim3A_284 = vector.broadcast %broadcast_in_dim3A_283 : i32 to vector<512x32xi32>
      %scan3A_285 = arith.constant 0x7F800000 : f32
      %scan3A_286 = arith.constant 0 : i32
      %scan3A_287 = arith.constant 30 : i32
      %scan3A_288 = arith.addi %scan3A_286, %scan3A_287 : i32
      %scan3A_289 = arith.constant 1 : i32
      %scan3A_290:2 = scf.for %scan3A_292 = %scan3A_286 to %scan3A_288 step %scan3A_289 iter_args(%scan3A_293 = %dot_general3A_12, %scan3A_294 = %broadcast_in_dim3A_284) -> (vector<512x2048xf32>, vector<512x32xi32>)  : i32 {
        %reduce_min3A = arith.constant dense<0x7F800000> : vector<512xf32>
        %reduce_min3A_295 = vector.multi_reduction <minimumf>, %scan3A_293, %reduce_min3A [1] : vector<512x2048xf32> to vector<512xf32>
        %broadcast_in_dim3A_296 = vector.shape_cast %reduce_min3A_295 : vector<512xf32> to vector<512x1xf32>
        %le3A_297 = vector.broadcast %broadcast_in_dim3A_296 : vector<512x1xf32> to vector<512x2048xf32>
        %le3A_298 = arith.cmpf ole, %scan3A_293, %le3A_297 : vector<512x2048xf32>
        %jit3A_299 = arith.constant 2048 : i32
        %broadcast_in_dim3A_300 = vector.broadcast %jit3A_299 : i32 to vector<512x2048xi32>
        %select_n3A_301 = arith.select %le3A_298, %iota3A_282, %broadcast_in_dim3A_300 : vector<512x2048xi1>, vector<512x2048xi32>
        %reduce_min3A_302 = arith.constant dense<2147483647> : vector<512xi32>
        %reduce_min3A_303 = vector.multi_reduction <minsi>, %select_n3A_301, %reduce_min3A_302 [1] : vector<512x2048xi32> to vector<512xi32>
        %broadcast_in_dim3A_304 = vector.shape_cast %reduce_min3A_303 : vector<512xi32> to vector<512x1xi32>
        %eq3A_305 = vector.broadcast %scan3A_292 : i32 to vector<512x32xi32>
        %eq3A_306 = arith.cmpi eq, %iota3A, %eq3A_305 : vector<512x32xi32>
        %broadcast_in_dim3A_307 = vector.shape_cast %broadcast_in_dim3A_304 : vector<512x1xi32> to vector<512x1xi32>
        %broadcast_in_dim3A_308 = vector.broadcast %broadcast_in_dim3A_307 : vector<512x1xi32> to vector<512x32xi32>
        %select_n3A_309 = arith.select %eq3A_306, %broadcast_in_dim3A_308, %scan3A_294 : vector<512x32xi1>, vector<512x32xi32>
        %eq3A_310 = vector.broadcast %broadcast_in_dim3A_304 : vector<512x1xi32> to vector<512x2048xi32>
        %eq3A_311 = arith.cmpi eq, %iota3A_282, %eq3A_310 : vector<512x2048xi32>
        %broadcast_in_dim3A_312 = vector.broadcast %scan3A_285 : f32 to vector<512x2048xf32>
        %select_n3A_313 = arith.select %eq3A_311, %broadcast_in_dim3A_312, %scan3A_293 : vector<512x2048xi1>, vector<512x2048xf32>
        scf.yield %select_n3A_313, %select_n3A_309 : vector<512x2048xf32>, vector<512x32xi32>
      }
      %scan3A_291 = arith.constant 30 : i32
      scf.yield %scan3A_290#1 : vector<512x32xi32>
    } else {
      scf.yield %scan3A_195#1 : vector<512x32xi32>
    }
    %ge3A = arith.constant 30 : i32
    %ge3A_231 = vector.broadcast %ge3A : i32 to vector<512x32xi32>
    %ge3A_232 = arith.cmpi sge, %iota3A, %ge3A_231 : vector<512x32xi32>
    %slice3A_233 = vector.extract_strided_slice %cond3A_230 {offsets = [0, 0], sizes = [512, 1], strides = [1, 1]} : vector<512x32xi32> to vector<512x1xi32>
    %broadcast_in_dim3A_234 = vector.shape_cast %slice3A_233 : vector<512x1xi32> to vector<512x1xi32>
    %broadcast_in_dim3A_235 = vector.broadcast %broadcast_in_dim3A_234 : vector<512x1xi32> to vector<512x32xi32>
    %select_n3A_236 = arith.select %ge3A_232, %broadcast_in_dim3A_235, %cond3A_230 : vector<512x32xi1>, vector<512x32xi32>
    %jit3A_237 = arith.constant 4 : i32
    %div3A = arith.divsi %arg0, %jit3A_237 : i32
    %sign3A = arith.constant 0 : i32
    %sign3A_238 = arith.cmpi sgt, %arg0, %sign3A : i32
    %sign3A_239 = arith.extui %sign3A_238 : i1 to i32
    %sign3A_240 = arith.constant 0 : i32
    %sign3A_241 = arith.cmpi slt, %arg0, %sign3A_240 : i32
    %sign3A_242 = arith.extui %sign3A_241 : i1 to i32
    %sign3A_243 = arith.subi %sign3A_239, %sign3A_242 : i32
    %sign3A_244 = arith.constant 0 : i32
    %sign3A_245 = arith.cmpi sgt, %jit3A_237, %sign3A_244 : i32
    %sign3A_246 = arith.extui %sign3A_245 : i1 to i32
    %sign3A_247 = arith.constant 0 : i32
    %sign3A_248 = arith.cmpi slt, %jit3A_237, %sign3A_247 : i32
    %sign3A_249 = arith.extui %sign3A_248 : i1 to i32
    %sign3A_250 = arith.subi %sign3A_246, %sign3A_249 : i32
    %ne3A = arith.cmpi ne, %sign3A_243, %sign3A_250 : i32
    %rem3A = arith.remsi %arg0, %jit3A_237 : i32
    %ne3A_251 = arith.constant 0 : i32
    %ne3A_252 = arith.cmpi ne, %rem3A, %ne3A_251 : i32
    %and3A = arith.andi %ne3A, %ne3A_252 : i1
    %sub3A = arith.constant 1 : i32
    %sub3A_253 = arith.subi %div3A, %sub3A : i32
    %select_n3A_254 = arith.select %and3A, %sub3A_253, %div3A : i32
    %mul3A_255 = arith.constant 2048 : i32
    %mul3A_256 = arith.muli %select_n3A_254, %mul3A_255 : i32
    %add3A_257 = vector.broadcast %mul3A_256 : i32 to vector<512x32xi32>
    %add3A_258 = arith.addi %select_n3A_236, %add3A_257 : vector<512x32xi32>
    %swap3A = arith.constant 0 : index
    %swap3A_259 = arith.constant 0 : index
    %swap3A_260 = vector.load %arg6[%swap3A, %swap3A_259] : memref<512x32xi32, #tpu.memory_space<vmem>>, vector<512x32xi32>
    tpu.vector_store %arg6[%swap3A, %swap3A_259], %add3A_258 {strides = array<i32>} : memref<512x32xi32, #tpu.memory_space<vmem>>, vector<512x32xi32>,
    %get3A_261 = arith.constant 0 : index
    %get3A_262 = arith.constant 0 : index
    %get3A_263 = vector.load %arg3[%get3A_261, %get3A_262] : memref<6x64xf32, #tpu.memory_space<vmem>>, vector<6x64xf32>
    %dot_general3A_264 = arith.constant dense<0.000000e+00> : vector<512x64xf32>
    %dot_general3A_265 = tpu.matmul %get3A_5, %get3A_263, %dot_general3A_264 {dimension_numbers = #tpu.dot_dimension_numbers<[1], [0], [0], [1], [0, 0, 1, 1], [], []>, transpose_lhs_hint = false} : vector<512x6xf32>, vector<6x64xf32>, vector<512x64xf32> -> vector<512x64xf32>
    %get3A_266 = arith.constant 0 : index
    %get3A_267 = arith.constant 0 : index
    %get3A_268 = vector.load %arg5[%get3A_266, %get3A_267] : memref<1x64xf32, #tpu.memory_space<vmem>>, vector<1x64xf32>
    %add3A_269 = vector.broadcast %get3A_268 : vector<1x64xf32> to vector<512x64xf32>
    %add3A_270 = arith.addf %dot_general3A_265, %add3A_269 : vector<512x64xf32>
    %swap3A_271 = arith.constant 0 : index
    %swap3A_272 = arith.constant 0 : index
    %swap3A_273 = vector.load %arg7[%swap3A_271, %swap3A_272] : memref<512x64xf32, #tpu.memory_space<vmem>>, vector<512x64xf32>
    tpu.vector_store %arg7[%swap3A_271, %swap3A_272], %add3A_270 {strides = array<i32>} : memref<512x64xf32, #tpu.memory_space<vmem>>, vector<512x64xf32>,
    %get3A_274 = arith.constant 0 : index
    %get3A_275 = arith.constant 0 : index
    %get3A_276 = vector.load %arg4[%get3A_274, %get3A_275] : memref<6x128xf32, #tpu.memory_space<vmem>>, vector<6x128xf32>
    %dot_general3A_277 = arith.constant dense<0.000000e+00> : vector<512x128xf32>
    %dot_general3A_278 = tpu.matmul %get3A_5, %get3A_276, %dot_general3A_277 {dimension_numbers = #tpu.dot_dimension_numbers<[1], [0], [0], [1], [0, 0, 1, 1], [], []>, transpose_lhs_hint = false} : vector<512x6xf32>, vector<6x128xf32>, vector<512x128xf32> -> vector<512x128xf32>
    %swap3A_279 = arith.constant 0 : index
    %swap3A_280 = arith.constant 0 : index
    %swap3A_281 = vector.load %arg8[%swap3A_279, %swap3A_280] : memref<512x128xf32, #tpu.memory_space<vmem>>, vector<512x128xf32>
    tpu.vector_store %arg8[%swap3A_279, %swap3A_280], %dot_general3A_278 {strides = array<i32>} : memref<512x128xf32, #tpu.memory_space<vmem>>, vector<512x128xf32>,
    return
  }
  func.func @transform_0(%arg0: i32) -> (i32, i32) {
    %c0_i32 = arith.constant 0 : i32
    %c0_i32_0 = arith.constant 0 : i32
    return %arg0, %c0_i32 : i32, i32
  }
  func.func @transform_1(%arg0: i32) -> (i32, i32) {
    %jit3A = arith.constant 4 : i32
    %div3A = arith.divsi %arg0, %jit3A : i32
    %sign3A = arith.constant 0 : i32
    %sign3A_0 = arith.cmpi sgt, %arg0, %sign3A : i32
    %sign3A_1 = arith.extui %sign3A_0 : i1 to i32
    %sign3A_2 = arith.constant 0 : i32
    %sign3A_3 = arith.cmpi slt, %arg0, %sign3A_2 : i32
    %sign3A_4 = arith.extui %sign3A_3 : i1 to i32
    %sign3A_5 = arith.subi %sign3A_1, %sign3A_4 : i32
    %sign3A_6 = arith.constant 0 : i32
    %sign3A_7 = arith.cmpi sgt, %jit3A, %sign3A_6 : i32
    %sign3A_8 = arith.extui %sign3A_7 : i1 to i32
    %sign3A_9 = arith.constant 0 : i32
    %sign3A_10 = arith.cmpi slt, %jit3A, %sign3A_9 : i32
    %sign3A_11 = arith.extui %sign3A_10 : i1 to i32
    %sign3A_12 = arith.subi %sign3A_8, %sign3A_11 : i32
    %ne3A = arith.cmpi ne, %sign3A_5, %sign3A_12 : i32
    %rem3A = arith.remsi %arg0, %jit3A : i32
    %ne3A_13 = arith.constant 0 : i32
    %ne3A_14 = arith.cmpi ne, %rem3A, %ne3A_13 : i32
    %and3A = arith.andi %ne3A, %ne3A_14 : i1
    %sub3A = arith.constant 1 : i32
    %sub3A_15 = arith.subi %div3A, %sub3A : i32
    %select_n3A = arith.select %and3A, %sub3A_15, %div3A : i32
    %c0_i32 = arith.constant 0 : i32
    %c0_i32_16 = arith.constant 0 : i32
    return %select_n3A, %c0_i32 : i32, i32
  }
  func.func @transform_2(%arg0: i32) -> (i32, i32) {
    %c0_i32 = arith.constant 0 : i32
    %c0_i32_0 = arith.constant 0 : i32
    %c0_i32_1 = arith.constant 0 : i32
    return %c0_i32, %c0_i32_0 : i32, i32
  }
  func.func @transform_3(%arg0: i32) -> (i32, i32) {
    %c0_i32 = arith.constant 0 : i32
    %c0_i32_0 = arith.constant 0 : i32
    %c0_i32_1 = arith.constant 0 : i32
    return %c0_i32, %c0_i32_0 : i32, i32
  }
  func.func @transform_4(%arg0: i32) -> (i32, i32) {
    %c0_i32 = arith.constant 0 : i32
    %c0_i32_0 = arith.constant 0 : i32
    %c0_i32_1 = arith.constant 0 : i32
    return %c0_i32, %c0_i32_0 : i32, i32
  }
  func.func @transform_5(%arg0: i32) -> (i32, i32) {
    %c0_i32 = arith.constant 0 : i32
    %c0_i32_0 = arith.constant 0 : i32
    return %arg0, %c0_i32 : i32, i32
  }
  func.func @transform_6(%arg0: i32) -> (i32, i32) {
    %c0_i32 = arith.constant 0 : i32
    %c0_i32_0 = arith.constant 0 : i32
    return %arg0, %c0_i32 : i32, i32
  }
  func.func @transform_7(%arg0: i32) -> (i32, i32) {
    %c0_i32 = arith.constant 0 : i32
    %c0_i32_0 = arith.constant 0 : i32
    return %arg0, %c0_i32 : i32, i32
  }
}

module attributes {stable_mosaic.version = 14 : i64} {
  func.func @_agg_body(%arg0: i32, %arg1: memref<512x64xf32, #tpu.memory_space<vmem>>, %arg2: memref<512x32x128xf32, #tpu.memory_space<vmem>>, %arg3: memref<64x64xf32, #tpu.memory_space<vmem>>, %arg4: memref<1x64xf32, #tpu.memory_space<vmem>>, %arg5: memref<1x64xf32, #tpu.memory_space<vmem>>, %arg6: memref<1x64xf32, #tpu.memory_space<vmem>>, %arg7: memref<512x64xf32, #tpu.memory_space<vmem>>) attributes {dimension_semantics = [#tpu.dimension_semantics<arbitrary>], iteration_bounds = array<i64: 64>, scalar_prefetch = 0 : i64, scratch_operands = 0 : i64, tpu.core_type = #tpu.core_type<tc>, window_params = [{transform_indices = @transform_0, window_bounds = array<i64: 512, 64>}, {transform_indices = @transform_1, window_bounds = array<i64: 512, 32, 128>}, {pipeline_mode = #tpu.pipeline_mode<synchronous>, transform_indices = @transform_2, window_bounds = array<i64: 64, 64>}, {pipeline_mode = #tpu.pipeline_mode<synchronous>, transform_indices = @transform_3, window_bounds = array<i64: 1, 64>}, {pipeline_mode = #tpu.pipeline_mode<synchronous>, transform_indices = @transform_4, window_bounds = array<i64: 1, 64>}, {pipeline_mode = #tpu.pipeline_mode<synchronous>, transform_indices = @transform_5, window_bounds = array<i64: 1, 64>}, {transform_indices = @transform_6, window_bounds = array<i64: 512, 64>}]} {
    %get3A = arith.constant 0 : index
    %get3A_0 = arith.constant 0 : index
    %get3A_1 = vector.load %arg1[%get3A, %get3A_0] : memref<512x64xf32, #tpu.memory_space<vmem>>, vector<512x64xf32>
    %get3A_2 = arith.constant 0 : index
    %get3A_3 = arith.constant 0 : index
    %get3A_4 = arith.constant 0 : index
    %get3A_5 = vector.load %arg2[%get3A_2, %get3A_3, %get3A_4] : memref<512x32x128xf32, #tpu.memory_space<vmem>>, vector<512x32x64xf32>
    %broadcast_in_dim3A = vector.shape_cast %get3A_1 : vector<512x64xf32> to vector<512x1x64xf32>
    %add3A = vector.broadcast %broadcast_in_dim3A : vector<512x1x64xf32> to vector<512x32x64xf32>
    %add3A_6 = arith.addf %add3A, %get3A_5 : vector<512x32x64xf32>
    %max3A = arith.constant 0.000000e+00 : f32
    %max3A_7 = vector.broadcast %max3A : f32 to vector<512x32x64xf32>
    %max3A_8 = arith.maximumf %add3A_6, %max3A_7 : vector<512x32x64xf32>
    %reshape3A = vector.shape_cast %max3A_8 : vector<512x32x64xf32> to vector<16384x64xf32>
    %get3A_9 = arith.constant 0 : index
    %get3A_10 = arith.constant 0 : index
    %get3A_11 = vector.load %arg3[%get3A_9, %get3A_10] : memref<64x64xf32, #tpu.memory_space<vmem>>, vector<64x64xf32>
    %dot_general3A = arith.constant dense<0.000000e+00> : vector<16384x64xf32>
    %dot_general3A_12 = tpu.matmul %reshape3A, %get3A_11, %dot_general3A {dimension_numbers = #tpu.dot_dimension_numbers<[1], [0], [0], [1], [0, 0, 1, 1], [], []>, transpose_lhs_hint = false} : vector<16384x64xf32>, vector<64x64xf32>, vector<16384x64xf32> -> vector<16384x64xf32>
    %get3A_13 = arith.constant 0 : index
    %get3A_14 = arith.constant 0 : index
    %get3A_15 = vector.load %arg4[%get3A_13, %get3A_14] : memref<1x64xf32, #tpu.memory_space<vmem>>, vector<1x64xf32>
    %add3A_16 = vector.broadcast %get3A_15 : vector<1x64xf32> to vector<16384x64xf32>
    %add3A_17 = arith.addf %dot_general3A_12, %add3A_16 : vector<16384x64xf32>
    %max3A_18 = arith.constant 0.000000e+00 : f32
    %max3A_19 = vector.broadcast %max3A_18 : f32 to vector<16384x64xf32>
    %max3A_20 = arith.maximumf %add3A_17, %max3A_19 : vector<16384x64xf32>
    %get3A_21 = arith.constant 0 : index
    %get3A_22 = arith.constant 0 : index
    %get3A_23 = vector.load %arg5[%get3A_21, %get3A_22] : memref<1x64xf32, #tpu.memory_space<vmem>>, vector<1x64xf32>
    %mul3A = vector.broadcast %get3A_23 : vector<1x64xf32> to vector<16384x64xf32>
    %mul3A_24 = arith.mulf %max3A_20, %mul3A : vector<16384x64xf32>
    %get3A_25 = arith.constant 0 : index
    %get3A_26 = arith.constant 0 : index
    %get3A_27 = vector.load %arg6[%get3A_25, %get3A_26] : memref<1x64xf32, #tpu.memory_space<vmem>>, vector<1x64xf32>
    %add3A_28 = vector.broadcast %get3A_27 : vector<1x64xf32> to vector<16384x64xf32>
    %add3A_29 = arith.addf %mul3A_24, %add3A_28 : vector<16384x64xf32>
    %reshape3A_30 = vector.shape_cast %add3A_29 : vector<16384x64xf32> to vector<512x32x64xf32>
    %reduce_max3A = arith.constant dense<0xFF800000> : vector<512x64xf32>
    %reduce_max3A_31 = vector.multi_reduction <maximumf>, %reshape3A_30, %reduce_max3A [1] : vector<512x32x64xf32> to vector<512x64xf32>
    %swap3A = arith.constant 0 : index
    %swap3A_32 = arith.constant 0 : index
    %swap3A_33 = vector.load %arg7[%swap3A, %swap3A_32] : memref<512x64xf32, #tpu.memory_space<vmem>>, vector<512x64xf32>
    tpu.vector_store %arg7[%swap3A, %swap3A_32], %reduce_max3A_31 {strides = array<i32>} : memref<512x64xf32, #tpu.memory_space<vmem>>, vector<512x64xf32>,
    return
  }
  func.func @transform_0(%arg0: i32) -> (i32, i32) {
    %c0_i32 = arith.constant 0 : i32
    %c0_i32_0 = arith.constant 0 : i32
    return %arg0, %c0_i32 : i32, i32
  }
  func.func @transform_1(%arg0: i32) -> (i32, i32, i32) {
    %c0_i32 = arith.constant 0 : i32
    %c0_i32_0 = arith.constant 0 : i32
    %c0_i32_1 = arith.constant 0 : i32
    return %arg0, %c0_i32, %c0_i32_0 : i32, i32, i32
  }
  func.func @transform_2(%arg0: i32) -> (i32, i32) {
    %c0_i32 = arith.constant 0 : i32
    %c0_i32_0 = arith.constant 0 : i32
    %c0_i32_1 = arith.constant 0 : i32
    return %c0_i32, %c0_i32_0 : i32, i32
  }
  func.func @transform_3(%arg0: i32) -> (i32, i32) {
    %c0_i32 = arith.constant 0 : i32
    %c0_i32_0 = arith.constant 0 : i32
    %c0_i32_1 = arith.constant 0 : i32
    return %c0_i32, %c0_i32_0 : i32, i32
  }
  func.func @transform_4(%arg0: i32) -> (i32, i32) {
    %c0_i32 = arith.constant 0 : i32
    %c0_i32_0 = arith.constant 0 : i32
    %c0_i32_1 = arith.constant 0 : i32
    return %c0_i32, %c0_i32_0 : i32, i32
  }
  func.func @transform_5(%arg0: i32) -> (i32, i32) {
    %c0_i32 = arith.constant 0 : i32
    %c0_i32_0 = arith.constant 0 : i32
    %c0_i32_1 = arith.constant 0 : i32
    return %c0_i32, %c0_i32_0 : i32, i32
  }
  func.func @transform_6(%arg0: i32) -> (i32, i32) {
    %c0_i32 = arith.constant 0 : i32
    %c0_i32_0 = arith.constant 0 : i32
    return %arg0, %c0_i32 : i32, i32
  }
}

module attributes {stable_mosaic.version = 14 : i64} {
  func.func @_knn_body(%arg0: i32, %arg1: memref<512x64xf32, #tpu.memory_space<vmem>>, %arg2: memref<2048x64xf32, #tpu.memory_space<vmem>>, %arg3: memref<64x64xf32, #tpu.memory_space<vmem>>, %arg4: memref<64x128xf32, #tpu.memory_space<vmem>>, %arg5: memref<1x64xf32, #tpu.memory_space<vmem>>, %arg6: memref<512x32xi32, #tpu.memory_space<vmem>>, %arg7: memref<512x64xf32, #tpu.memory_space<vmem>>, %arg8: memref<512x128xf32, #tpu.memory_space<vmem>>) attributes {dimension_semantics = [#tpu.dimension_semantics<arbitrary>], iteration_bounds = array<i64: 64>, scalar_prefetch = 0 : i64, scratch_operands = 0 : i64, tpu.core_type = #tpu.core_type<tc>, window_params = [{transform_indices = @transform_0, window_bounds = array<i64: 512, 64>}, {transform_indices = @transform_1, window_bounds = array<i64: 2048, 64>}, {pipeline_mode = #tpu.pipeline_mode<synchronous>, transform_indices = @transform_2, window_bounds = array<i64: 64, 64>}, {pipeline_mode = #tpu.pipeline_mode<synchronous>, transform_indices = @transform_3, window_bounds = array<i64: 64, 128>}, {pipeline_mode = #tpu.pipeline_mode<synchronous>, transform_indices = @transform_4, window_bounds = array<i64: 1, 64>}, {transform_indices = @transform_5, window_bounds = array<i64: 512, 32>}, {transform_indices = @transform_6, window_bounds = array<i64: 512, 64>}, {transform_indices = @transform_7, window_bounds = array<i64: 512, 128>}]} {
    %get3A = arith.constant 0 : index
    %get3A_0 = arith.constant 0 : index
    %get3A_1 = vector.load %arg2[%get3A, %get3A_0] : memref<2048x64xf32, #tpu.memory_space<vmem>>, vector<2048x64xf32>
    %mul3A = arith.mulf %get3A_1, %get3A_1 : vector<2048x64xf32>
    %reduce_sum3A = arith.constant dense<0.000000e+00> : vector<2048xf32>
    %reduce_sum3A_2 = vector.multi_reduction <add>, %mul3A, %reduce_sum3A [1] : vector<2048x64xf32> to vector<2048xf32>
    %broadcast_in_dim3A = vector.shape_cast %reduce_sum3A_2 : vector<2048xf32> to vector<2048x1xf32>
    %concatenate3A = tpu.concatenate %get3A_1, %broadcast_in_dim3A in 1 : vector<2048x64xf32>, vector<2048x1xf32> -> vector<2048x65xf32>
    %get3A_3 = arith.constant 0 : index
    %get3A_4 = arith.constant 0 : index
    %get3A_5 = vector.load %arg1[%get3A_3, %get3A_4] : memref<512x64xf32, #tpu.memory_space<vmem>>, vector<512x64xf32>
    %mul3A_6 = arith.constant -2.000000e+00 : f32
    %mul3A_7 = vector.broadcast %mul3A_6 : f32 to vector<512x64xf32>
    %mul3A_8 = arith.mulf %mul3A_7, %get3A_5 : vector<512x64xf32>
    %broadcast_in_dim3A_9 = arith.constant 1.000000e+00 : f32
    %broadcast_in_dim3A_10 = vector.broadcast %broadcast_in_dim3A_9 : f32 to vector<512x1xf32>
    %concatenate3A_11 = tpu.concatenate %mul3A_8, %broadcast_in_dim3A_10 in 1 : vector<512x64xf32>, vector<512x1xf32> -> vector<512x65xf32>
    %dot_general3A = arith.constant dense<0.000000e+00> : vector<512x2048xf32>
    %dot_general3A_12 = tpu.matmul %concatenate3A_11, %concatenate3A, %dot_general3A {dimension_numbers = #tpu.dot_dimension_numbers<[1], [1], [0], [0], [0, 0, 1, 0], [], []>, transpose_lhs_hint = false} : vector<512x65xf32>, vector<2048x65xf32>, vector<512x2048xf32> -> vector<512x2048xf32>
    %iota3A = tpu.iota {dimensions = array<i32: 1>} : vector<512x32xi32>
    %iota3A_13 = tpu.iota {dimensions = array<i32: 1>} : vector<512x16x128xi32>
    %reshape3A = vector.shape_cast %iota3A_13 : vector<512x16x128xi32> to vector<512x2048xi32>
    %slice3A = vector.extract_strided_slice %dot_general3A_12 {offsets = [0, 0], sizes = [512, 1024], strides = [1, 1]} : vector<512x2048xf32> to vector<512x1024xf32>
    %slice3A_14 = vector.extract_strided_slice %dot_general3A_12 {offsets = [0, 1024], sizes = [512, 1024], strides = [1, 1]} : vector<512x2048xf32> to vector<512x1024xf32>
    %slice3A_15 = vector.extract_strided_slice %reshape3A {offsets = [0, 0], sizes = [512, 1024], strides = [1, 1]} : vector<512x2048xi32> to vector<512x1024xi32>
    %slice3A_16 = vector.extract_strided_slice %reshape3A {offsets = [0, 1024], sizes = [512, 1024], strides = [1, 1]} : vector<512x2048xi32> to vector<512x1024xi32>
    %le3A = arith.cmpf ole, %slice3A, %slice3A_14 : vector<512x1024xf32>
    %select_n3A = arith.select %le3A, %slice3A, %slice3A_14 : vector<512x1024xi1>, vector<512x1024xf32>
    %select_n3A_17 = arith.select %le3A, %slice3A_15, %slice3A_16 : vector<512x1024xi1>, vector<512x1024xi32>
    %slice3A_18 = vector.extract_strided_slice %select_n3A {offsets = [0, 0], sizes = [512, 512], strides = [1, 1]} : vector<512x1024xf32> to vector<512x512xf32>
    %slice3A_19 = vector.extract_strided_slice %select_n3A {offsets = [0, 512], sizes = [512, 512], strides = [1, 1]} : vector<512x1024xf32> to vector<512x512xf32>
    %slice3A_20 = vector.extract_strided_slice %select_n3A_17 {offsets = [0, 0], sizes = [512, 512], strides = [1, 1]} : vector<512x1024xi32> to vector<512x512xi32>
    %slice3A_21 = vector.extract_strided_slice %select_n3A_17 {offsets = [0, 512], sizes = [512, 512], strides = [1, 1]} : vector<512x1024xi32> to vector<512x512xi32>
    %le3A_22 = arith.cmpf ole, %slice3A_18, %slice3A_19 : vector<512x512xf32>
    %select_n3A_23 = arith.select %le3A_22, %slice3A_18, %slice3A_19 : vector<512x512xi1>, vector<512x512xf32>
    %select_n3A_24 = arith.select %le3A_22, %slice3A_20, %slice3A_21 : vector<512x512xi1>, vector<512x512xi32>
    %slice3A_25 = vector.extract_strided_slice %select_n3A_23 {offsets = [0, 0], sizes = [512, 256], strides = [1, 1]} : vector<512x512xf32> to vector<512x256xf32>
    %slice3A_26 = vector.extract_strided_slice %select_n3A_23 {offsets = [0, 256], sizes = [512, 256], strides = [1, 1]} : vector<512x512xf32> to vector<512x256xf32>
    %slice3A_27 = vector.extract_strided_slice %select_n3A_24 {offsets = [0, 0], sizes = [512, 256], strides = [1, 1]} : vector<512x512xi32> to vector<512x256xi32>
    %slice3A_28 = vector.extract_strided_slice %select_n3A_24 {offsets = [0, 256], sizes = [512, 256], strides = [1, 1]} : vector<512x512xi32> to vector<512x256xi32>
    %le3A_29 = arith.cmpf ole, %slice3A_25, %slice3A_26 : vector<512x256xf32>
    %select_n3A_30 = arith.select %le3A_29, %slice3A_25, %slice3A_26 : vector<512x256xi1>, vector<512x256xf32>
    %select_n3A_31 = arith.select %le3A_29, %slice3A_27, %slice3A_28 : vector<512x256xi1>, vector<512x256xi32>
    %slice3A_32 = vector.extract_strided_slice %select_n3A_30 {offsets = [0, 0], sizes = [512, 128], strides = [1, 1]} : vector<512x256xf32> to vector<512x128xf32>
    %slice3A_33 = vector.extract_strided_slice %select_n3A_30 {offsets = [0, 128], sizes = [512, 128], strides = [1, 1]} : vector<512x256xf32> to vector<512x128xf32>
    %slice3A_34 = vector.extract_strided_slice %select_n3A_31 {offsets = [0, 0], sizes = [512, 128], strides = [1, 1]} : vector<512x256xi32> to vector<512x128xi32>
    %slice3A_35 = vector.extract_strided_slice %select_n3A_31 {offsets = [0, 128], sizes = [512, 128], strides = [1, 1]} : vector<512x256xi32> to vector<512x128xi32>
    %le3A_36 = arith.cmpf ole, %slice3A_32, %slice3A_33 : vector<512x128xf32>
    %select_n3A_37 = arith.select %le3A_36, %slice3A_32, %slice3A_33 : vector<512x128xi1>, vector<512x128xf32>
    %select_n3A_38 = arith.select %le3A_36, %slice3A_34, %slice3A_35 : vector<512x128xi1>, vector<512x128xi32>
    %reshape3A_39 = vector.shape_cast %select_n3A_37 : vector<512x128xf32> to vector<512x1x128xf32>
    %reshape3A_40 = vector.shape_cast %select_n3A_38 : vector<512x128xi32> to vector<512x1x128xi32>
    %concatenate3A_41 = tpu.concatenate %select_n3A_38, %select_n3A_38, %select_n3A_38, %select_n3A_38, %select_n3A_38, %select_n3A_38, %select_n3A_38, %select_n3A_38, %select_n3A_38, %select_n3A_38, %select_n3A_38, %select_n3A_38, %select_n3A_38, %select_n3A_38, %select_n3A_38, %select_n3A_38 in 1 : vector<512x128xi32>, vector<512x128xi32>, vector<512x128xi32>, vector<512x128xi32>, vector<512x128xi32>, vector<512x128xi32>, vector<512x128xi32>, vector<512x128xi32>, vector<512x128xi32>, vector<512x128xi32>, vector<512x128xi32>, vector<512x128xi32>, vector<512x128xi32>, vector<512x128xi32>, vector<512x128xi32>, vector<512x128xi32> -> vector<512x2048xi32>
    %eq3A = arith.cmpi eq, %reshape3A, %concatenate3A_41 : vector<512x2048xi32>
    %jit3A = arith.constant 0x7F800000 : f32
    %broadcast_in_dim3A_42 = vector.broadcast %jit3A : f32 to vector<512x2048xf32>
    %select_n3A_43 = arith.select %eq3A, %broadcast_in_dim3A_42, %dot_general3A_12 : vector<512x2048xi1>, vector<512x2048xf32>
    %slice3A_44 = vector.extract_strided_slice %select_n3A_43 {offsets = [0, 0], sizes = [512, 1024], strides = [1, 1]} : vector<512x2048xf32> to vector<512x1024xf32>
    %slice3A_45 = vector.extract_strided_slice %select_n3A_43 {offsets = [0, 1024], sizes = [512, 1024], strides = [1, 1]} : vector<512x2048xf32> to vector<512x1024xf32>
    %slice3A_46 = vector.extract_strided_slice %reshape3A {offsets = [0, 0], sizes = [512, 1024], strides = [1, 1]} : vector<512x2048xi32> to vector<512x1024xi32>
    %slice3A_47 = vector.extract_strided_slice %reshape3A {offsets = [0, 1024], sizes = [512, 1024], strides = [1, 1]} : vector<512x2048xi32> to vector<512x1024xi32>
    %le3A_48 = arith.cmpf ole, %slice3A_44, %slice3A_45 : vector<512x1024xf32>
    %select_n3A_49 = arith.select %le3A_48, %slice3A_44, %slice3A_45 : vector<512x1024xi1>, vector<512x1024xf32>
    %select_n3A_50 = arith.select %le3A_48, %slice3A_46, %slice3A_47 : vector<512x1024xi1>, vector<512x1024xi32>
    %slice3A_51 = vector.extract_strided_slice %select_n3A_49 {offsets = [0, 0], sizes = [512, 512], strides = [1, 1]} : vector<512x1024xf32> to vector<512x512xf32>
    %slice3A_52 = vector.extract_strided_slice %select_n3A_49 {offsets = [0, 512], sizes = [512, 512], strides = [1, 1]} : vector<512x1024xf32> to vector<512x512xf32>
    %slice3A_53 = vector.extract_strided_slice %select_n3A_50 {offsets = [0, 0], sizes = [512, 512], strides = [1, 1]} : vector<512x1024xi32> to vector<512x512xi32>
    %slice3A_54 = vector.extract_strided_slice %select_n3A_50 {offsets = [0, 512], sizes = [512, 512], strides = [1, 1]} : vector<512x1024xi32> to vector<512x512xi32>
    %le3A_55 = arith.cmpf ole, %slice3A_51, %slice3A_52 : vector<512x512xf32>
    %select_n3A_56 = arith.select %le3A_55, %slice3A_51, %slice3A_52 : vector<512x512xi1>, vector<512x512xf32>
    %select_n3A_57 = arith.select %le3A_55, %slice3A_53, %slice3A_54 : vector<512x512xi1>, vector<512x512xi32>
    %slice3A_58 = vector.extract_strided_slice %select_n3A_56 {offsets = [0, 0], sizes = [512, 256], strides = [1, 1]} : vector<512x512xf32> to vector<512x256xf32>
    %slice3A_59 = vector.extract_strided_slice %select_n3A_56 {offsets = [0, 256], sizes = [512, 256], strides = [1, 1]} : vector<512x512xf32> to vector<512x256xf32>
    %slice3A_60 = vector.extract_strided_slice %select_n3A_57 {offsets = [0, 0], sizes = [512, 256], strides = [1, 1]} : vector<512x512xi32> to vector<512x256xi32>
    %slice3A_61 = vector.extract_strided_slice %select_n3A_57 {offsets = [0, 256], sizes = [512, 256], strides = [1, 1]} : vector<512x512xi32> to vector<512x256xi32>
    %le3A_62 = arith.cmpf ole, %slice3A_58, %slice3A_59 : vector<512x256xf32>
    %select_n3A_63 = arith.select %le3A_62, %slice3A_58, %slice3A_59 : vector<512x256xi1>, vector<512x256xf32>
    %select_n3A_64 = arith.select %le3A_62, %slice3A_60, %slice3A_61 : vector<512x256xi1>, vector<512x256xi32>
    %slice3A_65 = vector.extract_strided_slice %select_n3A_63 {offsets = [0, 0], sizes = [512, 128], strides = [1, 1]} : vector<512x256xf32> to vector<512x128xf32>
    %slice3A_66 = vector.extract_strided_slice %select_n3A_63 {offsets = [0, 128], sizes = [512, 128], strides = [1, 1]} : vector<512x256xf32> to vector<512x128xf32>
    %slice3A_67 = vector.extract_strided_slice %select_n3A_64 {offsets = [0, 0], sizes = [512, 128], strides = [1, 1]} : vector<512x256xi32> to vector<512x128xi32>
    %slice3A_68 = vector.extract_strided_slice %select_n3A_64 {offsets = [0, 128], sizes = [512, 128], strides = [1, 1]} : vector<512x256xi32> to vector<512x128xi32>
    %le3A_69 = arith.cmpf ole, %slice3A_65, %slice3A_66 : vector<512x128xf32>
    %select_n3A_70 = arith.select %le3A_69, %slice3A_65, %slice3A_66 : vector<512x128xi1>, vector<512x128xf32>
    %select_n3A_71 = arith.select %le3A_69, %slice3A_67, %slice3A_68 : vector<512x128xi1>, vector<512x128xi32>
    %reshape3A_72 = vector.shape_cast %select_n3A_70 : vector<512x128xf32> to vector<512x1x128xf32>
    %reshape3A_73 = vector.shape_cast %select_n3A_71 : vector<512x128xi32> to vector<512x1x128xi32>
    %concatenate3A_74 = tpu.concatenate %select_n3A_71, %select_n3A_71, %select_n3A_71, %select_n3A_71, %select_n3A_71, %select_n3A_71, %select_n3A_71, %select_n3A_71, %select_n3A_71, %select_n3A_71, %select_n3A_71, %select_n3A_71, %select_n3A_71, %select_n3A_71, %select_n3A_71, %select_n3A_71 in 1 : vector<512x128xi32>, vector<512x128xi32>, vector<512x128xi32>, vector<512x128xi32>, vector<512x128xi32>, vector<512x128xi32>, vector<512x128xi32>, vector<512x128xi32>, vector<512x128xi32>, vector<512x128xi32>, vector<512x128xi32>, vector<512x128xi32>, vector<512x128xi32>, vector<512x128xi32>, vector<512x128xi32>, vector<512x128xi32> -> vector<512x2048xi32>
    %eq3A_75 = arith.cmpi eq, %reshape3A, %concatenate3A_74 : vector<512x2048xi32>
    %jit3A_76 = arith.constant 0x7F800000 : f32
    %broadcast_in_dim3A_77 = vector.broadcast %jit3A_76 : f32 to vector<512x2048xf32>
    %select_n3A_78 = arith.select %eq3A_75, %broadcast_in_dim3A_77, %select_n3A_43 : vector<512x2048xi1>, vector<512x2048xf32>
    %slice3A_79 = vector.extract_strided_slice %select_n3A_78 {offsets = [0, 0], sizes = [512, 1024], strides = [1, 1]} : vector<512x2048xf32> to vector<512x1024xf32>
    %slice3A_80 = vector.extract_strided_slice %select_n3A_78 {offsets = [0, 1024], sizes = [512, 1024], strides = [1, 1]} : vector<512x2048xf32> to vector<512x1024xf32>
    %slice3A_81 = vector.extract_strided_slice %reshape3A {offsets = [0, 0], sizes = [512, 1024], strides = [1, 1]} : vector<512x2048xi32> to vector<512x1024xi32>
    %slice3A_82 = vector.extract_strided_slice %reshape3A {offsets = [0, 1024], sizes = [512, 1024], strides = [1, 1]} : vector<512x2048xi32> to vector<512x1024xi32>
    %le3A_83 = arith.cmpf ole, %slice3A_79, %slice3A_80 : vector<512x1024xf32>
    %select_n3A_84 = arith.select %le3A_83, %slice3A_79, %slice3A_80 : vector<512x1024xi1>, vector<512x1024xf32>
    %select_n3A_85 = arith.select %le3A_83, %slice3A_81, %slice3A_82 : vector<512x1024xi1>, vector<512x1024xi32>
    %slice3A_86 = vector.extract_strided_slice %select_n3A_84 {offsets = [0, 0], sizes = [512, 512], strides = [1, 1]} : vector<512x1024xf32> to vector<512x512xf32>
    %slice3A_87 = vector.extract_strided_slice %select_n3A_84 {offsets = [0, 512], sizes = [512, 512], strides = [1, 1]} : vector<512x1024xf32> to vector<512x512xf32>
    %slice3A_88 = vector.extract_strided_slice %select_n3A_85 {offsets = [0, 0], sizes = [512, 512], strides = [1, 1]} : vector<512x1024xi32> to vector<512x512xi32>
    %slice3A_89 = vector.extract_strided_slice %select_n3A_85 {offsets = [0, 512], sizes = [512, 512], strides = [1, 1]} : vector<512x1024xi32> to vector<512x512xi32>
    %le3A_90 = arith.cmpf ole, %slice3A_86, %slice3A_87 : vector<512x512xf32>
    %select_n3A_91 = arith.select %le3A_90, %slice3A_86, %slice3A_87 : vector<512x512xi1>, vector<512x512xf32>
    %select_n3A_92 = arith.select %le3A_90, %slice3A_88, %slice3A_89 : vector<512x512xi1>, vector<512x512xi32>
    %slice3A_93 = vector.extract_strided_slice %select_n3A_91 {offsets = [0, 0], sizes = [512, 256], strides = [1, 1]} : vector<512x512xf32> to vector<512x256xf32>
    %slice3A_94 = vector.extract_strided_slice %select_n3A_91 {offsets = [0, 256], sizes = [512, 256], strides = [1, 1]} : vector<512x512xf32> to vector<512x256xf32>
    %slice3A_95 = vector.extract_strided_slice %select_n3A_92 {offsets = [0, 0], sizes = [512, 256], strides = [1, 1]} : vector<512x512xi32> to vector<512x256xi32>
    %slice3A_96 = vector.extract_strided_slice %select_n3A_92 {offsets = [0, 256], sizes = [512, 256], strides = [1, 1]} : vector<512x512xi32> to vector<512x256xi32>
    %le3A_97 = arith.cmpf ole, %slice3A_93, %slice3A_94 : vector<512x256xf32>
    %select_n3A_98 = arith.select %le3A_97, %slice3A_93, %slice3A_94 : vector<512x256xi1>, vector<512x256xf32>
    %select_n3A_99 = arith.select %le3A_97, %slice3A_95, %slice3A_96 : vector<512x256xi1>, vector<512x256xi32>
    %slice3A_100 = vector.extract_strided_slice %select_n3A_98 {offsets = [0, 0], sizes = [512, 128], strides = [1, 1]} : vector<512x256xf32> to vector<512x128xf32>
    %slice3A_101 = vector.extract_strided_slice %select_n3A_98 {offsets = [0, 128], sizes = [512, 128], strides = [1, 1]} : vector<512x256xf32> to vector<512x128xf32>
    %slice3A_102 = vector.extract_strided_slice %select_n3A_99 {offsets = [0, 0], sizes = [512, 128], strides = [1, 1]} : vector<512x256xi32> to vector<512x128xi32>
    %slice3A_103 = vector.extract_strided_slice %select_n3A_99 {offsets = [0, 128], sizes = [512, 128], strides = [1, 1]} : vector<512x256xi32> to vector<512x128xi32>
    %le3A_104 = arith.cmpf ole, %slice3A_100, %slice3A_101 : vector<512x128xf32>
    %select_n3A_105 = arith.select %le3A_104, %slice3A_100, %slice3A_101 : vector<512x128xi1>, vector<512x128xf32>
    %select_n3A_106 = arith.select %le3A_104, %slice3A_102, %slice3A_103 : vector<512x128xi1>, vector<512x128xi32>
    %reshape3A_107 = vector.shape_cast %select_n3A_105 : vector<512x128xf32> to vector<512x1x128xf32>
    %reshape3A_108 = vector.shape_cast %select_n3A_106 : vector<512x128xi32> to vector<512x1x128xi32>
    %concatenate3A_109 = tpu.concatenate %select_n3A_106, %select_n3A_106, %select_n3A_106, %select_n3A_106, %select_n3A_106, %select_n3A_106, %select_n3A_106, %select_n3A_106, %select_n3A_106, %select_n3A_106, %select_n3A_106, %select_n3A_106, %select_n3A_106, %select_n3A_106, %select_n3A_106, %select_n3A_106 in 1 : vector<512x128xi32>, vector<512x128xi32>, vector<512x128xi32>, vector<512x128xi32>, vector<512x128xi32>, vector<512x128xi32>, vector<512x128xi32>, vector<512x128xi32>, vector<512x128xi32>, vector<512x128xi32>, vector<512x128xi32>, vector<512x128xi32>, vector<512x128xi32>, vector<512x128xi32>, vector<512x128xi32>, vector<512x128xi32> -> vector<512x2048xi32>
    %eq3A_110 = arith.cmpi eq, %reshape3A, %concatenate3A_109 : vector<512x2048xi32>
    %jit3A_111 = arith.constant 0x7F800000 : f32
    %broadcast_in_dim3A_112 = vector.broadcast %jit3A_111 : f32 to vector<512x2048xf32>
    %select_n3A_113 = arith.select %eq3A_110, %broadcast_in_dim3A_112, %select_n3A_78 : vector<512x2048xi1>, vector<512x2048xf32>
    %slice3A_114 = vector.extract_strided_slice %select_n3A_113 {offsets = [0, 0], sizes = [512, 1024], strides = [1, 1]} : vector<512x2048xf32> to vector<512x1024xf32>
    %slice3A_115 = vector.extract_strided_slice %select_n3A_113 {offsets = [0, 1024], sizes = [512, 1024], strides = [1, 1]} : vector<512x2048xf32> to vector<512x1024xf32>
    %slice3A_116 = vector.extract_strided_slice %reshape3A {offsets = [0, 0], sizes = [512, 1024], strides = [1, 1]} : vector<512x2048xi32> to vector<512x1024xi32>
    %slice3A_117 = vector.extract_strided_slice %reshape3A {offsets = [0, 1024], sizes = [512, 1024], strides = [1, 1]} : vector<512x2048xi32> to vector<512x1024xi32>
    %le3A_118 = arith.cmpf ole, %slice3A_114, %slice3A_115 : vector<512x1024xf32>
    %select_n3A_119 = arith.select %le3A_118, %slice3A_114, %slice3A_115 : vector<512x1024xi1>, vector<512x1024xf32>
    %select_n3A_120 = arith.select %le3A_118, %slice3A_116, %slice3A_117 : vector<512x1024xi1>, vector<512x1024xi32>
    %slice3A_121 = vector.extract_strided_slice %select_n3A_119 {offsets = [0, 0], sizes = [512, 512], strides = [1, 1]} : vector<512x1024xf32> to vector<512x512xf32>
    %slice3A_122 = vector.extract_strided_slice %select_n3A_119 {offsets = [0, 512], sizes = [512, 512], strides = [1, 1]} : vector<512x1024xf32> to vector<512x512xf32>
    %slice3A_123 = vector.extract_strided_slice %select_n3A_120 {offsets = [0, 0], sizes = [512, 512], strides = [1, 1]} : vector<512x1024xi32> to vector<512x512xi32>
    %slice3A_124 = vector.extract_strided_slice %select_n3A_120 {offsets = [0, 512], sizes = [512, 512], strides = [1, 1]} : vector<512x1024xi32> to vector<512x512xi32>
    %le3A_125 = arith.cmpf ole, %slice3A_121, %slice3A_122 : vector<512x512xf32>
    %select_n3A_126 = arith.select %le3A_125, %slice3A_121, %slice3A_122 : vector<512x512xi1>, vector<512x512xf32>
    %select_n3A_127 = arith.select %le3A_125, %slice3A_123, %slice3A_124 : vector<512x512xi1>, vector<512x512xi32>
    %slice3A_128 = vector.extract_strided_slice %select_n3A_126 {offsets = [0, 0], sizes = [512, 256], strides = [1, 1]} : vector<512x512xf32> to vector<512x256xf32>
    %slice3A_129 = vector.extract_strided_slice %select_n3A_126 {offsets = [0, 256], sizes = [512, 256], strides = [1, 1]} : vector<512x512xf32> to vector<512x256xf32>
    %slice3A_130 = vector.extract_strided_slice %select_n3A_127 {offsets = [0, 0], sizes = [512, 256], strides = [1, 1]} : vector<512x512xi32> to vector<512x256xi32>
    %slice3A_131 = vector.extract_strided_slice %select_n3A_127 {offsets = [0, 256], sizes = [512, 256], strides = [1, 1]} : vector<512x512xi32> to vector<512x256xi32>
    %le3A_132 = arith.cmpf ole, %slice3A_128, %slice3A_129 : vector<512x256xf32>
    %select_n3A_133 = arith.select %le3A_132, %slice3A_128, %slice3A_129 : vector<512x256xi1>, vector<512x256xf32>
    %select_n3A_134 = arith.select %le3A_132, %slice3A_130, %slice3A_131 : vector<512x256xi1>, vector<512x256xi32>
    %slice3A_135 = vector.extract_strided_slice %select_n3A_133 {offsets = [0, 0], sizes = [512, 128], strides = [1, 1]} : vector<512x256xf32> to vector<512x128xf32>
    %slice3A_136 = vector.extract_strided_slice %select_n3A_133 {offsets = [0, 128], sizes = [512, 128], strides = [1, 1]} : vector<512x256xf32> to vector<512x128xf32>
    %slice3A_137 = vector.extract_strided_slice %select_n3A_134 {offsets = [0, 0], sizes = [512, 128], strides = [1, 1]} : vector<512x256xi32> to vector<512x128xi32>
    %slice3A_138 = vector.extract_strided_slice %select_n3A_134 {offsets = [0, 128], sizes = [512, 128], strides = [1, 1]} : vector<512x256xi32> to vector<512x128xi32>
    %le3A_139 = arith.cmpf ole, %slice3A_135, %slice3A_136 : vector<512x128xf32>
    %select_n3A_140 = arith.select %le3A_139, %slice3A_135, %slice3A_136 : vector<512x128xi1>, vector<512x128xf32>
    %select_n3A_141 = arith.select %le3A_139, %slice3A_137, %slice3A_138 : vector<512x128xi1>, vector<512x128xi32>
    %reshape3A_142 = vector.shape_cast %select_n3A_140 : vector<512x128xf32> to vector<512x1x128xf32>
    %reshape3A_143 = vector.shape_cast %select_n3A_141 : vector<512x128xi32> to vector<512x1x128xi32>
    %concatenate3A_144 = tpu.concatenate %select_n3A_141, %select_n3A_141, %select_n3A_141, %select_n3A_141, %select_n3A_141, %select_n3A_141, %select_n3A_141, %select_n3A_141, %select_n3A_141, %select_n3A_141, %select_n3A_141, %select_n3A_141, %select_n3A_141, %select_n3A_141, %select_n3A_141, %select_n3A_141 in 1 : vector<512x128xi32>, vector<512x128xi32>, vector<512x128xi32>, vector<512x128xi32>, vector<512x128xi32>, vector<512x128xi32>, vector<512x128xi32>, vector<512x128xi32>, vector<512x128xi32>, vector<512x128xi32>, vector<512x128xi32>, vector<512x128xi32>, vector<512x128xi32>, vector<512x128xi32>, vector<512x128xi32>, vector<512x128xi32> -> vector<512x2048xi32>
    %eq3A_145 = arith.cmpi eq, %reshape3A, %concatenate3A_144 : vector<512x2048xi32>
    %jit3A_146 = arith.constant 0x7F800000 : f32
    %broadcast_in_dim3A_147 = vector.broadcast %jit3A_146 : f32 to vector<512x2048xf32>
    %select_n3A_148 = arith.select %eq3A_145, %broadcast_in_dim3A_147, %select_n3A_113 : vector<512x2048xi1>, vector<512x2048xf32>
    %slice3A_149 = vector.extract_strided_slice %select_n3A_148 {offsets = [0, 0], sizes = [512, 1024], strides = [1, 1]} : vector<512x2048xf32> to vector<512x1024xf32>
    %slice3A_150 = vector.extract_strided_slice %select_n3A_148 {offsets = [0, 1024], sizes = [512, 1024], strides = [1, 1]} : vector<512x2048xf32> to vector<512x1024xf32>
    %slice3A_151 = vector.extract_strided_slice %reshape3A {offsets = [0, 0], sizes = [512, 1024], strides = [1, 1]} : vector<512x2048xi32> to vector<512x1024xi32>
    %slice3A_152 = vector.extract_strided_slice %reshape3A {offsets = [0, 1024], sizes = [512, 1024], strides = [1, 1]} : vector<512x2048xi32> to vector<512x1024xi32>
    %le3A_153 = arith.cmpf ole, %slice3A_149, %slice3A_150 : vector<512x1024xf32>
    %select_n3A_154 = arith.select %le3A_153, %slice3A_149, %slice3A_150 : vector<512x1024xi1>, vector<512x1024xf32>
    %select_n3A_155 = arith.select %le3A_153, %slice3A_151, %slice3A_152 : vector<512x1024xi1>, vector<512x1024xi32>
    %slice3A_156 = vector.extract_strided_slice %select_n3A_154 {offsets = [0, 0], sizes = [512, 512], strides = [1, 1]} : vector<512x1024xf32> to vector<512x512xf32>
    %slice3A_157 = vector.extract_strided_slice %select_n3A_154 {offsets = [0, 512], sizes = [512, 512], strides = [1, 1]} : vector<512x1024xf32> to vector<512x512xf32>
    %slice3A_158 = vector.extract_strided_slice %select_n3A_155 {offsets = [0, 0], sizes = [512, 512], strides = [1, 1]} : vector<512x1024xi32> to vector<512x512xi32>
    %slice3A_159 = vector.extract_strided_slice %select_n3A_155 {offsets = [0, 512], sizes = [512, 512], strides = [1, 1]} : vector<512x1024xi32> to vector<512x512xi32>
    %le3A_160 = arith.cmpf ole, %slice3A_156, %slice3A_157 : vector<512x512xf32>
    %select_n3A_161 = arith.select %le3A_160, %slice3A_156, %slice3A_157 : vector<512x512xi1>, vector<512x512xf32>
    %select_n3A_162 = arith.select %le3A_160, %slice3A_158, %slice3A_159 : vector<512x512xi1>, vector<512x512xi32>
    %slice3A_163 = vector.extract_strided_slice %select_n3A_161 {offsets = [0, 0], sizes = [512, 256], strides = [1, 1]} : vector<512x512xf32> to vector<512x256xf32>
    %slice3A_164 = vector.extract_strided_slice %select_n3A_161 {offsets = [0, 256], sizes = [512, 256], strides = [1, 1]} : vector<512x512xf32> to vector<512x256xf32>
    %slice3A_165 = vector.extract_strided_slice %select_n3A_162 {offsets = [0, 0], sizes = [512, 256], strides = [1, 1]} : vector<512x512xi32> to vector<512x256xi32>
    %slice3A_166 = vector.extract_strided_slice %select_n3A_162 {offsets = [0, 256], sizes = [512, 256], strides = [1, 1]} : vector<512x512xi32> to vector<512x256xi32>
    %le3A_167 = arith.cmpf ole, %slice3A_163, %slice3A_164 : vector<512x256xf32>
    %select_n3A_168 = arith.select %le3A_167, %slice3A_163, %slice3A_164 : vector<512x256xi1>, vector<512x256xf32>
    %select_n3A_169 = arith.select %le3A_167, %slice3A_165, %slice3A_166 : vector<512x256xi1>, vector<512x256xi32>
    %slice3A_170 = vector.extract_strided_slice %select_n3A_168 {offsets = [0, 0], sizes = [512, 128], strides = [1, 1]} : vector<512x256xf32> to vector<512x128xf32>
    %slice3A_171 = vector.extract_strided_slice %select_n3A_168 {offsets = [0, 128], sizes = [512, 128], strides = [1, 1]} : vector<512x256xf32> to vector<512x128xf32>
    %slice3A_172 = vector.extract_strided_slice %select_n3A_169 {offsets = [0, 0], sizes = [512, 128], strides = [1, 1]} : vector<512x256xi32> to vector<512x128xi32>
    %slice3A_173 = vector.extract_strided_slice %select_n3A_169 {offsets = [0, 128], sizes = [512, 128], strides = [1, 1]} : vector<512x256xi32> to vector<512x128xi32>
    %le3A_174 = arith.cmpf ole, %slice3A_170, %slice3A_171 : vector<512x128xf32>
    %select_n3A_175 = arith.select %le3A_174, %slice3A_170, %slice3A_171 : vector<512x128xi1>, vector<512x128xf32>
    %select_n3A_176 = arith.select %le3A_174, %slice3A_172, %slice3A_173 : vector<512x128xi1>, vector<512x128xi32>
    %reshape3A_177 = vector.shape_cast %select_n3A_175 : vector<512x128xf32> to vector<512x1x128xf32>
    %reshape3A_178 = vector.shape_cast %select_n3A_176 : vector<512x128xi32> to vector<512x1x128xi32>
    %concatenate3A_179 = tpu.concatenate %reshape3A_39, %reshape3A_72, %reshape3A_107, %reshape3A_142, %reshape3A_177 in 1 : vector<512x1x128xf32>, vector<512x1x128xf32>, vector<512x1x128xf32>, vector<512x1x128xf32>, vector<512x1x128xf32> -> vector<512x5x128xf32>
    %reshape3A_180 = vector.shape_cast %concatenate3A_179 : vector<512x5x128xf32> to vector<512x640xf32>
    %concatenate3A_181 = tpu.concatenate %reshape3A_40, %reshape3A_73, %reshape3A_108, %reshape3A_143, %reshape3A_178 in 1 : vector<512x1x128xi32>, vector<512x1x128xi32>, vector<512x1x128xi32>, vector<512x1x128xi32>, vector<512x1x128xi32> -> vector<512x5x128xi32>
    %reshape3A_182 = vector.shape_cast %concatenate3A_181 : vector<512x5x128xi32> to vector<512x640xi32>
    %iota3A_183 = tpu.iota {dimensions = array<i32: 2>} : vector<512x5x128xi32>
    %reshape3A_184 = vector.shape_cast %iota3A_183 : vector<512x5x128xi32> to vector<512x640xi32>
    %mul3A_185 = arith.constant 128 : i32
    %mul3A_186 = vector.broadcast %mul3A_185 : i32 to vector<512x640xi32>
    %mul3A_187 = arith.muli %reshape3A_182, %mul3A_186 : vector<512x640xi32>
    %add3A = arith.addi %mul3A_187, %reshape3A_184 : vector<512x640xi32>
    %iota3A_188 = tpu.iota {dimensions = array<i32: 1>} : vector<512x640xi32>
    %broadcast_in_dim3A_189 = arith.constant 0 : i32
    %broadcast_in_dim3A_190 = vector.broadcast %broadcast_in_dim3A_189 : i32 to vector<512x32xi32>
    %scan3A = arith.constant 0x7F800000 : f32
    %scan3A_191 = arith.constant 0 : i32
    %scan3A_192 = arith.constant 30 : i32
    %scan3A_193 = arith.addi %scan3A_191, %scan3A_192 : i32
    %scan3A_194 = arith.constant 1 : i32
    %scan3A_195:2 = scf.for %scan3A_282 = %scan3A_191 to %scan3A_193 step %scan3A_194 iter_args(%scan3A_283 = %reshape3A_180, %scan3A_284 = %broadcast_in_dim3A_190) -> (vector<512x640xf32>, vector<512x32xi32>)  : i32 {
      %reduce_min3A = arith.constant dense<0x7F800000> : vector<512xf32>
      %reduce_min3A_285 = vector.multi_reduction <minimumf>, %scan3A_283, %reduce_min3A [1] : vector<512x640xf32> to vector<512xf32>
      %broadcast_in_dim3A_286 = vector.shape_cast %reduce_min3A_285 : vector<512xf32> to vector<512x1xf32>
      %le3A_287 = vector.broadcast %broadcast_in_dim3A_286 : vector<512x1xf32> to vector<512x640xf32>
      %le3A_288 = arith.cmpf ole, %scan3A_283, %le3A_287 : vector<512x640xf32>
      %jit3A_289 = arith.constant 640 : i32
      %broadcast_in_dim3A_290 = vector.broadcast %jit3A_289 : i32 to vector<512x640xi32>
      %select_n3A_291 = arith.select %le3A_288, %iota3A_188, %broadcast_in_dim3A_290 : vector<512x640xi1>, vector<512x640xi32>
      %reduce_min3A_292 = arith.constant dense<2147483647> : vector<512xi32>
      %reduce_min3A_293 = vector.multi_reduction <minsi>, %select_n3A_291, %reduce_min3A_292 [1] : vector<512x640xi32> to vector<512xi32>
      %broadcast_in_dim3A_294 = vector.shape_cast %reduce_min3A_293 : vector<512xi32> to vector<512x1xi32>
      %eq3A_295 = vector.broadcast %broadcast_in_dim3A_294 : vector<512x1xi32> to vector<512x640xi32>
      %eq3A_296 = arith.cmpi eq, %iota3A_188, %eq3A_295 : vector<512x640xi32>
      %jit3A_297 = arith.constant 0 : i32
      %broadcast_in_dim3A_298 = vector.broadcast %jit3A_297 : i32 to vector<512x640xi32>
      %select_n3A_299 = arith.select %eq3A_296, %add3A, %broadcast_in_dim3A_298 : vector<512x640xi1>, vector<512x640xi32>
      %reduce_sum3A_300 = arith.constant dense<0> : vector<512xi32>
      %reduce_sum3A_301 = vector.multi_reduction <add>, %select_n3A_299, %reduce_sum3A_300 [1] : vector<512x640xi32> to vector<512xi32>
      %broadcast_in_dim3A_302 = vector.shape_cast %reduce_sum3A_301 : vector<512xi32> to vector<512x1xi32>
      %eq3A_303 = vector.broadcast %scan3A_282 : i32 to vector<512x32xi32>
      %eq3A_304 = arith.cmpi eq, %iota3A, %eq3A_303 : vector<512x32xi32>
      %broadcast_in_dim3A_305 = vector.shape_cast %broadcast_in_dim3A_302 : vector<512x1xi32> to vector<512x1xi32>
      %broadcast_in_dim3A_306 = vector.broadcast %broadcast_in_dim3A_305 : vector<512x1xi32> to vector<512x32xi32>
      %select_n3A_307 = arith.select %eq3A_304, %broadcast_in_dim3A_306, %scan3A_284 : vector<512x32xi1>, vector<512x32xi32>
      %broadcast_in_dim3A_308 = vector.broadcast %scan3A : f32 to vector<512x640xf32>
      %select_n3A_309 = arith.select %eq3A_296, %broadcast_in_dim3A_308, %scan3A_283 : vector<512x640xi1>, vector<512x640xf32>
      scf.yield %select_n3A_309, %select_n3A_307 : vector<512x640xf32>, vector<512x32xi32>
    }
    %scan3A_196 = arith.constant 30 : i32
    %reshape3A_197 = vector.shape_cast %scan3A_195#0 : vector<512x640xf32> to vector<512x5x128xf32>
    %abs3A = math.absf %reshape3A_197 : vector<512x5x128xf32>
    %eq3A_198 = arith.constant 0x7F800000 : f32
    %eq3A_199 = vector.broadcast %eq3A_198 : f32 to vector<512x5x128xf32>
    %eq3A_200 = arith.cmpf oeq, %abs3A, %eq3A_199 : vector<512x5x128xf32>
    %reduce_and3A = arith.constant 1.000000e+00 : f32
    %reduce_and3A_201 = arith.constant 0.000000e+00 : f32
    %reduce_and3A_202 = vector.broadcast %reduce_and3A : f32 to vector<512x5x128xf32>
    %reduce_and3A_203 = vector.broadcast %reduce_and3A_201 : f32 to vector<512x5x128xf32>
    %reduce_and3A_204 = arith.select %eq3A_200, %reduce_and3A_202, %reduce_and3A_203 : vector<512x5x128xi1>, vector<512x5x128xf32>
    %reduce_and3A_205 = arith.constant dense<0x7F800000> : vector<512x128xf32>
    %reduce_and3A_206 = vector.multi_reduction <minimumf>, %reduce_and3A_204, %reduce_and3A_205 [1] : vector<512x5x128xf32> to vector<512x128xf32>
    %reduce_and3A_207 = arith.constant 0.000000e+00 : f32
    %reduce_and3A_208 = vector.broadcast %reduce_and3A_207 : f32 to vector<512x128xf32>
    %reduce_and3A_209 = arith.cmpf ogt, %reduce_and3A_206, %reduce_and3A_208 : vector<512x128xf32>
    %jit3A_210 = arith.constant 1 : i32
    %jit3A_211 = arith.constant 0 : i32
    %broadcast_in_dim3A_212 = vector.broadcast %jit3A_210 : i32 to vector<512x128xi32>
    %broadcast_in_dim3A_213 = vector.broadcast %jit3A_211 : i32 to vector<512x128xi32>
    %select_n3A_214 = arith.select %reduce_and3A_209, %broadcast_in_dim3A_212, %broadcast_in_dim3A_213 : vector<512x128xi1>, vector<512x128xi32>
    %reduce_sum3A_215 = vector.shape_cast %select_n3A_214 : vector<512x128xi32> to vector<1x512x128xi32>
    %reduce_sum3A_216 = arith.constant dense<0> : vector<1xi32>
    %reduce_sum3A_217 = vector.multi_reduction <add>, %reduce_sum3A_215, %reduce_sum3A_216 [1, 2] : vector<1x512x128xi32> to vector<1xi32>
    %reduce_sum3A_218 = vector.shape_cast %reduce_sum3A_217 : vector<1xi32> to vector<1x1x1xi32>
    %reduce_sum3A_219 = vector.extract %reduce_sum3A_218[0, 0, 0] : i32 from vector<1x1x1xi32>
    %gt3A = arith.constant 0 : i32
    %gt3A_220 = arith.cmpi sgt, %reduce_sum3A_219, %gt3A : i32
    %reduce_or3A = arith.constant 1.000000e+00 : f32
    %reduce_or3A_221 = arith.constant 0.000000e+00 : f32
    %reduce_or3A_222 = arith.select %gt3A_220, %reduce_or3A, %reduce_or3A_221 : f32
    %reduce_or3A_223 = vector.broadcast %reduce_or3A_222 : f32 to vector<1xf32>
    %reduce_or3A_224 = arith.constant dense<0xFF800000> : vector<1xf32>
    %reduce_or3A_225 = vector.multi_reduction <maximumf>, %reduce_or3A_223, %reduce_or3A_224 [] : vector<1xf32> to vector<1xf32>
    %reduce_or3A_226 = vector.extract %reduce_or3A_225[0] : f32 from vector<1xf32>
    %reduce_or3A_227 = arith.constant 0.000000e+00 : f32
    %reduce_or3A_228 = arith.cmpf ogt, %reduce_or3A_226, %reduce_or3A_227 : f32
    %convert_element_type3A = arith.extui %reduce_or3A_228 : i1 to i32
    %cond3A = arith.constant 0 : i32
    %cond3A_229 = arith.cmpi ne, %convert_element_type3A, %cond3A : i32
    %cond3A_230 = scf.if %cond3A_229 -> (vector<512x32xi32>) {
      %iota3A_282 = tpu.iota {dimensions = array<i32: 1>} : vector<512x2048xi32>
      %broadcast_in_dim3A_283 = arith.constant 0 : i32
      %broadcast_in_dim3A_284 = vector.broadcast %broadcast_in_dim3A_283 : i32 to vector<512x32xi32>
      %scan3A_285 = arith.constant 0x7F800000 : f32
      %scan3A_286 = arith.constant 0 : i32
      %scan3A_287 = arith.constant 30 : i32
      %scan3A_288 = arith.addi %scan3A_286, %scan3A_287 : i32
      %scan3A_289 = arith.constant 1 : i32
      %scan3A_290:2 = scf.for %scan3A_292 = %scan3A_286 to %scan3A_288 step %scan3A_289 iter_args(%scan3A_293 = %dot_general3A_12, %scan3A_294 = %broadcast_in_dim3A_284) -> (vector<512x2048xf32>, vector<512x32xi32>)  : i32 {
        %reduce_min3A = arith.constant dense<0x7F800000> : vector<512xf32>
        %reduce_min3A_295 = vector.multi_reduction <minimumf>, %scan3A_293, %reduce_min3A [1] : vector<512x2048xf32> to vector<512xf32>
        %broadcast_in_dim3A_296 = vector.shape_cast %reduce_min3A_295 : vector<512xf32> to vector<512x1xf32>
        %le3A_297 = vector.broadcast %broadcast_in_dim3A_296 : vector<512x1xf32> to vector<512x2048xf32>
        %le3A_298 = arith.cmpf ole, %scan3A_293, %le3A_297 : vector<512x2048xf32>
        %jit3A_299 = arith.constant 2048 : i32
        %broadcast_in_dim3A_300 = vector.broadcast %jit3A_299 : i32 to vector<512x2048xi32>
        %select_n3A_301 = arith.select %le3A_298, %iota3A_282, %broadcast_in_dim3A_300 : vector<512x2048xi1>, vector<512x2048xi32>
        %reduce_min3A_302 = arith.constant dense<2147483647> : vector<512xi32>
        %reduce_min3A_303 = vector.multi_reduction <minsi>, %select_n3A_301, %reduce_min3A_302 [1] : vector<512x2048xi32> to vector<512xi32>
        %broadcast_in_dim3A_304 = vector.shape_cast %reduce_min3A_303 : vector<512xi32> to vector<512x1xi32>
        %eq3A_305 = vector.broadcast %scan3A_292 : i32 to vector<512x32xi32>
        %eq3A_306 = arith.cmpi eq, %iota3A, %eq3A_305 : vector<512x32xi32>
        %broadcast_in_dim3A_307 = vector.shape_cast %broadcast_in_dim3A_304 : vector<512x1xi32> to vector<512x1xi32>
        %broadcast_in_dim3A_308 = vector.broadcast %broadcast_in_dim3A_307 : vector<512x1xi32> to vector<512x32xi32>
        %select_n3A_309 = arith.select %eq3A_306, %broadcast_in_dim3A_308, %scan3A_294 : vector<512x32xi1>, vector<512x32xi32>
        %eq3A_310 = vector.broadcast %broadcast_in_dim3A_304 : vector<512x1xi32> to vector<512x2048xi32>
        %eq3A_311 = arith.cmpi eq, %iota3A_282, %eq3A_310 : vector<512x2048xi32>
        %broadcast_in_dim3A_312 = vector.broadcast %scan3A_285 : f32 to vector<512x2048xf32>
        %select_n3A_313 = arith.select %eq3A_311, %broadcast_in_dim3A_312, %scan3A_293 : vector<512x2048xi1>, vector<512x2048xf32>
        scf.yield %select_n3A_313, %select_n3A_309 : vector<512x2048xf32>, vector<512x32xi32>
      }
      %scan3A_291 = arith.constant 30 : i32
      scf.yield %scan3A_290#1 : vector<512x32xi32>
    } else {
      scf.yield %scan3A_195#1 : vector<512x32xi32>
    }
    %ge3A = arith.constant 30 : i32
    %ge3A_231 = vector.broadcast %ge3A : i32 to vector<512x32xi32>
    %ge3A_232 = arith.cmpi sge, %iota3A, %ge3A_231 : vector<512x32xi32>
    %slice3A_233 = vector.extract_strided_slice %cond3A_230 {offsets = [0, 0], sizes = [512, 1], strides = [1, 1]} : vector<512x32xi32> to vector<512x1xi32>
    %broadcast_in_dim3A_234 = vector.shape_cast %slice3A_233 : vector<512x1xi32> to vector<512x1xi32>
    %broadcast_in_dim3A_235 = vector.broadcast %broadcast_in_dim3A_234 : vector<512x1xi32> to vector<512x32xi32>
    %select_n3A_236 = arith.select %ge3A_232, %broadcast_in_dim3A_235, %cond3A_230 : vector<512x32xi1>, vector<512x32xi32>
    %jit3A_237 = arith.constant 4 : i32
    %div3A = arith.divsi %arg0, %jit3A_237 : i32
    %sign3A = arith.constant 0 : i32
    %sign3A_238 = arith.cmpi sgt, %arg0, %sign3A : i32
    %sign3A_239 = arith.extui %sign3A_238 : i1 to i32
    %sign3A_240 = arith.constant 0 : i32
    %sign3A_241 = arith.cmpi slt, %arg0, %sign3A_240 : i32
    %sign3A_242 = arith.extui %sign3A_241 : i1 to i32
    %sign3A_243 = arith.subi %sign3A_239, %sign3A_242 : i32
    %sign3A_244 = arith.constant 0 : i32
    %sign3A_245 = arith.cmpi sgt, %jit3A_237, %sign3A_244 : i32
    %sign3A_246 = arith.extui %sign3A_245 : i1 to i32
    %sign3A_247 = arith.constant 0 : i32
    %sign3A_248 = arith.cmpi slt, %jit3A_237, %sign3A_247 : i32
    %sign3A_249 = arith.extui %sign3A_248 : i1 to i32
    %sign3A_250 = arith.subi %sign3A_246, %sign3A_249 : i32
    %ne3A = arith.cmpi ne, %sign3A_243, %sign3A_250 : i32
    %rem3A = arith.remsi %arg0, %jit3A_237 : i32
    %ne3A_251 = arith.constant 0 : i32
    %ne3A_252 = arith.cmpi ne, %rem3A, %ne3A_251 : i32
    %and3A = arith.andi %ne3A, %ne3A_252 : i1
    %sub3A = arith.constant 1 : i32
    %sub3A_253 = arith.subi %div3A, %sub3A : i32
    %select_n3A_254 = arith.select %and3A, %sub3A_253, %div3A : i32
    %mul3A_255 = arith.constant 2048 : i32
    %mul3A_256 = arith.muli %select_n3A_254, %mul3A_255 : i32
    %add3A_257 = vector.broadcast %mul3A_256 : i32 to vector<512x32xi32>
    %add3A_258 = arith.addi %select_n3A_236, %add3A_257 : vector<512x32xi32>
    %swap3A = arith.constant 0 : index
    %swap3A_259 = arith.constant 0 : index
    %swap3A_260 = vector.load %arg6[%swap3A, %swap3A_259] : memref<512x32xi32, #tpu.memory_space<vmem>>, vector<512x32xi32>
    tpu.vector_store %arg6[%swap3A, %swap3A_259], %add3A_258 {strides = array<i32>} : memref<512x32xi32, #tpu.memory_space<vmem>>, vector<512x32xi32>,
    %get3A_261 = arith.constant 0 : index
    %get3A_262 = arith.constant 0 : index
    %get3A_263 = vector.load %arg3[%get3A_261, %get3A_262] : memref<64x64xf32, #tpu.memory_space<vmem>>, vector<64x64xf32>
    %dot_general3A_264 = arith.constant dense<0.000000e+00> : vector<512x64xf32>
    %dot_general3A_265 = tpu.matmul %get3A_5, %get3A_263, %dot_general3A_264 {dimension_numbers = #tpu.dot_dimension_numbers<[1], [0], [0], [1], [0, 0, 1, 1], [], []>, transpose_lhs_hint = false} : vector<512x64xf32>, vector<64x64xf32>, vector<512x64xf32> -> vector<512x64xf32>
    %get3A_266 = arith.constant 0 : index
    %get3A_267 = arith.constant 0 : index
    %get3A_268 = vector.load %arg5[%get3A_266, %get3A_267] : memref<1x64xf32, #tpu.memory_space<vmem>>, vector<1x64xf32>
    %add3A_269 = vector.broadcast %get3A_268 : vector<1x64xf32> to vector<512x64xf32>
    %add3A_270 = arith.addf %dot_general3A_265, %add3A_269 : vector<512x64xf32>
    %swap3A_271 = arith.constant 0 : index
    %swap3A_272 = arith.constant 0 : index
    %swap3A_273 = vector.load %arg7[%swap3A_271, %swap3A_272] : memref<512x64xf32, #tpu.memory_space<vmem>>, vector<512x64xf32>
    tpu.vector_store %arg7[%swap3A_271, %swap3A_272], %add3A_270 {strides = array<i32>} : memref<512x64xf32, #tpu.memory_space<vmem>>, vector<512x64xf32>,
    %get3A_274 = arith.constant 0 : index
    %get3A_275 = arith.constant 0 : index
    %get3A_276 = vector.load %arg4[%get3A_274, %get3A_275] : memref<64x128xf32, #tpu.memory_space<vmem>>, vector<64x128xf32>
    %dot_general3A_277 = arith.constant dense<0.000000e+00> : vector<512x128xf32>
    %dot_general3A_278 = tpu.matmul %get3A_5, %get3A_276, %dot_general3A_277 {dimension_numbers = #tpu.dot_dimension_numbers<[1], [0], [0], [1], [0, 0, 1, 1], [], []>, transpose_lhs_hint = false} : vector<512x64xf32>, vector<64x128xf32>, vector<512x128xf32> -> vector<512x128xf32>
    %swap3A_279 = arith.constant 0 : index
    %swap3A_280 = arith.constant 0 : index
    %swap3A_281 = vector.load %arg8[%swap3A_279, %swap3A_280] : memref<512x128xf32, #tpu.memory_space<vmem>>, vector<512x128xf32>
    tpu.vector_store %arg8[%swap3A_279, %swap3A_280], %dot_general3A_278 {strides = array<i32>} : memref<512x128xf32, #tpu.memory_space<vmem>>, vector<512x128xf32>,
    return
  }
  func.func @transform_0(%arg0: i32) -> (i32, i32) {
    %c0_i32 = arith.constant 0 : i32
    %c0_i32_0 = arith.constant 0 : i32
    return %arg0, %c0_i32 : i32, i32
  }
  func.func @transform_1(%arg0: i32) -> (i32, i32) {
    %jit3A = arith.constant 4 : i32
    %div3A = arith.divsi %arg0, %jit3A : i32
    %sign3A = arith.constant 0 : i32
    %sign3A_0 = arith.cmpi sgt, %arg0, %sign3A : i32
    %sign3A_1 = arith.extui %sign3A_0 : i1 to i32
    %sign3A_2 = arith.constant 0 : i32
    %sign3A_3 = arith.cmpi slt, %arg0, %sign3A_2 : i32
    %sign3A_4 = arith.extui %sign3A_3 : i1 to i32
    %sign3A_5 = arith.subi %sign3A_1, %sign3A_4 : i32
    %sign3A_6 = arith.constant 0 : i32
    %sign3A_7 = arith.cmpi sgt, %jit3A, %sign3A_6 : i32
    %sign3A_8 = arith.extui %sign3A_7 : i1 to i32
    %sign3A_9 = arith.constant 0 : i32
    %sign3A_10 = arith.cmpi slt, %jit3A, %sign3A_9 : i32
    %sign3A_11 = arith.extui %sign3A_10 : i1 to i32
    %sign3A_12 = arith.subi %sign3A_8, %sign3A_11 : i32
    %ne3A = arith.cmpi ne, %sign3A_5, %sign3A_12 : i32
    %rem3A = arith.remsi %arg0, %jit3A : i32
    %ne3A_13 = arith.constant 0 : i32
    %ne3A_14 = arith.cmpi ne, %rem3A, %ne3A_13 : i32
    %and3A = arith.andi %ne3A, %ne3A_14 : i1
    %sub3A = arith.constant 1 : i32
    %sub3A_15 = arith.subi %div3A, %sub3A : i32
    %select_n3A = arith.select %and3A, %sub3A_15, %div3A : i32
    %c0_i32 = arith.constant 0 : i32
    %c0_i32_16 = arith.constant 0 : i32
    return %select_n3A, %c0_i32 : i32, i32
  }
  func.func @transform_2(%arg0: i32) -> (i32, i32) {
    %c0_i32 = arith.constant 0 : i32
    %c0_i32_0 = arith.constant 0 : i32
    %c0_i32_1 = arith.constant 0 : i32
    return %c0_i32, %c0_i32_0 : i32, i32
  }
  func.func @transform_3(%arg0: i32) -> (i32, i32) {
    %c0_i32 = arith.constant 0 : i32
    %c0_i32_0 = arith.constant 0 : i32
    %c0_i32_1 = arith.constant 0 : i32
    return %c0_i32, %c0_i32_0 : i32, i32
  }
  func.func @transform_4(%arg0: i32) -> (i32, i32) {
    %c0_i32 = arith.constant 0 : i32
    %c0_i32_0 = arith.constant 0 : i32
    %c0_i32_1 = arith.constant 0 : i32
    return %c0_i32, %c0_i32_0 : i32, i32
  }
  func.func @transform_5(%arg0: i32) -> (i32, i32) {
    %c0_i32 = arith.constant 0 : i32
    %c0_i32_0 = arith.constant 0 : i32
    return %arg0, %c0_i32 : i32, i32
  }
  func.func @transform_6(%arg0: i32) -> (i32, i32) {
    %c0_i32 = arith.constant 0 : i32
    %c0_i32_0 = arith.constant 0 : i32
    return %arg0, %c0_i32 : i32, i32
  }
  func.func @transform_7(%arg0: i32) -> (i32, i32) {
    %c0_i32 = arith.constant 0 : i32
    %c0_i32_0 = arith.constant 0 : i32
    return %arg0, %c0_i32 : i32, i32
  }
}

module attributes {stable_mosaic.version = 14 : i64} {
  func.func @_final_body(%arg0: i32, %arg1: memref<512x64xf32, #tpu.memory_space<vmem>>, %arg2: memref<512x64xf32, #tpu.memory_space<vmem>>, %arg3: memref<512x64xf32, #tpu.memory_space<vmem>>, %arg4: memref<192x1024xf32, #tpu.memory_space<vmem>>, %arg5: memref<1x1024xf32, #tpu.memory_space<vmem>>, %arg6: memref<1024x256xf32, #tpu.memory_space<vmem>>, %arg7: memref<1x256xf32, #tpu.memory_space<vmem>>, %arg8: memref<256x128xf32, #tpu.memory_space<vmem>>, %arg9: memref<1x128xf32, #tpu.memory_space<vmem>>, %arg10: memref<128x50xf32, #tpu.memory_space<vmem>>, %arg11: memref<1x50xf32, #tpu.memory_space<vmem>>, %arg12: memref<512x50xf32, #tpu.memory_space<vmem>>) attributes {dimension_semantics = [#tpu.dimension_semantics<arbitrary>], iteration_bounds = array<i64: 64>, scalar_prefetch = 0 : i64, scratch_operands = 0 : i64, tpu.core_type = #tpu.core_type<tc>, window_params = [{transform_indices = @transform_0, window_bounds = array<i64: 512, 64>}, {transform_indices = @transform_1, window_bounds = array<i64: 512, 64>}, {transform_indices = @transform_2, window_bounds = array<i64: 512, 64>}, {pipeline_mode = #tpu.pipeline_mode<synchronous>, transform_indices = @transform_3, window_bounds = array<i64: 192, 1024>}, {pipeline_mode = #tpu.pipeline_mode<synchronous>, transform_indices = @transform_4, window_bounds = array<i64: 1, 1024>}, {pipeline_mode = #tpu.pipeline_mode<synchronous>, transform_indices = @transform_5, window_bounds = array<i64: 1024, 256>}, {pipeline_mode = #tpu.pipeline_mode<synchronous>, transform_indices = @transform_6, window_bounds = array<i64: 1, 256>}, {pipeline_mode = #tpu.pipeline_mode<synchronous>, transform_indices = @transform_7, window_bounds = array<i64: 256, 128>}, {pipeline_mode = #tpu.pipeline_mode<synchronous>, transform_indices = @transform_8, window_bounds = array<i64: 1, 128>}, {pipeline_mode = #tpu.pipeline_mode<synchronous>, transform_indices = @transform_9, window_bounds = array<i64: 128, 50>}, {pipeline_mode = #tpu.pipeline_mode<synchronous>, transform_indices = @transform_10, window_bounds = array<i64: 1, 50>}, {transform_indices = @transform_11, window_bounds = array<i64: 512, 50>}]} {
    %get3A = arith.constant 0 : index
    %get3A_0 = arith.constant 0 : index
    %get3A_1 = vector.load %arg1[%get3A, %get3A_0] : memref<512x64xf32, #tpu.memory_space<vmem>>, vector<512x64xf32>
    %get3A_2 = arith.constant 0 : index
    %get3A_3 = arith.constant 0 : index
    %get3A_4 = vector.load %arg2[%get3A_2, %get3A_3] : memref<512x64xf32, #tpu.memory_space<vmem>>, vector<512x64xf32>
    %get3A_5 = arith.constant 0 : index
    %get3A_6 = arith.constant 0 : index
    %get3A_7 = vector.load %arg3[%get3A_5, %get3A_6] : memref<512x64xf32, #tpu.memory_space<vmem>>, vector<512x64xf32>
    %concatenate3A = tpu.concatenate %get3A_1, %get3A_4, %get3A_7 in 1 : vector<512x64xf32>, vector<512x64xf32>, vector<512x64xf32> -> vector<512x192xf32>
    %get3A_8 = arith.constant 0 : index
    %get3A_9 = arith.constant 0 : index
    %get3A_10 = vector.load %arg4[%get3A_8, %get3A_9] : memref<192x1024xf32, #tpu.memory_space<vmem>>, vector<192x1024xf32>
    %dot_general3A = arith.constant dense<0.000000e+00> : vector<512x1024xf32>
    %dot_general3A_11 = tpu.matmul %concatenate3A, %get3A_10, %dot_general3A {dimension_numbers = #tpu.dot_dimension_numbers<[1], [0], [0], [1], [0, 0, 1, 1], [], []>, transpose_lhs_hint = false} : vector<512x192xf32>, vector<192x1024xf32>, vector<512x1024xf32> -> vector<512x1024xf32>
    %get3A_12 = arith.constant 0 : index
    %get3A_13 = arith.constant 0 : index
    %get3A_14 = vector.load %arg5[%get3A_12, %get3A_13] : memref<1x1024xf32, #tpu.memory_space<vmem>>, vector<1x1024xf32>
    %add3A = vector.broadcast %get3A_14 : vector<1x1024xf32> to vector<512x1024xf32>
    %add3A_15 = arith.addf %dot_general3A_11, %add3A : vector<512x1024xf32>
    %max3A = arith.constant 0.000000e+00 : f32
    %max3A_16 = vector.broadcast %max3A : f32 to vector<512x1024xf32>
    %max3A_17 = arith.maximumf %add3A_15, %max3A_16 : vector<512x1024xf32>
    %get3A_18 = arith.constant 0 : index
    %get3A_19 = arith.constant 0 : index
    %get3A_20 = vector.load %arg6[%get3A_18, %get3A_19] : memref<1024x256xf32, #tpu.memory_space<vmem>>, vector<1024x256xf32>
    %dot_general3A_21 = arith.constant dense<0.000000e+00> : vector<512x256xf32>
    %dot_general3A_22 = tpu.matmul %max3A_17, %get3A_20, %dot_general3A_21 {dimension_numbers = #tpu.dot_dimension_numbers<[1], [0], [0], [1], [0, 0, 1, 1], [], []>, transpose_lhs_hint = false} : vector<512x1024xf32>, vector<1024x256xf32>, vector<512x256xf32> -> vector<512x256xf32>
    %get3A_23 = arith.constant 0 : index
    %get3A_24 = arith.constant 0 : index
    %get3A_25 = vector.load %arg7[%get3A_23, %get3A_24] : memref<1x256xf32, #tpu.memory_space<vmem>>, vector<1x256xf32>
    %add3A_26 = vector.broadcast %get3A_25 : vector<1x256xf32> to vector<512x256xf32>
    %add3A_27 = arith.addf %dot_general3A_22, %add3A_26 : vector<512x256xf32>
    %max3A_28 = arith.constant 0.000000e+00 : f32
    %max3A_29 = vector.broadcast %max3A_28 : f32 to vector<512x256xf32>
    %max3A_30 = arith.maximumf %add3A_27, %max3A_29 : vector<512x256xf32>
    %get3A_31 = arith.constant 0 : index
    %get3A_32 = arith.constant 0 : index
    %get3A_33 = vector.load %arg8[%get3A_31, %get3A_32] : memref<256x128xf32, #tpu.memory_space<vmem>>, vector<256x128xf32>
    %dot_general3A_34 = arith.constant dense<0.000000e+00> : vector<512x128xf32>
    %dot_general3A_35 = tpu.matmul %max3A_30, %get3A_33, %dot_general3A_34 {dimension_numbers = #tpu.dot_dimension_numbers<[1], [0], [0], [1], [0, 0, 1, 1], [], []>, transpose_lhs_hint = false} : vector<512x256xf32>, vector<256x128xf32>, vector<512x128xf32> -> vector<512x128xf32>
    %get3A_36 = arith.constant 0 : index
    %get3A_37 = arith.constant 0 : index
    %get3A_38 = vector.load %arg9[%get3A_36, %get3A_37] : memref<1x128xf32, #tpu.memory_space<vmem>>, vector<1x128xf32>
    %add3A_39 = vector.broadcast %get3A_38 : vector<1x128xf32> to vector<512x128xf32>
    %add3A_40 = arith.addf %dot_general3A_35, %add3A_39 : vector<512x128xf32>
    %max3A_41 = arith.constant 0.000000e+00 : f32
    %max3A_42 = vector.broadcast %max3A_41 : f32 to vector<512x128xf32>
    %max3A_43 = arith.maximumf %add3A_40, %max3A_42 : vector<512x128xf32>
    %get3A_44 = arith.constant 0 : index
    %get3A_45 = arith.constant 0 : index
    %get3A_46 = vector.load %arg10[%get3A_44, %get3A_45] : memref<128x50xf32, #tpu.memory_space<vmem>>, vector<128x50xf32>
    %dot_general3A_47 = arith.constant dense<0.000000e+00> : vector<512x50xf32>
    %dot_general3A_48 = tpu.matmul %max3A_43, %get3A_46, %dot_general3A_47 {dimension_numbers = #tpu.dot_dimension_numbers<[1], [0], [0], [1], [0, 0, 1, 1], [], []>, transpose_lhs_hint = false} : vector<512x128xf32>, vector<128x50xf32>, vector<512x50xf32> -> vector<512x50xf32>
    %get3A_49 = arith.constant 0 : index
    %get3A_50 = arith.constant 0 : index
    %get3A_51 = vector.load %arg11[%get3A_49, %get3A_50] : memref<1x50xf32, #tpu.memory_space<vmem>>, vector<1x50xf32>
    %add3A_52 = vector.broadcast %get3A_51 : vector<1x50xf32> to vector<512x50xf32>
    %add3A_53 = arith.addf %dot_general3A_48, %add3A_52 : vector<512x50xf32>
    %reduce_max3A = arith.constant dense<0xFF800000> : vector<512xf32>
    %reduce_max3A_54 = vector.multi_reduction <maximumf>, %add3A_53, %reduce_max3A [1] : vector<512x50xf32> to vector<512xf32>
    %broadcast_in_dim3A = vector.shape_cast %reduce_max3A_54 : vector<512xf32> to vector<512x1xf32>
    %sub3A = vector.broadcast %broadcast_in_dim3A : vector<512x1xf32> to vector<512x50xf32>
    %sub3A_55 = arith.subf %add3A_53, %sub3A : vector<512x50xf32>
    %exp3A = math.exp %sub3A_55 : vector<512x50xf32>
    %reduce_sum3A = arith.constant dense<0.000000e+00> : vector<512xf32>
    %reduce_sum3A_56 = vector.multi_reduction <add>, %exp3A, %reduce_sum3A [1] : vector<512x50xf32> to vector<512xf32>
    %broadcast_in_dim3A_57 = vector.shape_cast %reduce_sum3A_56 : vector<512xf32> to vector<512x1xf32>
    %log3A = math.log %broadcast_in_dim3A_57 : vector<512x1xf32>
    %sub3A_58 = vector.broadcast %log3A : vector<512x1xf32> to vector<512x50xf32>
    %sub3A_59 = arith.subf %sub3A_55, %sub3A_58 : vector<512x50xf32>
    %swap3A = arith.constant 0 : index
    %swap3A_60 = arith.constant 0 : index
    %swap3A_61 = vector.load %arg12[%swap3A, %swap3A_60] : memref<512x50xf32, #tpu.memory_space<vmem>>, vector<512x50xf32>
    tpu.vector_store %arg12[%swap3A, %swap3A_60], %sub3A_59 {strides = array<i32>} : memref<512x50xf32, #tpu.memory_space<vmem>>, vector<512x50xf32>,
    return
  }
  func.func @transform_0(%arg0: i32) -> (i32, i32) {
    %c0_i32 = arith.constant 0 : i32
    %c0_i32_0 = arith.constant 0 : i32
    return %arg0, %c0_i32 : i32, i32
  }
  func.func @transform_1(%arg0: i32) -> (i32, i32) {
    %c0_i32 = arith.constant 0 : i32
    %c0_i32_0 = arith.constant 0 : i32
    return %arg0, %c0_i32 : i32, i32
  }
  func.func @transform_2(%arg0: i32) -> (i32, i32) {
    %c0_i32 = arith.constant 0 : i32
    %c0_i32_0 = arith.constant 0 : i32
    return %arg0, %c0_i32 : i32, i32
  }
  func.func @transform_3(%arg0: i32) -> (i32, i32) {
    %c0_i32 = arith.constant 0 : i32
    %c0_i32_0 = arith.constant 0 : i32
    %c0_i32_1 = arith.constant 0 : i32
    return %c0_i32, %c0_i32_0 : i32, i32
  }
  func.func @transform_4(%arg0: i32) -> (i32, i32) {
    %c0_i32 = arith.constant 0 : i32
    %c0_i32_0 = arith.constant 0 : i32
    %c0_i32_1 = arith.constant 0 : i32
    return %c0_i32, %c0_i32_0 : i32, i32
  }
  func.func @transform_5(%arg0: i32) -> (i32, i32) {
    %c0_i32 = arith.constant 0 : i32
    %c0_i32_0 = arith.constant 0 : i32
    %c0_i32_1 = arith.constant 0 : i32
    return %c0_i32, %c0_i32_0 : i32, i32
  }
  func.func @transform_6(%arg0: i32) -> (i32, i32) {
    %c0_i32 = arith.constant 0 : i32
    %c0_i32_0 = arith.constant 0 : i32
    %c0_i32_1 = arith.constant 0 : i32
    return %c0_i32, %c0_i32_0 : i32, i32
  }
  func.func @transform_7(%arg0: i32) -> (i32, i32) {
    %c0_i32 = arith.constant 0 : i32
    %c0_i32_0 = arith.constant 0 : i32
    %c0_i32_1 = arith.constant 0 : i32
    return %c0_i32, %c0_i32_0 : i32, i32
  }
  func.func @transform_8(%arg0: i32) -> (i32, i32) {
    %c0_i32 = arith.constant 0 : i32
    %c0_i32_0 = arith.constant 0 : i32
    %c0_i32_1 = arith.constant 0 : i32
    return %c0_i32, %c0_i32_0 : i32, i32
  }
  func.func @transform_9(%arg0: i32) -> (i32, i32) {
    %c0_i32 = arith.constant 0 : i32
    %c0_i32_0 = arith.constant 0 : i32
    %c0_i32_1 = arith.constant 0 : i32
    return %c0_i32, %c0_i32_0 : i32, i32
  }
  func.func @transform_10(%arg0: i32) -> (i32, i32) {
    %c0_i32 = arith.constant 0 : i32
    %c0_i32_0 = arith.constant 0 : i32
    %c0_i32_1 = arith.constant 0 : i32
    return %c0_i32, %c0_i32_0 : i32, i32
  }
  func.func @transform_11(%arg0: i32) -> (i32, i32) {
    %c0_i32 = arith.constant 0 : i32
    %c0_i32_0 = arith.constant 0 : i32
    return %arg0, %c0_i32 : i32, i32
  }
}

</mosaic_0001>

<sc_bundles>
// kernel: kernel.12.cloned.1.call-start
scs
__scs_entry_jumppad:
0x0: {  	(pc) =	sbr.rel $0x88, $3  }
0x1: {  	(tag) =	ssettag $0x0;
	lr =	simm.s32 $0x1  }
0x2: {  	[smem:$0x3F7F] =	sst lr;
	_ =	strace $0xD0000000  }
0x3: {  	_ = 	snop  }
0x4: {  	_ = 	snop  }
0x5: {  	_ = 	snop  }
0x6: {  	_ = 	snop  }
0x7: {  	_ = 	snop  }
__scs_overlays_trampoline_lowered:
0x8: {  	[smem:$0x3F8E] =	sst s0  }
0x9: {  	[smem:$0x3F8F] =	sst s1  }
0xa: {  	[smem:$0x3F90] =	sst s2  }
0xb: {  	[smem:$0x3F91] =	sst s3  }
0xc: {  	[smem:$0x3F92] =	sst s4  }
0xd: {  	[smem:$0x3F93] =	sst s5  }
0xe: {  	[smem:$0x3F94] =	sst s6  }
0xf: {  	[smem:$0x3F95] =	sst s7  }
0x10: {  	[smem:$0x3F96] =	sst s8  }
0x11: {  	[smem:$0x3F97] =	sst s9;
	s0 =	simm.s32 @!p0 $0x0  }
0x12: {  	s1 =	sld [smem:$0x3F7D];
	s0 =	simm.s32 @p0 $0x1  }
0x13: {  	[smem:$0x3F98] =	sst s0;
	s0 =	simm.s32 @!p1 $0x0  }
0x14: {  	s2 =	sld [smem:$0x3F7C];
	s0 =	simm.s32 @p1 $0x1  }
0x15: {  	[smem:$0x3F99] =	sst s0;
	s0 =	simm.s32 @!p2 $0x0  }
0x16: {  	s3 =	sld [smem:$0x3FDB];
	s0 =	simm.s32 @p2 $0x1  }
0x17: {  	s4 =	simm.s32 $0x1BF5;
	[smem:$0x3F9B] =	sst s0  }
0x18: {  	s0 =	sld [smem:$0x3F7E];
	_ =	swait.ge [sflag:s4], $0x0  }
0x19: {  	s7 =	sld [smem:$0x3F7F]  }
0x1a: {  	s8 =	sadd.s32 $0xFFFFE003, lr  }
0x1b: {  	s9 =	sadd.s32 $0xFFFFFEF7, lr;
	s5 =	simm.s32 $0xFFFFFFFF;
	p2 =	slt.u32 s8, $0xFFFFF086  }
0x1c: {  	p1 =	slt.u32 s9, $0xF7A;
	s5 =	simm.s32 @!p2 $0x0  }
0x1d: {  	s5 =	simm.s32 @p1 $0x1;
	p0 =	seq.s32 s7, s2  }
0x1e: {  	s7 =	smul.u32 @!p0 $0xF7A, s2;
	p2 =	seq.s32 @!p0 s5, $0x0  }
0x1f: {  	s9 =	smul.u32 $0xF7A, s1;
	s8 =	simm.s32 @!p0 $0x1BF5;
	p2 =	por !p2, p0  }
0x20: {  	[sflag:s8] =	ssyncset.s32 @!p0 $0xFFFFF086;
	s6 =	sadd.s32 @!p0 s3, s7;
	s7 =	simm.s32 @!p0 $0x108  }
0x21: {  	s3 =	sadd.s32 s3, s9;
	s6 =	sadd.s32 @!p0 $0x88, s6;
	s7 =	simm.s32 @p2 $0x1082  }
0x22: {  	[simem:s7], [sflag:s8] =	dma.local @!p0 [hbm:s6], $0xF7A  }
0x23: {  	s9 =	sor.u32 $0xD0000000, s2;
	s6 =	simm.s32 $0x108;
	_ =	swait.ge @!p0 [sflag:s8], $0x0  }
0x24: {  	s3 =	sadd.s32 $0x88, s3;
	s6 =	simm.s32 @!p1 $0x1082;
	[sflag:s4] =	ssyncset.s32 $0xFFFFF086  }
0x25: {  	[simem:s6], [sflag:s4] =	dma.local [hbm:s3], $0xF7A  }
0x26: {  	[smem:$0x3F7F] =	sst s1;
	(tag) =	ssettag s2;
	_ =	strace s9  }
0x27: {  	s1 =	sld [smem:$0x3F8F]  }
0x28: {  	s2 =	sld [smem:$0x3F90]  }
0x29: {  	s4 =	sld [smem:$0x3F92]  }
0x2a: {  	p0 =	seq.s32 s5, $0x0;
	s5 =	sld [smem:$0x3F93]  }
0x2b: {  	s6 =	sld [smem:$0x3F94]  }
0x2c: {  	s7 =	sld [smem:$0x3F95]  }
0x2d: {  	s3 =	simm.s32 $0x108;
	s8 =	sld [smem:$0x3F96]  }
0x2e: {  	s3 =	simm.s32 @!p0 $0x1082;
	s9 =	sld [smem:$0x3F97]  }
0x2f: {  	lr =	sadd.s32 s0, s3;
	s0 =	sld [smem:$0x3F8E]  }
0x30: {  	s3 =	sld [smem:$0x3F91]  }
0x31: {  	[smem:$0x3F9A] =	sst s10  }
0x32: {  	s10 =	sld [smem:$0x3F98];
	_ =	sdelay $0x3  }
0x33: {  	p0 =	seq.s32 s10, $0x1;
	s10 =	sld [smem:$0x3F9A];
	_ =	sdelay $0x3  }
0x34: {  	[smem:$0x3F9A] =	sst s10  }
0x35: {  	s10 =	sld [smem:$0x3F99];
	_ =	sdelay $0x3  }
0x36: {  	p1 =	seq.s32 s10, $0x1;
	s10 =	sld [smem:$0x3F9A];
	_ =	sdelay $0x3  }
0x37: {  	[smem:$0x3F9A] =	sst s10  }
0x38: {  	s10 =	sld [smem:$0x3F9B]  }
0x39: {  	_ = 	snop;
	(pc) =	sbr.ind lr, $3  }
0x3a: {  	_ = 	snop  }
0x3b: {  	_ = 	snop  }
0x3c: {  	p2 =	seq.s32 s10, $0x1;
	s10 =	sld [smem:$0x3F9A]  }
0x3d: {  	_ =	shalt  }
0x3e: {  	_ =	shalt  }
0x3f: {  	_ =	shalt  }
0x40: {  	_ =	shalt  }
0x41: {  	_ =	shalt  }
0x42: {  	_ =	shalt  }
0x43: {  	_ =	shalt  }
0x44: {  	_ =	shalt  }
0x45: {  	_ =	shalt  }
0x46: {  	_ =	shalt  }
0x47: {  	_ =	shalt  }
0x48: {  	_ =	shalt  }
0x49: {  	_ =	shalt  }
0x4a: {  	_ =	shalt  }
0x4b: {  	_ =	shalt  }
0x4c: {  	_ =	shalt  }
0x4d: {  	_ =	shalt  }
0x4e: {  	_ =	shalt  }
0x4f: {  	_ =	shalt  }
0x50: {  	_ =	shalt  }
0x51: {  	_ =	shalt  }
0x52: {  	_ =	shalt  }
0x53: {  	_ =	shalt  }
0x54: {  	_ =	shalt  }
0x55: {  	_ =	shalt  }
0x56: {  	_ =	shalt  }
0x57: {  	_ =	shalt  }
0x58: {  	_ =	shalt  }
0x59: {  	_ =	shalt  }
0x5a: {  	_ =	shalt  }
0x5b: {  	_ =	shalt  }
0x5c: {  	_ =	shalt  }
0x5d: {  	_ =	shalt  }
0x5e: {  	_ =	shalt  }
0x5f: {  	_ =	shalt  }
0x60: {  	_ =	shalt  }
0x61: {  	_ =	shalt  }
0x62: {  	_ =	shalt  }
0x63: {  	_ =	shalt  }
0x64: {  	_ =	shalt  }
0x65: {  	_ =	shalt  }
0x66: {  	_ =	shalt  }
0x67: {  	_ =	shalt  }
0x68: {  	_ =	shalt  }
0x69: {  	_ =	shalt  }
0x6a: {  	_ =	shalt  }
0x6b: {  	_ =	shalt  }
0x6c: {  	_ =	shalt  }
0x6d: {  	_ =	shalt  }
0x6e: {  	_ =	shalt  }
0x6f: {  	_ =	shalt  }
0x70: {  	_ =	shalt  }
0x71: {  	_ =	shalt  }
0x72: {  	_ =	shalt  }
0x73: {  	_ =	shalt  }
0x74: {  	_ =	shalt  }
0x75: {  	_ =	shalt  }
0x76: {  	_ =	shalt  }
0x77: {  	_ =	shalt  }
0x78: {  	_ =	shalt  }
0x79: {  	_ =	shalt  }
0x7a: {  	_ =	shalt  }
0x7b: {  	_ =	shalt  }
0x7c: {  	_ =	shalt  }
0x7d: {  	_ =	shalt  }
0x7e: {  	_ =	shalt  }
0x7f: {  	_ =	shalt  }
0x80: {  	_ =	shalt  }
0x81: {  	_ =	shalt  }
0x82: {  	_ =	shalt  }
0x83: {  	_ =	shalt  }
0x84: {  	_ =	shalt  }
0x85: {  	_ =	shalt  }
0x86: {  	_ =	shalt  }
0x87: {  	_ =	shalt  }
.Lfunc_end0:
.L_simem_size_0:
called_computation_lowered:
.L_overlay_start_0:
0x88: {  	s2 =	sld [smem:$0x3FD9]  }
0x89: {  	s3 =	sld [smem:$0x3FFE];
	_ =	sdelay $0x1  }
0x8a: {  	s1 =	srdreg.scid  }
0x8b: {  	s0 =	sand.u32 $0x1, s1  }
0x8c: {  	s17 =	sshll.u32 s0, $0xA;
	s2 =	sadd.s32 s3, s2  }
0x8d: {  	s2 =	sadd.s32 s2, s17  }
0x8e: {  	[smem:$0x3FA6] =	sst s2  }
0x8f: {  	_ = 	snop  }
0x90: {  	s2 =	sld [smem:$0x3FD0];
	(tm) =	ssettm $0x1  }
0x91: {  	s18 =	sld [smem:$0x3FFB];
	_ =	sdelay $0x3  }
0x92: {  	_ =	strace s18  }
0x93: {  	s3 =	sld [smem:$0x3FFC];
	_ =	sdelay $0x3  }
0x94: {  	_ =	strace s3  }
0x95: {  	s3 =	sld [smem:$0x3FFD];
	_ =	sdelay $0x3  }
0x96: {  	_ =	strace s3  }
0x97: {  	_ =	strace $0x8FFFFFFF  }
0x98: {  	s19 =	sld [smem:$0x3FDB];
	_ =	sdelay $0x1  }
0x99: {  	s4 =	simm.s32 $_scs_section_size  }
0x9a: {  	s5 =	simm.s32 $_size__tile_overlayer_lowered;
	s6 =	simm.s32 $_tile_overlayer_lowered  }
0x9b: {  	s22 =	simm.s32 $0x1BFF;
	s21 =	sshll.u32 s6, $0x1;
	s3 =	sadd.s32 s4, s19  }
0x9c: {  	s7 =	simm.s32 $0x0;
	s20 =	sshll.u32 s5, $0x1;
	s5 =	sadd.s32 s21, s3  }
0x9d: {  	[timem:s7], [sflag:s22] =	dma.local [hbm:s5], s20  }
0x9e: {  	_ =	swait.ge [sflag:s22], s20  }
0x9f: {  	s4 =	ssub.s32 $0x0, s20;
	[sflag:s22] =	ssyncset.done $0x0  }
0xa0: {  	[sflag:s22] =	ssyncadd.s32 s4;
	_ =	sdelay $0x1  }
0xa1: {  	s23 =	simm.s32 $0x1B8B  }
0xa2: {  	_ =	swait.ge [sflag:s23], $0x1  }
0xa3: {  	[sflag:s23] =	ssyncset.done $0x0  }
0xa4: {  	s25 =	simm.s32 $0x1B8E;
	s24 =	sld [smem:$0x3FFE];
	[sflag:s23] =	ssyncadd.s32 $0xFFFFFFFF  }
0xa5: {  	s26 =	simm.s32 $execute0_lowered;
	[smem:$0x3FD2] =	sst s25  }
0xa6: {  	s5 =	sshll.u32 s26, $0x1;
	_ =	strace $0x80000046;
	[dreg:$0x1] =	wrdreg $0xFFFFFFFF  }
0xa7: {  	s28 =	simm.s32 $_size_execute0_lowered;
	s3 =	sadd.s32 s3, s5;
	[dreg:$0x0] =	wrdreg $0x0  }
0xa8: {  	s5 =	sshll.u32 s28, $0x1;
	[dreg:$0x2] =	wrdreg s3  }
0xa9: {  	[dreg:$0x3] =	wrdreg s5  }
0xaa: {  	[dreg:$0x4] =	wrdreg $0xC0  }
0xab: {  	_ =	task [dreg:s7], $0x5FFFF  }
0xac: {  	[dreg:$0x1] =	wrdreg $0xFFFFFFFF  }
0xad: {  	[dreg:$0x0] =	wrdreg $0x60  }
0xae: {  	[dreg:$0x2] =	wrdreg s24  }
0xaf: {  	[dreg:$0x3] =	wrdreg s2  }
0xb0: {  	[dreg:$0x4] =	wrdreg $0x9  }
0xb1: {  	_ =	task.clear_ibuf [dreg:s7], $0x5FFFF;
	_ =	strace $0x90000046  }
0xb2: {  	s29 =	simm.s32 $0x9;
	_ =	strace $0x80000048  }
0xb3: {  	_ =	swait.ge [sflag:s29], $0x1  }
0xb4: {  	[sflag:s29] =	ssyncadd.s32 $0xFFFFFFFF  }
0xb5: {  	_ =	strace $0x90000048  }
0xb6: {  	_ =	sfence  }
0xb7: {  	s30 =	sld [smem:$0x0];
	_ =	sdelay $0x2  }
0xb8: {  	s31 =	sshll.u32 s1, $0xD;
	s1 =	sshrl.u32 s1, $0x2  }
0xb9: {  	s3 =	sand.u32 $0x4000, s31;
	s1 =	sadd.s32 s1, s30  }
0xba: {  	s0 =	sor.u32 s3, s0;
	s1 =	sshll.u32 s1, $0x11  }
0xbb: {  	s0 =	sor.u32 s1, s0  }
0xbc: {  	s0 =	sadd.s32 $0x8F2B, s0  }
0xbd: {  	[sflag:s0] =	ssyncadd.remote.s32 $0x1  }
0xbe: {  	_ =	sfence.sel $0xFFFF  }
0xbf: {  	[dreg:$0x0] =	wrdreg $0xFFFFFFFF;
	(pc) =	sbr.abs _section_cstart, $3  }
0xc0: {  	[dreg:$0x1] =	wrdreg $0xFFFFFFFF  }
0xc1: {  	_ =	task.clear_ibuf [dreg:s7], $0x2FFFF;
	_ =	strace $0x9FFFFFFF  }
0xc2: {  	(tm) =	ssettm $0x7FFFFFFF  }
0xc3: {  	_ =	shalt  }
tec
execute0_lowered:
.L_overlay_start_1:
0x0: {  	(tag) =	ssettag $0x1  }
0x1: {  	s4 =	rddreg [dreg:$0x0]  }
0x2: {  	s5 =	rddreg [dreg:$0x1]  }
0x3: {  	s0 =	rddreg [dreg:$0x2]  }
0x4: {  	s2 =	simm.s32 $0x0;
	s3 =	srdreg.scid;
	s1 =	stileid.u32  }
0x5: {  	s12 =	simm.s32 $0x8000;
	s13 =	simm.s32 $0xC000;
	s14 =	simm.s32 $0x10000  }
0x6: {  	s15 =	simm.s32 $0x14000;
	s16 =	simm.s32 $0x1;
	s17 =	simm.s32 $0x2  }
0x7: {  	s18 =	simm.s32 $0x7F00;
	s19 =	simm.s32 $0x7F80;
	s20 =	simm.s32 $0x0  }
0x8: {  	[smem:$0x7FF] =	sst s2;
	s6 =	sand.u32 $0x1, s3;
	s25 =	sshll.u32 s1, $0x1  }
0x9: {  	s3 =	sadd.s32 $0x86A00, s4;
	s11 =	sadd.s32 $0x186A00, s4;
	s26 =	sshll.u32 s1, $0x17  }
0xa: {  	_ =	strace $0x80000047;
	s7 =	ssub.s32 $0x2, s6;
	s8 =	sor.u32 s6, s25  }
0xb: {  	s6 =	sshll.u32 s6, $0x16;
	s9 =	sshrl.u32 s7, $0x1;
	s10 =	sshll.u32 s8, $0xC  }
0xc: {  	s8 =	sshll.u32 s8, $0x13;
	s29 =	sor.u32 s6, s26;
	s7 =	ssub.s32 s7, s9  }
0xd: {  	s4 =	sadd.s32 s5, s10;
	s28 =	sadd.s32 s8, s11;
	s9 =	sshrl.u32 s29, $0x3  }
0xe: {  	s30 =	sor.u32 $0x8000, s29;
	s10 =	simm.s32 $0x3;
	s5 =	smax.u32 s7, $0x1  }
0xf: {  	s6 =	sadd.s32 $0x7E000, s28;
	s7 =	sadd.s32 $0x7F000, s28;
	s31 =	sshrl.u32 s30, $0x3  }
0x10: {  	s8 =	sadd.s32 s9, s11;
	s9 =	sadd.s32 s31, s11;
	s11 =	simm.s32 $0x80  }
.LBB2_1:
0x11: {  	[tilespmem:s2], [sflag:$0x3] =	stream.linear.gather [hbm4b:s4+s2], $0x8000, $0x38;
	[tilespmem:$0x18000] =	vst v63  }
0x12: {  	_ =	swait.ge [sflag:s10], $0x8000  }
0x13: {  	[sflag:s10] =	ssyncset.done $0x0  }
0x14: {  	[sflag:s10] =	ssyncadd.s32 $0xFFFF8000  }
0x15: {  	[tilespmem:s12], [sflag:$0x1] =	stream.indirect.gather [hbm4b:s3+s11], $0x80, s2, s11, $0xb8;
	[tilespmem:$0x18000] =	vst v63  }
0x16: {  	_ = 	snop  }
0x17: {  	[tilespmem:s13], [sflag:$0x1] =	stream.indirect.gather [hbm4b:s3+s11], $0x80, s11, s11, $0xb8;
	[tilespmem:$0x18000] =	vst v63  }
0x18: {  	s21 =	simm.s32 $0x100  }
0x19: {  	[tilespmem:s14], [sflag:$0x2] =	stream.indirect.gather [hbm4b:s3+s11], $0x80, s21, s11, $0xb8;
	[tilespmem:$0x18000] =	vst v63  }
0x1a: {  	s29 =	simm.s32 $0x180  }
0x1b: {  	[tilespmem:s15], [sflag:$0x2] =	stream.indirect.gather [hbm4b:s3+s11], $0x80, s29, s11, $0xb8;
	[tilespmem:$0x18000] =	vst v63  }
0x1c: {  	_ =	swait.ge [sflag:s16], $0x4000  }
0x1d: {  	[sflag:s16] =	ssyncset.done $0x0  }
0x1e: {  	[sflag:s16] =	ssyncadd.s32 $0xFFFFC000  }
0x1f: {  	_ =	swait.ge [sflag:s16], $0x4000  }
0x20: {  	[sflag:s16] =	ssyncset.done $0x0  }
0x21: {  	[sflag:s16] =	ssyncadd.s32 $0xFFFFC000  }
0x22: {  	[hbm4b:s8+s2] =	stream.linear.scatter [tilespmem:s12], [sflag:$0x3], $0x8000, $0x38;
	[tilespmem:$0x18000] =	vst v63  }
0x23: {  	_ =	swait.ge [sflag:s10], $0x8000  }
0x24: {  	[sflag:s10] =	ssyncset.done $0x0  }
0x25: {  	s30 =	simm.s32 $0x200;
	[sflag:s10] =	ssyncadd.s32 $0xFFFF8000  }
0x26: {  	[tilespmem:s12], [sflag:$0x1] =	stream.indirect.gather [hbm4b:s3+s11], $0x80, s30, s11, $0xb8;
	[tilespmem:$0x18000] =	vst v63  }
0x27: {  	s31 =	simm.s32 $0x280  }
0x28: {  	[tilespmem:s13], [sflag:$0x1] =	stream.indirect.gather [hbm4b:s3+s11], $0x80, s31, s11, $0xb8;
	[tilespmem:$0x18000] =	vst v63  }
0x29: {  	_ =	swait.ge [sflag:s17], $0x4000  }
0x2a: {  	[sflag:s17] =	ssyncset.done $0x0  }
0x2b: {  	[sflag:s17] =	ssyncadd.s32 $0xFFFFC000  }
0x2c: {  	_ =	swait.ge [sflag:s17], $0x4000  }
0x2d: {  	[sflag:s17] =	ssyncset.done $0x0  }
0x2e: {  	[sflag:s17] =	ssyncadd.s32 $0xFFFFC000  }
0x2f: {  	[hbm4b:s9+s2] =	stream.linear.scatter [tilespmem:s14], [sflag:$0x3], $0x8000, $0x38;
	[tilespmem:$0x18000] =	vst v63  }
0x30: {  	s24 =	simm.s32 $0x1000;
	s23 =	simm.s32 $0x200;
	_ =	swait.ge [sflag:s10], $0x8000  }
0x31: {  	s22 =	sadd.s32 $0x2000, s8;
	s21 =	sadd.s32 $0x2000, s9;
	[sflag:s10] =	ssyncset.done $0x0  }
.LBB2_2:
0x32: {  	s25 =	sadd.s32 $0x100, s23  }
0x33: {  	[sflag:s10] =	ssyncadd.s32 $0xFFFF8000;
	s26 =	smov.u32 s24;
	s28 =	sadd.s32 $0x800, s24  }
0x34: {  	[tilespmem:s14], [sflag:$0x2] =	stream.indirect.gather [hbm4b:s3+s11], $0x80, s25, s11, $0xb8;
	[tilespmem:$0x18000] =	vst v63  }
0x35: {  	p0 =	sne.s32 s24, $0x1F000;
	s24 =	sadd.s32 $0x180, s23  }
0x36: {  	[tilespmem:s15], [sflag:$0x2] =	stream.indirect.gather [hbm4b:s3+s11], $0x80, s24, s11, $0xb8;
	[tilespmem:$0x18000] =	vst v63  }
0x37: {  	_ =	swait.ge [sflag:s16], $0x4000  }
0x38: {  	[sflag:s16] =	ssyncset.done $0x0  }
0x39: {  	[sflag:s16] =	ssyncadd.s32 $0xFFFFC000  }
0x3a: {  	_ =	swait.ge [sflag:s16], $0x4000  }
0x3b: {  	[sflag:s16] =	ssyncset.done $0x0  }
0x3c: {  	[sflag:s16] =	ssyncadd.s32 $0xFFFFC000  }
0x3d: {  	[hbm4b:s22+s2] =	stream.linear.scatter [tilespmem:s12], [sflag:$0x3], $0x8000, $0x38;
	[tilespmem:$0x18000] =	vst v63  }
0x3e: {  	_ =	swait.ge [sflag:s10], $0x8000  }
0x3f: {  	[sflag:s10] =	ssyncset.done $0x0  }
0x40: {  	s24 =	sadd.s32 $0x200, s23;
	[sflag:s10] =	ssyncadd.s32 $0xFFFF8000  }
0x41: {  	[tilespmem:s12], [sflag:$0x1] =	stream.indirect.gather [hbm4b:s3+s11], $0x80, s24, s11, $0xb8;
	[tilespmem:$0x18000] =	vst v63  }
0x42: {  	s23 =	sadd.s32 $0x280, s23  }
0x43: {  	[tilespmem:s13], [sflag:$0x1] =	stream.indirect.gather [hbm4b:s3+s11], $0x80, s23, s11, $0xb8;
	[tilespmem:$0x18000] =	vst v63  }
0x44: {  	_ =	swait.ge [sflag:s17], $0x4000  }
0x45: {  	[sflag:s17] =	ssyncset.done $0x0  }
0x46: {  	[sflag:s17] =	ssyncadd.s32 $0xFFFFC000  }
0x47: {  	_ =	swait.ge [sflag:s17], $0x4000  }
.Ltmp0:
0x48: {  	[sflag:s17] =	ssyncset.done $0x0;
	(pc) =	sbr.rel @p0 .LBB2_2-.Ltmp0, $4  }
0x49: {  	[sflag:s17] =	ssyncadd.s32 $0xFFFFC000  }
0x4a: {  	[hbm4b:s21+s2] =	stream.linear.scatter [tilespmem:s14], [sflag:$0x3], $0x8000, $0x38;
	[tilespmem:$0x18000] =	vst v63  }
0x4b: {  	s22 =	sadd.s32 $0x2000, s22;
	s21 =	sadd.s32 $0x2000, s21;
	_ =	swait.ge [sflag:s10], $0x8000  }
0x4c: {  	s24 =	smov.u32 s28;
	s23 =	sshra.s32 s26, $0x2;
	[sflag:s10] =	ssyncset.done $0x0  }
0x4d: {  	s24 =	sadd.s32 $0x100, s23;
	[sflag:s10] =	ssyncadd.s32 $0xFFFF8000  }
0x4e: {  	[tilespmem:s14], [sflag:$0x2] =	stream.indirect.gather [hbm4b:s3+s11], $0x80, s24, s11, $0xb8;
	[tilespmem:$0x18000] =	vst v63  }
0x4f: {  	s29 =	sadd.s32 $0x180, s23  }
0x50: {  	[tilespmem:s15], [sflag:$0x2] =	stream.indirect.gather [hbm4b:s3+s11], $0x80, s29, s11, $0xb8;
	[tilespmem:$0x18000] =	vst v63  }
0x51: {  	_ =	swait.ge [sflag:s16], $0x4000  }
0x52: {  	[sflag:s16] =	ssyncset.done $0x0  }
0x53: {  	[sflag:s16] =	ssyncadd.s32 $0xFFFFC000  }
0x54: {  	_ =	swait.ge [sflag:s16], $0x4000  }
0x55: {  	[sflag:s16] =	ssyncset.done $0x0  }
0x56: {  	[sflag:s16] =	ssyncadd.s32 $0xFFFFC000  }
0x57: {  	[hbm4b:s22+s2] =	stream.linear.scatter [tilespmem:s12], [sflag:$0x3], $0x8000, $0x38;
	[tilespmem:$0x18000] =	vst v63  }
0x58: {  	_ =	swait.ge [sflag:s10], $0x8000  }
0x59: {  	[sflag:s10] =	ssyncset.done $0x0  }
0x5a: {  	s30 =	sadd.s32 $0x200, s23;
	[sflag:s10] =	ssyncadd.s32 $0xFFFF8000  }
0x5b: {  	[tilespmem:s12], [sflag:$0x1] =	stream.indirect.gather [hbm4b:s3+s11], $0x80, s30, s11, $0xb8;
	[tilespmem:$0x18000] =	vst v63  }
0x5c: {  	s31 =	sadd.s32 $0x280, s23  }
0x5d: {  	[tilespmem:s13], [sflag:$0x1] =	stream.indirect.gather [hbm4b:s3+s11], $0x80, s31, s11, $0xb8;
	[tilespmem:$0x18000] =	vst v63  }
0x5e: {  	_ =	swait.ge [sflag:s17], $0x4000  }
0x5f: {  	[sflag:s17] =	ssyncset.done $0x0  }
0x60: {  	[sflag:s17] =	ssyncadd.s32 $0xFFFFC000  }
0x61: {  	_ =	swait.ge [sflag:s17], $0x4000  }
0x62: {  	[sflag:s17] =	ssyncset.done $0x0  }
0x63: {  	[sflag:s17] =	ssyncadd.s32 $0xFFFFC000  }
0x64: {  	[hbm4b:s21+s2] =	stream.linear.scatter [tilespmem:s14], [sflag:$0x3], $0x8000, $0x38;
	[tilespmem:$0x18000] =	vst v63  }
0x65: {  	_ =	swait.ge [sflag:s10], $0x8000  }
0x66: {  	[sflag:s10] =	ssyncset.done $0x0  }
0x67: {  	[sflag:s10] =	ssyncadd.s32 $0xFFFF8000  }
0x68: {  	[tilespmem:s14], [sflag:$0x2] =	stream.indirect.gather [hbm4b:s3+s11], $0x80, s18, s11, $0xb8;
	[tilespmem:$0x18000] =	vst v63  }
0x69: {  	_ = 	snop  }
0x6a: {  	[tilespmem:s15], [sflag:$0x2] =	stream.indirect.gather [hbm4b:s3+s11], $0x80, s19, s11, $0xb8;
	[tilespmem:$0x18000] =	vst v63  }
0x6b: {  	_ =	swait.ge [sflag:s16], $0x4000  }
0x6c: {  	[sflag:s16] =	ssyncset.done $0x0  }
0x6d: {  	[sflag:s16] =	ssyncadd.s32 $0xFFFFC000  }
0x6e: {  	_ =	swait.ge [sflag:s16], $0x4000  }
0x6f: {  	[sflag:s16] =	ssyncset.done $0x0  }
0x70: {  	[sflag:s16] =	ssyncadd.s32 $0xFFFFC000  }
0x71: {  	[hbm4b:s6+s2] =	stream.linear.scatter [tilespmem:s12], [sflag:$0x3], $0x8000, $0x38;
	[tilespmem:$0x18000] =	vst v63  }
0x72: {  	_ =	swait.ge [sflag:s10], $0x8000  }
0x73: {  	[sflag:s10] =	ssyncset.done $0x0  }
0x74: {  	[sflag:s10] =	ssyncadd.s32 $0xFFFF8000  }
0x75: {  	_ =	swait.ge [sflag:s17], $0x4000  }
0x76: {  	[sflag:s17] =	ssyncset.done $0x0  }
0x77: {  	[sflag:s17] =	ssyncadd.s32 $0xFFFFC000  }
0x78: {  	s20 =	sadd.s32 $0x1, s20;
	_ =	swait.ge [sflag:s17], $0x4000  }
0x79: {  	p0 =	sne.s32 s20, s5;
	[sflag:s17] =	ssyncset.done $0x0  }
.Ltmp1:
0x7a: {  	[sflag:s17] =	ssyncadd.s32 $0xFFFFC000;
	(pc) =	sbr.rel @p0 .LBB2_1-.Ltmp1, $4  }
0x7b: {  	[hbm4b:s7+s2] =	stream.linear.scatter [tilespmem:s14], [sflag:$0x3], $0x8000, $0x38;
	[tilespmem:$0x18000] =	vst v63  }
0x7c: {  	_ =	swait.ge [sflag:s10], $0x8000  }
0x7d: {  	[sflag:s10] =	ssyncset.done $0x0  }
0x7e: {  	[sflag:s10] =	ssyncadd.s32 $0xFFFF8000  }
0x7f: {  	_ =	sfence.sel $0x180000  }
0x80: {  	[bflag:$0x0] =	sbarrier.arrive $0xFFFF  }
0x81: {  	p0 =	sne.s32 s1, $0x0;
	_ =	strace $0x90000047  }
0x82: {  	s0 =	sadd.s32 @!p0 $0x100000, s0;
	[bflag:$0x2] =	sbarrier.arrive $0xFFFF  }
0x83: {  	[sflag:s0] =	ssyncadd.tile.s32 @!p0 $0x1;
	_ =	shalt  }
.Lfunc_end2:
_tile_overlayer_lowered:
.L_overlay_start_2:
0x84: {  	(tag) =	ssettag $0x2  }
0x85: {  	s0 =	rddreg [dreg:$0x0];
	s2 =	stileid.u32  }
0x86: {  	s1 =	rddreg [dreg:$0x1];
	p0 =	sne.s32 s2, $0x0  }
0x87: {  	s3 =	rddreg [dreg:$0x2];
	[bflag:$0x3] =	sbarrier.arrive $0xFFFF;
	s2 =	simm.s32 @!p0 $0x1C03  }
0x88: {  	[timem:s3], [sflag:s2] =	dma.local @!p0 [hbm:s0], s1  }
0x89: {  	s0 =	simm.s32 @!p0 $0x3  }
0x8a: {  	_ =	swait.ge @!p0 [sflag:s0], s1  }
0x8b: {  	s1 =	ssub.s32 @!p0 $0x0, s1;
	[sflag:s0] =	ssyncset.done @!p0 $0x0  }
0x8c: {  	[sflag:s0] =	ssyncadd.s32 @!p0 s1  }
0x8d: {  	[bflag:$0x3] =	sbarrier.arrive $0xFFFF  }
0x8e: {  	_ =	shalt  }

// kernel: kernel.15.cloned.1.call-start
scs
__scs_entry_jumppad:
0x0: {  	(pc) =	sbr.rel $0x88, $3  }
0x1: {  	(tag) =	ssettag $0x0;
	lr =	simm.s32 $0x1  }
0x2: {  	[smem:$0x3F7F] =	sst lr;
	_ =	strace $0xD0000000  }
0x3: {  	_ = 	snop  }
0x4: {  	_ = 	snop  }
0x5: {  	_ = 	snop  }
0x6: {  	_ = 	snop  }
0x7: {  	_ = 	snop  }
__scs_overlays_trampoline_lowered:
0x8: {  	[smem:$0x3F8E] =	sst s0  }
0x9: {  	[smem:$0x3F8F] =	sst s1  }
0xa: {  	[smem:$0x3F90] =	sst s2  }
0xb: {  	[smem:$0x3F91] =	sst s3  }
0xc: {  	[smem:$0x3F92] =	sst s4  }
0xd: {  	[smem:$0x3F93] =	sst s5  }
0xe: {  	[smem:$0x3F94] =	sst s6  }
0xf: {  	[smem:$0x3F95] =	sst s7  }
0x10: {  	[smem:$0x3F96] =	sst s8  }
0x11: {  	[smem:$0x3F97] =	sst s9;
	s0 =	simm.s32 @!p0 $0x0  }
0x12: {  	s1 =	sld [smem:$0x3F7D];
	s0 =	simm.s32 @p0 $0x1  }
0x13: {  	[smem:$0x3F98] =	sst s0;
	s0 =	simm.s32 @!p1 $0x0  }
0x14: {  	s2 =	sld [smem:$0x3F7C];
	s0 =	simm.s32 @p1 $0x1  }
0x15: {  	[smem:$0x3F99] =	sst s0;
	s0 =	simm.s32 @!p2 $0x0  }
0x16: {  	s3 =	sld [smem:$0x3FDB];
	s0 =	simm.s32 @p2 $0x1  }
0x17: {  	s4 =	simm.s32 $0x1BF5;
	[smem:$0x3F9B] =	sst s0  }
0x18: {  	s0 =	sld [smem:$0x3F7E];
	_ =	swait.ge [sflag:s4], $0x0  }
0x19: {  	s7 =	sld [smem:$0x3F7F]  }
0x1a: {  	s8 =	sadd.s32 $0xFFFFE003, lr  }
0x1b: {  	s9 =	sadd.s32 $0xFFFFFEF7, lr;
	s5 =	simm.s32 $0xFFFFFFFF;
	p2 =	slt.u32 s8, $0xFFFFF086  }
0x1c: {  	p1 =	slt.u32 s9, $0xF7A;
	s5 =	simm.s32 @!p2 $0x0  }
0x1d: {  	s5 =	simm.s32 @p1 $0x1;
	p0 =	seq.s32 s7, s2  }
0x1e: {  	s7 =	smul.u32 @!p0 $0xF7A, s2;
	p2 =	seq.s32 @!p0 s5, $0x0  }
0x1f: {  	s9 =	smul.u32 $0xF7A, s1;
	s8 =	simm.s32 @!p0 $0x1BF5;
	p2 =	por !p2, p0  }
0x20: {  	[sflag:s8] =	ssyncset.s32 @!p0 $0xFFFFF086;
	s6 =	sadd.s32 @!p0 s3, s7;
	s7 =	simm.s32 @!p0 $0x108  }
0x21: {  	s3 =	sadd.s32 s3, s9;
	s6 =	sadd.s32 @!p0 $0x88, s6;
	s7 =	simm.s32 @p2 $0x1082  }
0x22: {  	[simem:s7], [sflag:s8] =	dma.local @!p0 [hbm:s6], $0xF7A  }
0x23: {  	s9 =	sor.u32 $0xD0000000, s2;
	s6 =	simm.s32 $0x108;
	_ =	swait.ge @!p0 [sflag:s8], $0x0  }
0x24: {  	s3 =	sadd.s32 $0x88, s3;
	s6 =	simm.s32 @!p1 $0x1082;
	[sflag:s4] =	ssyncset.s32 $0xFFFFF086  }
0x25: {  	[simem:s6], [sflag:s4] =	dma.local [hbm:s3], $0xF7A  }
0x26: {  	[smem:$0x3F7F] =	sst s1;
	(tag) =	ssettag s2;
	_ =	strace s9  }
0x27: {  	s1 =	sld [smem:$0x3F8F]  }
0x28: {  	s2 =	sld [smem:$0x3F90]  }
0x29: {  	s4 =	sld [smem:$0x3F92]  }
0x2a: {  	p0 =	seq.s32 s5, $0x0;
	s5 =	sld [smem:$0x3F93]  }
0x2b: {  	s6 =	sld [smem:$0x3F94]  }
0x2c: {  	s7 =	sld [smem:$0x3F95]  }
0x2d: {  	s3 =	simm.s32 $0x108;
	s8 =	sld [smem:$0x3F96]  }
0x2e: {  	s3 =	simm.s32 @!p0 $0x1082;
	s9 =	sld [smem:$0x3F97]  }
0x2f: {  	lr =	sadd.s32 s0, s3;
	s0 =	sld [smem:$0x3F8E]  }
0x30: {  	s3 =	sld [smem:$0x3F91]  }
0x31: {  	[smem:$0x3F9A] =	sst s10  }
0x32: {  	s10 =	sld [smem:$0x3F98];
	_ =	sdelay $0x3  }
0x33: {  	p0 =	seq.s32 s10, $0x1;
	s10 =	sld [smem:$0x3F9A];
	_ =	sdelay $0x3  }
0x34: {  	[smem:$0x3F9A] =	sst s10  }
0x35: {  	s10 =	sld [smem:$0x3F99];
	_ =	sdelay $0x3  }
0x36: {  	p1 =	seq.s32 s10, $0x1;
	s10 =	sld [smem:$0x3F9A];
	_ =	sdelay $0x3  }
0x37: {  	[smem:$0x3F9A] =	sst s10  }
0x38: {  	s10 =	sld [smem:$0x3F9B]  }
0x39: {  	_ = 	snop;
	(pc) =	sbr.ind lr, $3  }
0x3a: {  	_ = 	snop  }
0x3b: {  	_ = 	snop  }
0x3c: {  	p2 =	seq.s32 s10, $0x1;
	s10 =	sld [smem:$0x3F9A]  }
0x3d: {  	_ =	shalt  }
0x3e: {  	_ =	shalt  }
0x3f: {  	_ =	shalt  }
0x40: {  	_ =	shalt  }
0x41: {  	_ =	shalt  }
0x42: {  	_ =	shalt  }
0x43: {  	_ =	shalt  }
0x44: {  	_ =	shalt  }
0x45: {  	_ =	shalt  }
0x46: {  	_ =	shalt  }
0x47: {  	_ =	shalt  }
0x48: {  	_ =	shalt  }
0x49: {  	_ =	shalt  }
0x4a: {  	_ =	shalt  }
0x4b: {  	_ =	shalt  }
0x4c: {  	_ =	shalt  }
0x4d: {  	_ =	shalt  }
0x4e: {  	_ =	shalt  }
0x4f: {  	_ =	shalt  }
0x50: {  	_ =	shalt  }
0x51: {  	_ =	shalt  }
0x52: {  	_ =	shalt  }
0x53: {  	_ =	shalt  }
0x54: {  	_ =	shalt  }
0x55: {  	_ =	shalt  }
0x56: {  	_ =	shalt  }
0x57: {  	_ =	shalt  }
0x58: {  	_ =	shalt  }
0x59: {  	_ =	shalt  }
0x5a: {  	_ =	shalt  }
0x5b: {  	_ =	shalt  }
0x5c: {  	_ =	shalt  }
0x5d: {  	_ =	shalt  }
0x5e: {  	_ =	shalt  }
0x5f: {  	_ =	shalt  }
0x60: {  	_ =	shalt  }
0x61: {  	_ =	shalt  }
0x62: {  	_ =	shalt  }
0x63: {  	_ =	shalt  }
0x64: {  	_ =	shalt  }
0x65: {  	_ =	shalt  }
0x66: {  	_ =	shalt  }
0x67: {  	_ =	shalt  }
0x68: {  	_ =	shalt  }
0x69: {  	_ =	shalt  }
0x6a: {  	_ =	shalt  }
0x6b: {  	_ =	shalt  }
0x6c: {  	_ =	shalt  }
0x6d: {  	_ =	shalt  }
0x6e: {  	_ =	shalt  }
0x6f: {  	_ =	shalt  }
0x70: {  	_ =	shalt  }
0x71: {  	_ =	shalt  }
0x72: {  	_ =	shalt  }
0x73: {  	_ =	shalt  }
0x74: {  	_ =	shalt  }
0x75: {  	_ =	shalt  }
0x76: {  	_ =	shalt  }
0x77: {  	_ =	shalt  }
0x78: {  	_ =	shalt  }
0x79: {  	_ =	shalt  }
0x7a: {  	_ =	shalt  }
0x7b: {  	_ =	shalt  }
0x7c: {  	_ =	shalt  }
0x7d: {  	_ =	shalt  }
0x7e: {  	_ =	shalt  }
0x7f: {  	_ =	shalt  }
0x80: {  	_ =	shalt  }
0x81: {  	_ =	shalt  }
0x82: {  	_ =	shalt  }
0x83: {  	_ =	shalt  }
0x84: {  	_ =	shalt  }
0x85: {  	_ =	shalt  }
0x86: {  	_ =	shalt  }
0x87: {  	_ =	shalt  }
.Lfunc_end0:
.L_simem_size_0:
called_computation.1_lowered:
.L_overlay_start_0:
0x88: {  	s2 =	sld [smem:$0x3FD9]  }
0x89: {  	s3 =	sld [smem:$0x3FFE];
	_ =	sdelay $0x1  }
0x8a: {  	s1 =	srdreg.scid  }
0x8b: {  	s0 =	sand.u32 $0x1, s1  }
0x8c: {  	s17 =	sshll.u32 s0, $0xA;
	s2 =	sadd.s32 s3, s2  }
0x8d: {  	s2 =	sadd.s32 s2, s17  }
0x8e: {  	[smem:$0x3FA6] =	sst s2  }
0x8f: {  	_ = 	snop  }
0x90: {  	s2 =	sld [smem:$0x3FD0];
	(tm) =	ssettm $0x1  }
0x91: {  	s18 =	sld [smem:$0x3FFB];
	_ =	sdelay $0x3  }
0x92: {  	_ =	strace s18  }
0x93: {  	s3 =	sld [smem:$0x3FFC];
	_ =	sdelay $0x3  }
0x94: {  	_ =	strace s3  }
0x95: {  	s3 =	sld [smem:$0x3FFD];
	_ =	sdelay $0x3  }
0x96: {  	_ =	strace s3  }
0x97: {  	_ =	strace $0x8FFFFFFF  }
0x98: {  	s19 =	sld [smem:$0x3FDB];
	_ =	sdelay $0x1  }
0x99: {  	s4 =	simm.s32 $_scs_section_size  }
0x9a: {  	s5 =	simm.s32 $_size__tile_overlayer_lowered;
	s6 =	simm.s32 $_tile_overlayer_lowered  }
0x9b: {  	s22 =	simm.s32 $0x1BFF;
	s21 =	sshll.u32 s6, $0x1;
	s3 =	sadd.s32 s4, s19  }
0x9c: {  	s7 =	simm.s32 $0x0;
	s20 =	sshll.u32 s5, $0x1;
	s5 =	sadd.s32 s21, s3  }
0x9d: {  	[timem:s7], [sflag:s22] =	dma.local [hbm:s5], s20  }
0x9e: {  	_ =	swait.ge [sflag:s22], s20  }
0x9f: {  	s4 =	ssub.s32 $0x0, s20;
	[sflag:s22] =	ssyncset.done $0x0  }
0xa0: {  	[sflag:s22] =	ssyncadd.s32 s4;
	_ =	sdelay $0x1  }
0xa1: {  	s23 =	simm.s32 $0x1B8B  }
0xa2: {  	_ =	swait.ge [sflag:s23], $0x1  }
0xa3: {  	[sflag:s23] =	ssyncset.done $0x0  }
0xa4: {  	s25 =	simm.s32 $0x1B8E;
	s24 =	sld [smem:$0x3FFE];
	[sflag:s23] =	ssyncadd.s32 $0xFFFFFFFF  }
0xa5: {  	s26 =	simm.s32 $execute0_lowered;
	[smem:$0x3FD2] =	sst s25  }
0xa6: {  	s5 =	sshll.u32 s26, $0x1;
	_ =	strace $0x80000049;
	[dreg:$0x1] =	wrdreg $0xFFFFFFFF  }
0xa7: {  	s28 =	simm.s32 $_size_execute0_lowered;
	s3 =	sadd.s32 s3, s5;
	[dreg:$0x0] =	wrdreg $0x0  }
0xa8: {  	s5 =	sshll.u32 s28, $0x1;
	[dreg:$0x2] =	wrdreg s3  }
0xa9: {  	[dreg:$0x3] =	wrdreg s5  }
0xaa: {  	[dreg:$0x4] =	wrdreg $0xC0  }
0xab: {  	_ =	task [dreg:s7], $0x5FFFF  }
0xac: {  	[dreg:$0x1] =	wrdreg $0xFFFFFFFF  }
0xad: {  	[dreg:$0x0] =	wrdreg $0x60  }
0xae: {  	[dreg:$0x2] =	wrdreg s24  }
0xaf: {  	[dreg:$0x3] =	wrdreg s2  }
0xb0: {  	[dreg:$0x4] =	wrdreg $0x9  }
0xb1: {  	_ =	task.clear_ibuf [dreg:s7], $0x5FFFF;
	_ =	strace $0x90000049  }
0xb2: {  	s29 =	simm.s32 $0x9;
	_ =	strace $0x8000004B  }
0xb3: {  	_ =	swait.ge [sflag:s29], $0x1  }
0xb4: {  	[sflag:s29] =	ssyncadd.s32 $0xFFFFFFFF  }
0xb5: {  	_ =	strace $0x9000004B  }
0xb6: {  	_ =	sfence  }
0xb7: {  	s30 =	sld [smem:$0x0];
	_ =	sdelay $0x2  }
0xb8: {  	s31 =	sshll.u32 s1, $0xD;
	s1 =	sshrl.u32 s1, $0x2  }
0xb9: {  	s3 =	sand.u32 $0x4000, s31;
	s1 =	sadd.s32 s1, s30  }
0xba: {  	s0 =	sor.u32 s3, s0;
	s1 =	sshll.u32 s1, $0x11  }
0xbb: {  	s0 =	sor.u32 s1, s0  }
0xbc: {  	s0 =	sadd.s32 $0x8F2B, s0  }
0xbd: {  	[sflag:s0] =	ssyncadd.remote.s32 $0x1  }
0xbe: {  	_ =	sfence.sel $0xFFFF  }
0xbf: {  	[dreg:$0x0] =	wrdreg $0xFFFFFFFF;
	(pc) =	sbr.abs _section_cstart, $3  }
0xc0: {  	[dreg:$0x1] =	wrdreg $0xFFFFFFFF  }
0xc1: {  	_ =	task.clear_ibuf [dreg:s7], $0x2FFFF;
	_ =	strace $0x9FFFFFFF  }
0xc2: {  	(tm) =	ssettm $0x7FFFFFFF  }
0xc3: {  	_ =	shalt  }
tec
execute0_lowered:
.L_overlay_start_1:
0x0: {  	(tag) =	ssettag $0x1  }
0x1: {  	s4 =	rddreg [dreg:$0x0]  }
0x2: {  	s5 =	rddreg [dreg:$0x1]  }
0x3: {  	s0 =	rddreg [dreg:$0x2]  }
0x4: {  	s2 =	simm.s32 $0x0;
	s3 =	srdreg.scid;
	s1 =	stileid.u32  }
0x5: {  	s12 =	simm.s32 $0x8000;
	s13 =	simm.s32 $0xC000;
	s14 =	simm.s32 $0x10000  }
0x6: {  	s15 =	simm.s32 $0x14000;
	s16 =	simm.s32 $0x1;
	s17 =	simm.s32 $0x2  }
0x7: {  	s18 =	simm.s32 $0x7F00;
	s19 =	simm.s32 $0x7F80;
	s20 =	simm.s32 $0x0  }
0x8: {  	[smem:$0x7FF] =	sst s2;
	s6 =	sand.u32 $0x1, s3;
	s25 =	sshll.u32 s1, $0x1  }
0x9: {  	s3 =	sadd.s32 $0x87200, s4;
	s11 =	sadd.s32 $0x187200, s4;
	s26 =	sshll.u32 s1, $0x17  }
0xa: {  	_ =	strace $0x8000004A;
	s7 =	ssub.s32 $0x2, s6;
	s8 =	sor.u32 s6, s25  }
0xb: {  	s6 =	sshll.u32 s6, $0x16;
	s9 =	sshrl.u32 s7, $0x1;
	s10 =	sshll.u32 s8, $0xC  }
0xc: {  	s8 =	sshll.u32 s8, $0x13;
	s29 =	sor.u32 s6, s26;
	s7 =	ssub.s32 s7, s9  }
0xd: {  	s4 =	sadd.s32 s5, s10;
	s28 =	sadd.s32 s8, s11;
	s9 =	sshrl.u32 s29, $0x3  }
0xe: {  	s30 =	sor.u32 $0x8000, s29;
	s10 =	simm.s32 $0x3;
	s5 =	smax.u32 s7, $0x1  }
0xf: {  	s6 =	sadd.s32 $0x7E000, s28;
	s7 =	sadd.s32 $0x7F000, s28;
	s31 =	sshrl.u32 s30, $0x3  }
0x10: {  	s8 =	sadd.s32 s9, s11;
	s9 =	sadd.s32 s31, s11;
	s11 =	simm.s32 $0x80  }
.LBB2_1:
0x11: {  	[tilespmem:s2], [sflag:$0x3] =	stream.linear.gather [hbm4b:s4+s2], $0x8000, $0x38;
	[tilespmem:$0x18000] =	vst v63  }
0x12: {  	_ =	swait.ge [sflag:s10], $0x8000  }
0x13: {  	[sflag:s10] =	ssyncset.done $0x0  }
0x14: {  	[sflag:s10] =	ssyncadd.s32 $0xFFFF8000  }
0x15: {  	[tilespmem:s12], [sflag:$0x1] =	stream.indirect.gather [hbm4b:s3+s11], $0x80, s2, s11, $0xb8;
	[tilespmem:$0x18000] =	vst v63  }
0x16: {  	_ = 	snop  }
0x17: {  	[tilespmem:s13], [sflag:$0x1] =	stream.indirect.gather [hbm4b:s3+s11], $0x80, s11, s11, $0xb8;
	[tilespmem:$0x18000] =	vst v63  }
0x18: {  	s21 =	simm.s32 $0x100  }
0x19: {  	[tilespmem:s14], [sflag:$0x2] =	stream.indirect.gather [hbm4b:s3+s11], $0x80, s21, s11, $0xb8;
	[tilespmem:$0x18000] =	vst v63  }
0x1a: {  	s29 =	simm.s32 $0x180  }
0x1b: {  	[tilespmem:s15], [sflag:$0x2] =	stream.indirect.gather [hbm4b:s3+s11], $0x80, s29, s11, $0xb8;
	[tilespmem:$0x18000] =	vst v63  }
0x1c: {  	_ =	swait.ge [sflag:s16], $0x4000  }
0x1d: {  	[sflag:s16] =	ssyncset.done $0x0  }
0x1e: {  	[sflag:s16] =	ssyncadd.s32 $0xFFFFC000  }
0x1f: {  	_ =	swait.ge [sflag:s16], $0x4000  }
0x20: {  	[sflag:s16] =	ssyncset.done $0x0  }
0x21: {  	[sflag:s16] =	ssyncadd.s32 $0xFFFFC000  }
0x22: {  	[hbm4b:s8+s2] =	stream.linear.scatter [tilespmem:s12], [sflag:$0x3], $0x8000, $0x38;
	[tilespmem:$0x18000] =	vst v63  }
0x23: {  	_ =	swait.ge [sflag:s10], $0x8000  }
0x24: {  	[sflag:s10] =	ssyncset.done $0x0  }
0x25: {  	s30 =	simm.s32 $0x200;
	[sflag:s10] =	ssyncadd.s32 $0xFFFF8000  }
0x26: {  	[tilespmem:s12], [sflag:$0x1] =	stream.indirect.gather [hbm4b:s3+s11], $0x80, s30, s11, $0xb8;
	[tilespmem:$0x18000] =	vst v63  }
0x27: {  	s31 =	simm.s32 $0x280  }
0x28: {  	[tilespmem:s13], [sflag:$0x1] =	stream.indirect.gather [hbm4b:s3+s11], $0x80, s31, s11, $0xb8;
	[tilespmem:$0x18000] =	vst v63  }
0x29: {  	_ =	swait.ge [sflag:s17], $0x4000  }
0x2a: {  	[sflag:s17] =	ssyncset.done $0x0  }
0x2b: {  	[sflag:s17] =	ssyncadd.s32 $0xFFFFC000  }
0x2c: {  	_ =	swait.ge [sflag:s17], $0x4000  }
0x2d: {  	[sflag:s17] =	ssyncset.done $0x0  }
0x2e: {  	[sflag:s17] =	ssyncadd.s32 $0xFFFFC000  }
0x2f: {  	[hbm4b:s9+s2] =	stream.linear.scatter [tilespmem:s14], [sflag:$0x3], $0x8000, $0x38;
	[tilespmem:$0x18000] =	vst v63  }
0x30: {  	s24 =	simm.s32 $0x1000;
	s23 =	simm.s32 $0x200;
	_ =	swait.ge [sflag:s10], $0x8000  }
0x31: {  	s22 =	sadd.s32 $0x2000, s8;
	s21 =	sadd.s32 $0x2000, s9;
	[sflag:s10] =	ssyncset.done $0x0  }
.LBB2_2:
0x32: {  	s25 =	sadd.s32 $0x100, s23  }
0x33: {  	[sflag:s10] =	ssyncadd.s32 $0xFFFF8000;
	s26 =	smov.u32 s24;
	s28 =	sadd.s32 $0x800, s24  }
0x34: {  	[tilespmem:s14], [sflag:$0x2] =	stream.indirect.gather [hbm4b:s3+s11], $0x80, s25, s11, $0xb8;
	[tilespmem:$0x18000] =	vst v63  }
0x35: {  	p0 =	sne.s32 s24, $0x1F000;
	s24 =	sadd.s32 $0x180, s23  }
0x36: {  	[tilespmem:s15], [sflag:$0x2] =	stream.indirect.gather [hbm4b:s3+s11], $0x80, s24, s11, $0xb8;
	[tilespmem:$0x18000] =	vst v63  }
0x37: {  	_ =	swait.ge [sflag:s16], $0x4000  }
0x38: {  	[sflag:s16] =	ssyncset.done $0x0  }
0x39: {  	[sflag:s16] =	ssyncadd.s32 $0xFFFFC000  }
0x3a: {  	_ =	swait.ge [sflag:s16], $0x4000  }
0x3b: {  	[sflag:s16] =	ssyncset.done $0x0  }
0x3c: {  	[sflag:s16] =	ssyncadd.s32 $0xFFFFC000  }
0x3d: {  	[hbm4b:s22+s2] =	stream.linear.scatter [tilespmem:s12], [sflag:$0x3], $0x8000, $0x38;
	[tilespmem:$0x18000] =	vst v63  }
0x3e: {  	_ =	swait.ge [sflag:s10], $0x8000  }
0x3f: {  	[sflag:s10] =	ssyncset.done $0x0  }
0x40: {  	s24 =	sadd.s32 $0x200, s23;
	[sflag:s10] =	ssyncadd.s32 $0xFFFF8000  }
0x41: {  	[tilespmem:s12], [sflag:$0x1] =	stream.indirect.gather [hbm4b:s3+s11], $0x80, s24, s11, $0xb8;
	[tilespmem:$0x18000] =	vst v63  }
0x42: {  	s23 =	sadd.s32 $0x280, s23  }
0x43: {  	[tilespmem:s13], [sflag:$0x1] =	stream.indirect.gather [hbm4b:s3+s11], $0x80, s23, s11, $0xb8;
	[tilespmem:$0x18000] =	vst v63  }
0x44: {  	_ =	swait.ge [sflag:s17], $0x4000  }
0x45: {  	[sflag:s17] =	ssyncset.done $0x0  }
0x46: {  	[sflag:s17] =	ssyncadd.s32 $0xFFFFC000  }
0x47: {  	_ =	swait.ge [sflag:s17], $0x4000  }
.Ltmp0:
0x48: {  	[sflag:s17] =	ssyncset.done $0x0;
	(pc) =	sbr.rel @p0 .LBB2_2-.Ltmp0, $4  }
0x49: {  	[sflag:s17] =	ssyncadd.s32 $0xFFFFC000  }
0x4a: {  	[hbm4b:s21+s2] =	stream.linear.scatter [tilespmem:s14], [sflag:$0x3], $0x8000, $0x38;
	[tilespmem:$0x18000] =	vst v63  }
0x4b: {  	s22 =	sadd.s32 $0x2000, s22;
	s21 =	sadd.s32 $0x2000, s21;
	_ =	swait.ge [sflag:s10], $0x8000  }
0x4c: {  	s24 =	smov.u32 s28;
	s23 =	sshra.s32 s26, $0x2;
	[sflag:s10] =	ssyncset.done $0x0  }
0x4d: {  	s24 =	sadd.s32 $0x100, s23;
	[sflag:s10] =	ssyncadd.s32 $0xFFFF8000  }
0x4e: {  	[tilespmem:s14], [sflag:$0x2] =	stream.indirect.gather [hbm4b:s3+s11], $0x80, s24, s11, $0xb8;
	[tilespmem:$0x18000] =	vst v63  }
0x4f: {  	s29 =	sadd.s32 $0x180, s23  }
0x50: {  	[tilespmem:s15], [sflag:$0x2] =	stream.indirect.gather [hbm4b:s3+s11], $0x80, s29, s11, $0xb8;
	[tilespmem:$0x18000] =	vst v63  }
0x51: {  	_ =	swait.ge [sflag:s16], $0x4000  }
0x52: {  	[sflag:s16] =	ssyncset.done $0x0  }
0x53: {  	[sflag:s16] =	ssyncadd.s32 $0xFFFFC000  }
0x54: {  	_ =	swait.ge [sflag:s16], $0x4000  }
0x55: {  	[sflag:s16] =	ssyncset.done $0x0  }
0x56: {  	[sflag:s16] =	ssyncadd.s32 $0xFFFFC000  }
0x57: {  	[hbm4b:s22+s2] =	stream.linear.scatter [tilespmem:s12], [sflag:$0x3], $0x8000, $0x38;
	[tilespmem:$0x18000] =	vst v63  }
0x58: {  	_ =	swait.ge [sflag:s10], $0x8000  }
0x59: {  	[sflag:s10] =	ssyncset.done $0x0  }
0x5a: {  	s30 =	sadd.s32 $0x200, s23;
	[sflag:s10] =	ssyncadd.s32 $0xFFFF8000  }
0x5b: {  	[tilespmem:s12], [sflag:$0x1] =	stream.indirect.gather [hbm4b:s3+s11], $0x80, s30, s11, $0xb8;
	[tilespmem:$0x18000] =	vst v63  }
0x5c: {  	s31 =	sadd.s32 $0x280, s23  }
0x5d: {  	[tilespmem:s13], [sflag:$0x1] =	stream.indirect.gather [hbm4b:s3+s11], $0x80, s31, s11, $0xb8;
	[tilespmem:$0x18000] =	vst v63  }
0x5e: {  	_ =	swait.ge [sflag:s17], $0x4000  }
0x5f: {  	[sflag:s17] =	ssyncset.done $0x0  }
0x60: {  	[sflag:s17] =	ssyncadd.s32 $0xFFFFC000  }
0x61: {  	_ =	swait.ge [sflag:s17], $0x4000  }
0x62: {  	[sflag:s17] =	ssyncset.done $0x0  }
0x63: {  	[sflag:s17] =	ssyncadd.s32 $0xFFFFC000  }
0x64: {  	[hbm4b:s21+s2] =	stream.linear.scatter [tilespmem:s14], [sflag:$0x3], $0x8000, $0x38;
	[tilespmem:$0x18000] =	vst v63  }
0x65: {  	_ =	swait.ge [sflag:s10], $0x8000  }
0x66: {  	[sflag:s10] =	ssyncset.done $0x0  }
0x67: {  	[sflag:s10] =	ssyncadd.s32 $0xFFFF8000  }
0x68: {  	[tilespmem:s14], [sflag:$0x2] =	stream.indirect.gather [hbm4b:s3+s11], $0x80, s18, s11, $0xb8;
	[tilespmem:$0x18000] =	vst v63  }
0x69: {  	_ = 	snop  }
0x6a: {  	[tilespmem:s15], [sflag:$0x2] =	stream.indirect.gather [hbm4b:s3+s11], $0x80, s19, s11, $0xb8;
	[tilespmem:$0x18000] =	vst v63  }
0x6b: {  	_ =	swait.ge [sflag:s16], $0x4000  }
0x6c: {  	[sflag:s16] =	ssyncset.done $0x0  }
0x6d: {  	[sflag:s16] =	ssyncadd.s32 $0xFFFFC000  }
0x6e: {  	_ =	swait.ge [sflag:s16], $0x4000  }
0x6f: {  	[sflag:s16] =	ssyncset.done $0x0  }
0x70: {  	[sflag:s16] =	ssyncadd.s32 $0xFFFFC000  }
0x71: {  	[hbm4b:s6+s2] =	stream.linear.scatter [tilespmem:s12], [sflag:$0x3], $0x8000, $0x38;
	[tilespmem:$0x18000] =	vst v63  }
0x72: {  	_ =	swait.ge [sflag:s10], $0x8000  }
0x73: {  	[sflag:s10] =	ssyncset.done $0x0  }
0x74: {  	[sflag:s10] =	ssyncadd.s32 $0xFFFF8000  }
0x75: {  	_ =	swait.ge [sflag:s17], $0x4000  }
0x76: {  	[sflag:s17] =	ssyncset.done $0x0  }
0x77: {  	[sflag:s17] =	ssyncadd.s32 $0xFFFFC000  }
0x78: {  	s20 =	sadd.s32 $0x1, s20;
	_ =	swait.ge [sflag:s17], $0x4000  }
0x79: {  	p0 =	sne.s32 s20, s5;
	[sflag:s17] =	ssyncset.done $0x0  }
.Ltmp1:
0x7a: {  	[sflag:s17] =	ssyncadd.s32 $0xFFFFC000;
	(pc) =	sbr.rel @p0 .LBB2_1-.Ltmp1, $4  }
0x7b: {  	[hbm4b:s7+s2] =	stream.linear.scatter [tilespmem:s14], [sflag:$0x3], $0x8000, $0x38;
	[tilespmem:$0x18000] =	vst v63  }
0x7c: {  	_ =	swait.ge [sflag:s10], $0x8000  }
0x7d: {  	[sflag:s10] =	ssyncset.done $0x0  }
0x7e: {  	[sflag:s10] =	ssyncadd.s32 $0xFFFF8000  }
0x7f: {  	_ =	sfence.sel $0x180000  }
0x80: {  	[bflag:$0x0] =	sbarrier.arrive $0xFFFF  }
0x81: {  	p0 =	sne.s32 s1, $0x0;
	_ =	strace $0x9000004A  }
0x82: {  	s0 =	sadd.s32 @!p0 $0x100000, s0;
	[bflag:$0x2] =	sbarrier.arrive $0xFFFF  }
0x83: {  	[sflag:s0] =	ssyncadd.tile.s32 @!p0 $0x1;
	_ =	shalt  }
.Lfunc_end2:
_tile_overlayer_lowered:
.L_overlay_start_2:
0x84: {  	(tag) =	ssettag $0x2  }
0x85: {  	s0 =	rddreg [dreg:$0x0];
	s2 =	stileid.u32  }
0x86: {  	s1 =	rddreg [dreg:$0x1];
	p0 =	sne.s32 s2, $0x0  }
0x87: {  	s3 =	rddreg [dreg:$0x2];
	[bflag:$0x3] =	sbarrier.arrive $0xFFFF;
	s2 =	simm.s32 @!p0 $0x1C03  }
0x88: {  	[timem:s3], [sflag:s2] =	dma.local @!p0 [hbm:s0], s1  }
0x89: {  	s0 =	simm.s32 @!p0 $0x3  }
0x8a: {  	_ =	swait.ge @!p0 [sflag:s0], s1  }
0x8b: {  	s1 =	ssub.s32 @!p0 $0x0, s1;
	[sflag:s0] =	ssyncset.done @!p0 $0x0  }
0x8c: {  	[sflag:s0] =	ssyncadd.s32 @!p0 s1  }
0x8d: {  	[bflag:$0x3] =	sbarrier.arrive $0xFFFF  }
0x8e: {  	_ =	shalt  }

// kernel: kernel.18.cloned.1.call-start
scs
__scs_entry_jumppad:
0x0: {  	(pc) =	sbr.rel $0x88, $3  }
0x1: {  	(tag) =	ssettag $0x0;
	lr =	simm.s32 $0x1  }
0x2: {  	[smem:$0x3F7F] =	sst lr;
	_ =	strace $0xD0000000  }
0x3: {  	_ = 	snop  }
0x4: {  	_ = 	snop  }
0x5: {  	_ = 	snop  }
0x6: {  	_ = 	snop  }
0x7: {  	_ = 	snop  }
__scs_overlays_trampoline_lowered:
0x8: {  	[smem:$0x3F8E] =	sst s0  }
0x9: {  	[smem:$0x3F8F] =	sst s1  }
0xa: {  	[smem:$0x3F90] =	sst s2  }
0xb: {  	[smem:$0x3F91] =	sst s3  }
0xc: {  	[smem:$0x3F92] =	sst s4  }
0xd: {  	[smem:$0x3F93] =	sst s5  }
0xe: {  	[smem:$0x3F94] =	sst s6  }
0xf: {  	[smem:$0x3F95] =	sst s7  }
0x10: {  	[smem:$0x3F96] =	sst s8  }
0x11: {  	[smem:$0x3F97] =	sst s9;
	s0 =	simm.s32 @!p0 $0x0  }
0x12: {  	s1 =	sld [smem:$0x3F7D];
	s0 =	simm.s32 @p0 $0x1  }
0x13: {  	[smem:$0x3F98] =	sst s0;
	s0 =	simm.s32 @!p1 $0x0  }
0x14: {  	s2 =	sld [smem:$0x3F7C];
	s0 =	simm.s32 @p1 $0x1  }
0x15: {  	[smem:$0x3F99] =	sst s0;
	s0 =	simm.s32 @!p2 $0x0  }
0x16: {  	s3 =	sld [smem:$0x3FDB];
	s0 =	simm.s32 @p2 $0x1  }
0x17: {  	s4 =	simm.s32 $0x1BF5;
	[smem:$0x3F9B] =	sst s0  }
0x18: {  	s0 =	sld [smem:$0x3F7E];
	_ =	swait.ge [sflag:s4], $0x0  }
0x19: {  	s7 =	sld [smem:$0x3F7F]  }
0x1a: {  	s8 =	sadd.s32 $0xFFFFE003, lr  }
0x1b: {  	s9 =	sadd.s32 $0xFFFFFEF7, lr;
	s5 =	simm.s32 $0xFFFFFFFF;
	p2 =	slt.u32 s8, $0xFFFFF086  }
0x1c: {  	p1 =	slt.u32 s9, $0xF7A;
	s5 =	simm.s32 @!p2 $0x0  }
0x1d: {  	s5 =	simm.s32 @p1 $0x1;
	p0 =	seq.s32 s7, s2  }
0x1e: {  	s7 =	smul.u32 @!p0 $0xF7A, s2;
	p2 =	seq.s32 @!p0 s5, $0x0  }
0x1f: {  	s9 =	smul.u32 $0xF7A, s1;
	s8 =	simm.s32 @!p0 $0x1BF5;
	p2 =	por !p2, p0  }
0x20: {  	[sflag:s8] =	ssyncset.s32 @!p0 $0xFFFFF086;
	s6 =	sadd.s32 @!p0 s3, s7;
	s7 =	simm.s32 @!p0 $0x108  }
0x21: {  	s3 =	sadd.s32 s3, s9;
	s6 =	sadd.s32 @!p0 $0x88, s6;
	s7 =	simm.s32 @p2 $0x1082  }
0x22: {  	[simem:s7], [sflag:s8] =	dma.local @!p0 [hbm:s6], $0xF7A  }
0x23: {  	s9 =	sor.u32 $0xD0000000, s2;
	s6 =	simm.s32 $0x108;
	_ =	swait.ge @!p0 [sflag:s8], $0x0  }
0x24: {  	s3 =	sadd.s32 $0x88, s3;
	s6 =	simm.s32 @!p1 $0x1082;
	[sflag:s4] =	ssyncset.s32 $0xFFFFF086  }
0x25: {  	[simem:s6], [sflag:s4] =	dma.local [hbm:s3], $0xF7A  }
0x26: {  	[smem:$0x3F7F] =	sst s1;
	(tag) =	ssettag s2;
	_ =	strace s9  }
0x27: {  	s1 =	sld [smem:$0x3F8F]  }
0x28: {  	s2 =	sld [smem:$0x3F90]  }
0x29: {  	s4 =	sld [smem:$0x3F92]  }
0x2a: {  	p0 =	seq.s32 s5, $0x0;
	s5 =	sld [smem:$0x3F93]  }
0x2b: {  	s6 =	sld [smem:$0x3F94]  }
0x2c: {  	s7 =	sld [smem:$0x3F95]  }
0x2d: {  	s3 =	simm.s32 $0x108;
	s8 =	sld [smem:$0x3F96]  }
0x2e: {  	s3 =	simm.s32 @!p0 $0x1082;
	s9 =	sld [smem:$0x3F97]  }
0x2f: {  	lr =	sadd.s32 s0, s3;
	s0 =	sld [smem:$0x3F8E]  }
0x30: {  	s3 =	sld [smem:$0x3F91]  }
0x31: {  	[smem:$0x3F9A] =	sst s10  }
0x32: {  	s10 =	sld [smem:$0x3F98];
	_ =	sdelay $0x3  }
0x33: {  	p0 =	seq.s32 s10, $0x1;
	s10 =	sld [smem:$0x3F9A];
	_ =	sdelay $0x3  }
0x34: {  	[smem:$0x3F9A] =	sst s10  }
0x35: {  	s10 =	sld [smem:$0x3F99];
	_ =	sdelay $0x3  }
0x36: {  	p1 =	seq.s32 s10, $0x1;
	s10 =	sld [smem:$0x3F9A];
	_ =	sdelay $0x3  }
0x37: {  	[smem:$0x3F9A] =	sst s10  }
0x38: {  	s10 =	sld [smem:$0x3F9B]  }
0x39: {  	_ = 	snop;
	(pc) =	sbr.ind lr, $3  }
0x3a: {  	_ = 	snop  }
0x3b: {  	_ = 	snop  }
0x3c: {  	p2 =	seq.s32 s10, $0x1;
	s10 =	sld [smem:$0x3F9A]  }
0x3d: {  	_ =	shalt  }
0x3e: {  	_ =	shalt  }
0x3f: {  	_ =	shalt  }
0x40: {  	_ =	shalt  }
0x41: {  	_ =	shalt  }
0x42: {  	_ =	shalt  }
0x43: {  	_ =	shalt  }
0x44: {  	_ =	shalt  }
0x45: {  	_ =	shalt  }
0x46: {  	_ =	shalt  }
0x47: {  	_ =	shalt  }
0x48: {  	_ =	shalt  }
0x49: {  	_ =	shalt  }
0x4a: {  	_ =	shalt  }
0x4b: {  	_ =	shalt  }
0x4c: {  	_ =	shalt  }
0x4d: {  	_ =	shalt  }
0x4e: {  	_ =	shalt  }
0x4f: {  	_ =	shalt  }
0x50: {  	_ =	shalt  }
0x51: {  	_ =	shalt  }
0x52: {  	_ =	shalt  }
0x53: {  	_ =	shalt  }
0x54: {  	_ =	shalt  }
0x55: {  	_ =	shalt  }
0x56: {  	_ =	shalt  }
0x57: {  	_ =	shalt  }
0x58: {  	_ =	shalt  }
0x59: {  	_ =	shalt  }
0x5a: {  	_ =	shalt  }
0x5b: {  	_ =	shalt  }
0x5c: {  	_ =	shalt  }
0x5d: {  	_ =	shalt  }
0x5e: {  	_ =	shalt  }
0x5f: {  	_ =	shalt  }
0x60: {  	_ =	shalt  }
0x61: {  	_ =	shalt  }
0x62: {  	_ =	shalt  }
0x63: {  	_ =	shalt  }
0x64: {  	_ =	shalt  }
0x65: {  	_ =	shalt  }
0x66: {  	_ =	shalt  }
0x67: {  	_ =	shalt  }
0x68: {  	_ =	shalt  }
0x69: {  	_ =	shalt  }
0x6a: {  	_ =	shalt  }
0x6b: {  	_ =	shalt  }
0x6c: {  	_ =	shalt  }
0x6d: {  	_ =	shalt  }
0x6e: {  	_ =	shalt  }
0x6f: {  	_ =	shalt  }
0x70: {  	_ =	shalt  }
0x71: {  	_ =	shalt  }
0x72: {  	_ =	shalt  }
0x73: {  	_ =	shalt  }
0x74: {  	_ =	shalt  }
0x75: {  	_ =	shalt  }
0x76: {  	_ =	shalt  }
0x77: {  	_ =	shalt  }
0x78: {  	_ =	shalt  }
0x79: {  	_ =	shalt  }
0x7a: {  	_ =	shalt  }
0x7b: {  	_ =	shalt  }
0x7c: {  	_ =	shalt  }
0x7d: {  	_ =	shalt  }
0x7e: {  	_ =	shalt  }
0x7f: {  	_ =	shalt  }
0x80: {  	_ =	shalt  }
0x81: {  	_ =	shalt  }
0x82: {  	_ =	shalt  }
0x83: {  	_ =	shalt  }
0x84: {  	_ =	shalt  }
0x85: {  	_ =	shalt  }
0x86: {  	_ =	shalt  }
0x87: {  	_ =	shalt  }
.Lfunc_end0:
.L_simem_size_0:
called_computation.2_lowered:
.L_overlay_start_0:
0x88: {  	s2 =	sld [smem:$0x3FD9]  }
0x89: {  	s3 =	sld [smem:$0x3FFE];
	_ =	sdelay $0x1  }
0x8a: {  	s1 =	srdreg.scid  }
0x8b: {  	s0 =	sand.u32 $0x1, s1  }
0x8c: {  	s17 =	sshll.u32 s0, $0xA;
	s2 =	sadd.s32 s3, s2  }
0x8d: {  	s2 =	sadd.s32 s2, s17  }
0x8e: {  	[smem:$0x3FA6] =	sst s2  }
0x8f: {  	_ = 	snop  }
0x90: {  	s2 =	sld [smem:$0x3FD0];
	(tm) =	ssettm $0x1  }
0x91: {  	s18 =	sld [smem:$0x3FFB];
	_ =	sdelay $0x3  }
0x92: {  	_ =	strace s18  }
0x93: {  	s3 =	sld [smem:$0x3FFC];
	_ =	sdelay $0x3  }
0x94: {  	_ =	strace s3  }
0x95: {  	s3 =	sld [smem:$0x3FFD];
	_ =	sdelay $0x3  }
0x96: {  	_ =	strace s3  }
0x97: {  	_ =	strace $0x8FFFFFFF  }
0x98: {  	s19 =	sld [smem:$0x3FDB];
	_ =	sdelay $0x1  }
0x99: {  	s4 =	simm.s32 $_scs_section_size  }
0x9a: {  	s5 =	simm.s32 $_size__tile_overlayer_lowered;
	s6 =	simm.s32 $_tile_overlayer_lowered  }
0x9b: {  	s22 =	simm.s32 $0x1BFF;
	s21 =	sshll.u32 s6, $0x1;
	s3 =	sadd.s32 s4, s19  }
0x9c: {  	s7 =	simm.s32 $0x0;
	s20 =	sshll.u32 s5, $0x1;
	s5 =	sadd.s32 s21, s3  }
0x9d: {  	[timem:s7], [sflag:s22] =	dma.local [hbm:s5], s20  }
0x9e: {  	_ =	swait.ge [sflag:s22], s20  }
0x9f: {  	s4 =	ssub.s32 $0x0, s20;
	[sflag:s22] =	ssyncset.done $0x0  }
0xa0: {  	[sflag:s22] =	ssyncadd.s32 s4;
	_ =	sdelay $0x1  }
0xa1: {  	s23 =	simm.s32 $0x1B8B  }
0xa2: {  	_ =	swait.ge [sflag:s23], $0x1  }
0xa3: {  	[sflag:s23] =	ssyncset.done $0x0  }
0xa4: {  	s25 =	simm.s32 $0x1B8E;
	s24 =	sld [smem:$0x3FFE];
	[sflag:s23] =	ssyncadd.s32 $0xFFFFFFFF  }
0xa5: {  	s26 =	simm.s32 $execute0_lowered;
	[smem:$0x3FD2] =	sst s25  }
0xa6: {  	s5 =	sshll.u32 s26, $0x1;
	_ =	strace $0x8000004C;
	[dreg:$0x1] =	wrdreg $0xFFFFFFFF  }
0xa7: {  	s28 =	simm.s32 $_size_execute0_lowered;
	s3 =	sadd.s32 s3, s5;
	[dreg:$0x0] =	wrdreg $0x0  }
0xa8: {  	s5 =	sshll.u32 s28, $0x1;
	[dreg:$0x2] =	wrdreg s3  }
0xa9: {  	[dreg:$0x3] =	wrdreg s5  }
0xaa: {  	[dreg:$0x4] =	wrdreg $0xC0  }
0xab: {  	_ =	task [dreg:s7], $0x5FFFF  }
0xac: {  	[dreg:$0x1] =	wrdreg $0xFFFFFFFF  }
0xad: {  	[dreg:$0x0] =	wrdreg $0x60  }
0xae: {  	[dreg:$0x2] =	wrdreg s24  }
0xaf: {  	[dreg:$0x3] =	wrdreg s2  }
0xb0: {  	[dreg:$0x4] =	wrdreg $0x9  }
0xb1: {  	_ =	task.clear_ibuf [dreg:s7], $0x5FFFF;
	_ =	strace $0x9000004C  }
0xb2: {  	s29 =	simm.s32 $0x9;
	_ =	strace $0x8000004E  }
0xb3: {  	_ =	swait.ge [sflag:s29], $0x1  }
0xb4: {  	[sflag:s29] =	ssyncadd.s32 $0xFFFFFFFF  }
0xb5: {  	_ =	strace $0x9000004E  }
0xb6: {  	_ =	sfence  }
0xb7: {  	s30 =	sld [smem:$0x0];
	_ =	sdelay $0x2  }
0xb8: {  	s31 =	sshll.u32 s1, $0xD;
	s1 =	sshrl.u32 s1, $0x2  }
0xb9: {  	s3 =	sand.u32 $0x4000, s31;
	s1 =	sadd.s32 s1, s30  }
0xba: {  	s0 =	sor.u32 s3, s0;
	s1 =	sshll.u32 s1, $0x11  }
0xbb: {  	s0 =	sor.u32 s1, s0  }
0xbc: {  	s0 =	sadd.s32 $0x8F2B, s0  }
0xbd: {  	[sflag:s0] =	ssyncadd.remote.s32 $0x1  }
0xbe: {  	_ =	sfence.sel $0xFFFF  }
0xbf: {  	[dreg:$0x0] =	wrdreg $0xFFFFFFFF;
	(pc) =	sbr.abs _section_cstart, $3  }
0xc0: {  	[dreg:$0x1] =	wrdreg $0xFFFFFFFF  }
0xc1: {  	_ =	task.clear_ibuf [dreg:s7], $0x2FFFF;
	_ =	strace $0x9FFFFFFF  }
0xc2: {  	(tm) =	ssettm $0x7FFFFFFF  }
0xc3: {  	_ =	shalt  }
tec
execute0_lowered:
.L_overlay_start_1:
0x0: {  	(tag) =	ssettag $0x1  }
0x1: {  	s4 =	rddreg [dreg:$0x0]  }
0x2: {  	s5 =	rddreg [dreg:$0x1]  }
0x3: {  	s0 =	rddreg [dreg:$0x2]  }
0x4: {  	s2 =	simm.s32 $0x0;
	s3 =	srdreg.scid;
	s1 =	stileid.u32  }
0x5: {  	s12 =	simm.s32 $0x8000;
	s13 =	simm.s32 $0xC000;
	s14 =	simm.s32 $0x10000  }
0x6: {  	s15 =	simm.s32 $0x14000;
	s16 =	simm.s32 $0x1;
	s17 =	simm.s32 $0x2  }
0x7: {  	s18 =	simm.s32 $0x7F00;
	s19 =	simm.s32 $0x7F80;
	s20 =	simm.s32 $0x0  }
0x8: {  	[smem:$0x7FF] =	sst s2;
	s6 =	sand.u32 $0x1, s3;
	s3 =	sadd.s32 $0x107200, s4  }
0x9: {  	s25 =	sshll.u32 s1, $0x1;
	s11 =	sadd.s32 $0x207200, s4;
	s26 =	sshll.u32 s1, $0x17  }
0xa: {  	_ =	strace $0x8000004D;
	s7 =	ssub.s32 $0x2, s6;
	s8 =	sor.u32 s6, s25  }
0xb: {  	s6 =	sshll.u32 s6, $0x16;
	s9 =	sshrl.u32 s7, $0x1;
	s10 =	sshll.u32 s8, $0xC  }
0xc: {  	s8 =	sshll.u32 s8, $0x13;
	s29 =	sor.u32 s6, s26;
	s7 =	ssub.s32 s7, s9  }
0xd: {  	s4 =	sadd.s32 s5, s10;
	s28 =	sadd.s32 s8, s11;
	s9 =	sshrl.u32 s29, $0x3  }
0xe: {  	s30 =	sor.u32 $0x8000, s29;
	s10 =	simm.s32 $0x3;
	s5 =	smax.u32 s7, $0x1  }
0xf: {  	s6 =	sadd.s32 $0x7E000, s28;
	s7 =	sadd.s32 $0x7F000, s28;
	s31 =	sshrl.u32 s30, $0x3  }
0x10: {  	s8 =	sadd.s32 s9, s11;
	s9 =	sadd.s32 s31, s11;
	s11 =	simm.s32 $0x80  }
.LBB2_1:
0x11: {  	[tilespmem:s2], [sflag:$0x3] =	stream.linear.gather [hbm4b:s4+s2], $0x8000, $0x38;
	[tilespmem:$0x18000] =	vst v63  }
0x12: {  	_ =	swait.ge [sflag:s10], $0x8000  }
0x13: {  	[sflag:s10] =	ssyncset.done $0x0  }
0x14: {  	[sflag:s10] =	ssyncadd.s32 $0xFFFF8000  }
0x15: {  	[tilespmem:s12], [sflag:$0x1] =	stream.indirect.gather [hbm4b:s3+s11], $0x80, s2, s11, $0xb8;
	[tilespmem:$0x18000] =	vst v63  }
0x16: {  	_ = 	snop  }
0x17: {  	[tilespmem:s13], [sflag:$0x1] =	stream.indirect.gather [hbm4b:s3+s11], $0x80, s11, s11, $0xb8;
	[tilespmem:$0x18000] =	vst v63  }
0x18: {  	s21 =	simm.s32 $0x100  }
0x19: {  	[tilespmem:s14], [sflag:$0x2] =	stream.indirect.gather [hbm4b:s3+s11], $0x80, s21, s11, $0xb8;
	[tilespmem:$0x18000] =	vst v63  }
0x1a: {  	s29 =	simm.s32 $0x180  }
0x1b: {  	[tilespmem:s15], [sflag:$0x2] =	stream.indirect.gather [hbm4b:s3+s11], $0x80, s29, s11, $0xb8;
	[tilespmem:$0x18000] =	vst v63  }
0x1c: {  	_ =	swait.ge [sflag:s16], $0x4000  }
0x1d: {  	[sflag:s16] =	ssyncset.done $0x0  }
0x1e: {  	[sflag:s16] =	ssyncadd.s32 $0xFFFFC000  }
0x1f: {  	_ =	swait.ge [sflag:s16], $0x4000  }
0x20: {  	[sflag:s16] =	ssyncset.done $0x0  }
0x21: {  	[sflag:s16] =	ssyncadd.s32 $0xFFFFC000  }
0x22: {  	[hbm4b:s8+s2] =	stream.linear.scatter [tilespmem:s12], [sflag:$0x3], $0x8000, $0x38;
	[tilespmem:$0x18000] =	vst v63  }
0x23: {  	_ =	swait.ge [sflag:s10], $0x8000  }
0x24: {  	[sflag:s10] =	ssyncset.done $0x0  }
0x25: {  	s30 =	simm.s32 $0x200;
	[sflag:s10] =	ssyncadd.s32 $0xFFFF8000  }
0x26: {  	[tilespmem:s12], [sflag:$0x1] =	stream.indirect.gather [hbm4b:s3+s11], $0x80, s30, s11, $0xb8;
	[tilespmem:$0x18000] =	vst v63  }
0x27: {  	s31 =	simm.s32 $0x280  }
0x28: {  	[tilespmem:s13], [sflag:$0x1] =	stream.indirect.gather [hbm4b:s3+s11], $0x80, s31, s11, $0xb8;
	[tilespmem:$0x18000] =	vst v63  }
0x29: {  	_ =	swait.ge [sflag:s17], $0x4000  }
0x2a: {  	[sflag:s17] =	ssyncset.done $0x0  }
0x2b: {  	[sflag:s17] =	ssyncadd.s32 $0xFFFFC000  }
0x2c: {  	_ =	swait.ge [sflag:s17], $0x4000  }
0x2d: {  	[sflag:s17] =	ssyncset.done $0x0  }
0x2e: {  	[sflag:s17] =	ssyncadd.s32 $0xFFFFC000  }
0x2f: {  	[hbm4b:s9+s2] =	stream.linear.scatter [tilespmem:s14], [sflag:$0x3], $0x8000, $0x38;
	[tilespmem:$0x18000] =	vst v63  }
0x30: {  	s24 =	simm.s32 $0x1000;
	s23 =	simm.s32 $0x200;
	_ =	swait.ge [sflag:s10], $0x8000  }
0x31: {  	s22 =	sadd.s32 $0x2000, s8;
	s21 =	sadd.s32 $0x2000, s9;
	[sflag:s10] =	ssyncset.done $0x0  }
.LBB2_2:
0x32: {  	s25 =	sadd.s32 $0x100, s23  }
0x33: {  	[sflag:s10] =	ssyncadd.s32 $0xFFFF8000;
	s26 =	smov.u32 s24;
	s28 =	sadd.s32 $0x800, s24  }
0x34: {  	[tilespmem:s14], [sflag:$0x2] =	stream.indirect.gather [hbm4b:s3+s11], $0x80, s25, s11, $0xb8;
	[tilespmem:$0x18000] =	vst v63  }
0x35: {  	p0 =	sne.s32 s24, $0x1F000;
	s24 =	sadd.s32 $0x180, s23  }
0x36: {  	[tilespmem:s15], [sflag:$0x2] =	stream.indirect.gather [hbm4b:s3+s11], $0x80, s24, s11, $0xb8;
	[tilespmem:$0x18000] =	vst v63  }
0x37: {  	_ =	swait.ge [sflag:s16], $0x4000  }
0x38: {  	[sflag:s16] =	ssyncset.done $0x0  }
0x39: {  	[sflag:s16] =	ssyncadd.s32 $0xFFFFC000  }
0x3a: {  	_ =	swait.ge [sflag:s16], $0x4000  }
0x3b: {  	[sflag:s16] =	ssyncset.done $0x0  }
0x3c: {  	[sflag:s16] =	ssyncadd.s32 $0xFFFFC000  }
0x3d: {  	[hbm4b:s22+s2] =	stream.linear.scatter [tilespmem:s12], [sflag:$0x3], $0x8000, $0x38;
	[tilespmem:$0x18000] =	vst v63  }
0x3e: {  	_ =	swait.ge [sflag:s10], $0x8000  }
0x3f: {  	[sflag:s10] =	ssyncset.done $0x0  }
0x40: {  	s24 =	sadd.s32 $0x200, s23;
	[sflag:s10] =	ssyncadd.s32 $0xFFFF8000  }
0x41: {  	[tilespmem:s12], [sflag:$0x1] =	stream.indirect.gather [hbm4b:s3+s11], $0x80, s24, s11, $0xb8;
	[tilespmem:$0x18000] =	vst v63  }
0x42: {  	s23 =	sadd.s32 $0x280, s23  }
0x43: {  	[tilespmem:s13], [sflag:$0x1] =	stream.indirect.gather [hbm4b:s3+s11], $0x80, s23, s11, $0xb8;
	[tilespmem:$0x18000] =	vst v63  }
0x44: {  	_ =	swait.ge [sflag:s17], $0x4000  }
0x45: {  	[sflag:s17] =	ssyncset.done $0x0  }
0x46: {  	[sflag:s17] =	ssyncadd.s32 $0xFFFFC000  }
0x47: {  	_ =	swait.ge [sflag:s17], $0x4000  }
.Ltmp0:
0x48: {  	[sflag:s17] =	ssyncset.done $0x0;
	(pc) =	sbr.rel @p0 .LBB2_2-.Ltmp0, $4  }
0x49: {  	[sflag:s17] =	ssyncadd.s32 $0xFFFFC000  }
0x4a: {  	[hbm4b:s21+s2] =	stream.linear.scatter [tilespmem:s14], [sflag:$0x3], $0x8000, $0x38;
	[tilespmem:$0x18000] =	vst v63  }
0x4b: {  	s22 =	sadd.s32 $0x2000, s22;
	s21 =	sadd.s32 $0x2000, s21;
	_ =	swait.ge [sflag:s10], $0x8000  }
0x4c: {  	s24 =	smov.u32 s28;
	s23 =	sshra.s32 s26, $0x2;
	[sflag:s10] =	ssyncset.done $0x0  }
0x4d: {  	s24 =	sadd.s32 $0x100, s23;
	[sflag:s10] =	ssyncadd.s32 $0xFFFF8000  }
0x4e: {  	[tilespmem:s14], [sflag:$0x2] =	stream.indirect.gather [hbm4b:s3+s11], $0x80, s24, s11, $0xb8;
	[tilespmem:$0x18000] =	vst v63  }
0x4f: {  	s29 =	sadd.s32 $0x180, s23  }
0x50: {  	[tilespmem:s15], [sflag:$0x2] =	stream.indirect.gather [hbm4b:s3+s11], $0x80, s29, s11, $0xb8;
	[tilespmem:$0x18000] =	vst v63  }
0x51: {  	_ =	swait.ge [sflag:s16], $0x4000  }
0x52: {  	[sflag:s16] =	ssyncset.done $0x0  }
0x53: {  	[sflag:s16] =	ssyncadd.s32 $0xFFFFC000  }
0x54: {  	_ =	swait.ge [sflag:s16], $0x4000  }
0x55: {  	[sflag:s16] =	ssyncset.done $0x0  }
0x56: {  	[sflag:s16] =	ssyncadd.s32 $0xFFFFC000  }
0x57: {  	[hbm4b:s22+s2] =	stream.linear.scatter [tilespmem:s12], [sflag:$0x3], $0x8000, $0x38;
	[tilespmem:$0x18000] =	vst v63  }
0x58: {  	_ =	swait.ge [sflag:s10], $0x8000  }
0x59: {  	[sflag:s10] =	ssyncset.done $0x0  }
0x5a: {  	s30 =	sadd.s32 $0x200, s23;
	[sflag:s10] =	ssyncadd.s32 $0xFFFF8000  }
0x5b: {  	[tilespmem:s12], [sflag:$0x1] =	stream.indirect.gather [hbm4b:s3+s11], $0x80, s30, s11, $0xb8;
	[tilespmem:$0x18000] =	vst v63  }
0x5c: {  	s31 =	sadd.s32 $0x280, s23  }
0x5d: {  	[tilespmem:s13], [sflag:$0x1] =	stream.indirect.gather [hbm4b:s3+s11], $0x80, s31, s11, $0xb8;
	[tilespmem:$0x18000] =	vst v63  }
0x5e: {  	_ =	swait.ge [sflag:s17], $0x4000  }
0x5f: {  	[sflag:s17] =	ssyncset.done $0x0  }
0x60: {  	[sflag:s17] =	ssyncadd.s32 $0xFFFFC000  }
0x61: {  	_ =	swait.ge [sflag:s17], $0x4000  }
0x62: {  	[sflag:s17] =	ssyncset.done $0x0  }
0x63: {  	[sflag:s17] =	ssyncadd.s32 $0xFFFFC000  }
0x64: {  	[hbm4b:s21+s2] =	stream.linear.scatter [tilespmem:s14], [sflag:$0x3], $0x8000, $0x38;
	[tilespmem:$0x18000] =	vst v63  }
0x65: {  	_ =	swait.ge [sflag:s10], $0x8000  }
0x66: {  	[sflag:s10] =	ssyncset.done $0x0  }
0x67: {  	[sflag:s10] =	ssyncadd.s32 $0xFFFF8000  }
0x68: {  	[tilespmem:s14], [sflag:$0x2] =	stream.indirect.gather [hbm4b:s3+s11], $0x80, s18, s11, $0xb8;
	[tilespmem:$0x18000] =	vst v63  }
0x69: {  	_ = 	snop  }
0x6a: {  	[tilespmem:s15], [sflag:$0x2] =	stream.indirect.gather [hbm4b:s3+s11], $0x80, s19, s11, $0xb8;
	[tilespmem:$0x18000] =	vst v63  }
0x6b: {  	_ =	swait.ge [sflag:s16], $0x4000  }
0x6c: {  	[sflag:s16] =	ssyncset.done $0x0  }
0x6d: {  	[sflag:s16] =	ssyncadd.s32 $0xFFFFC000  }
0x6e: {  	_ =	swait.ge [sflag:s16], $0x4000  }
0x6f: {  	[sflag:s16] =	ssyncset.done $0x0  }
0x70: {  	[sflag:s16] =	ssyncadd.s32 $0xFFFFC000  }
0x71: {  	[hbm4b:s6+s2] =	stream.linear.scatter [tilespmem:s12], [sflag:$0x3], $0x8000, $0x38;
	[tilespmem:$0x18000] =	vst v63  }
0x72: {  	_ =	swait.ge [sflag:s10], $0x8000  }
0x73: {  	[sflag:s10] =	ssyncset.done $0x0  }
0x74: {  	[sflag:s10] =	ssyncadd.s32 $0xFFFF8000  }
0x75: {  	_ =	swait.ge [sflag:s17], $0x4000  }
0x76: {  	[sflag:s17] =	ssyncset.done $0x0  }
0x77: {  	[sflag:s17] =	ssyncadd.s32 $0xFFFFC000  }
0x78: {  	s20 =	sadd.s32 $0x1, s20;
	_ =	swait.ge [sflag:s17], $0x4000  }
0x79: {  	p0 =	sne.s32 s20, s5;
	[sflag:s17] =	ssyncset.done $0x0  }
.Ltmp1:
0x7a: {  	[sflag:s17] =	ssyncadd.s32 $0xFFFFC000;
	(pc) =	sbr.rel @p0 .LBB2_1-.Ltmp1, $4  }
0x7b: {  	[hbm4b:s7+s2] =	stream.linear.scatter [tilespmem:s14], [sflag:$0x3], $0x8000, $0x38;
	[tilespmem:$0x18000] =	vst v63  }
0x7c: {  	_ =	swait.ge [sflag:s10], $0x8000  }
0x7d: {  	[sflag:s10] =	ssyncset.done $0x0  }
0x7e: {  	[sflag:s10] =	ssyncadd.s32 $0xFFFF8000  }
0x7f: {  	_ =	sfence.sel $0x180000  }
0x80: {  	[bflag:$0x0] =	sbarrier.arrive $0xFFFF  }
0x81: {  	p0 =	sne.s32 s1, $0x0;
	_ =	strace $0x9000004D  }
0x82: {  	s0 =	sadd.s32 @!p0 $0x100000, s0;
	[bflag:$0x2] =	sbarrier.arrive $0xFFFF  }
0x83: {  	[sflag:s0] =	ssyncadd.tile.s32 @!p0 $0x1;
	_ =	shalt  }
.Lfunc_end2:
_tile_overlayer_lowered:
.L_overlay_start_2:
0x84: {  	(tag) =	ssettag $0x2  }
0x85: {  	s0 =	rddreg [dreg:$0x0];
	s2 =	stileid.u32  }
0x86: {  	s1 =	rddreg [dreg:$0x1];
	p0 =	sne.s32 s2, $0x0  }
0x87: {  	s3 =	rddreg [dreg:$0x2];
	[bflag:$0x3] =	sbarrier.arrive $0xFFFF;
	s2 =	simm.s32 @!p0 $0x1C03  }
0x88: {  	[timem:s3], [sflag:s2] =	dma.local @!p0 [hbm:s0], s1  }
0x89: {  	s0 =	simm.s32 @!p0 $0x3  }
0x8a: {  	_ =	swait.ge @!p0 [sflag:s0], s1  }
0x8b: {  	s1 =	ssub.s32 @!p0 $0x0, s1;
	[sflag:s0] =	ssyncset.done @!p0 $0x0  }
0x8c: {  	[sflag:s0] =	ssyncadd.s32 @!p0 s1  }
0x8d: {  	[bflag:$0x3] =	sbarrier.arrive $0xFFFF  }
0x8e: {  	_ =	shalt  }

</sc_bundles>
